<compile_context>
chip_gen: v7x
topology: tpu7x:2x2x1
jax: 0.10.2.dev20260603
libtpu: 0.0.44.dev20260713+nightly
codegen_flags: <defaults>
</compile_context>

<pallas_src>
import functools

import jax
import jax.numpy as jnp
from jax import lax
from jax.experimental import pallas as pl
from jax.experimental.pallas import tpu as pltpu
from jax.experimental.pallas import tpu_sc as plsc

NEG_INF = float("-inf")
BIG_I32 = 2**30


def _score_kernel(k_ref, query_ref, wq_ref, bq_ref, mem_ref, imp_ref, ts_ref,
                  sc_ref, bases_ref, qn_ref, gm_ref,
                  *, nb, mb, m_real, k_sel, groups_pb, chunkw):
    i = pl.program_id(0)
    q_cnt = query_ref.shape[0]

    @pl.when(i == 0)
    def _init_qn():
        q = lax.dot_general(query_ref[...].astype(jnp.bfloat16),
                            wq_ref[...].astype(jnp.bfloat16),
                            (((1,), (1,)), ((), ())),
                            preferred_element_type=jnp.float32)
        q = q + bq_ref[...]
        nrm = jnp.sqrt(jnp.sum(q * q, axis=-1, keepdims=True))
        qn_ref[...] = (q / jnp.maximum(nrm, 1e-8)).astype(jnp.bfloat16)

    @pl.when(i < nb)
    def _block():
        m = mem_ref[...]
        ones = jnp.ones((1, m.shape[1]), jnp.float32)
        nrm2 = lax.dot_general(ones, m * m, (((1,), (1,)), ((), ())),
                               preferred_element_type=jnp.float32,
                               precision=lax.Precision.HIGHEST)
        inv = 1.0 / jnp.maximum(jnp.sqrt(nrm2), 1e-8)
        inv_col = jnp.transpose(inv, (1, 0))
        mnb = (m * inv_col).astype(jnp.bfloat16)
        s_un = lax.dot_general(qn_ref[...], mnb, (((1,), (1,)), ((), ())),
                               preferred_element_type=jnp.float32)
        w = 0.5 + 0.5 * imp_ref[...]
        rec = (ts_ref[...] + 1.0) / (m_real + 1.0)
        s = (0.7 * s_un + 0.3 * rec) * w
        cols = i * mb + lax.broadcasted_iota(jnp.int32, s.shape, 1)
        s = jnp.where(cols < m_real, s, NEG_INF)
        sc_ref[...] = s
        parts = [jnp.max(s[:, c * 128:(c + 1) * 128], axis=-1, keepdims=True)
                 for c in range(groups_pb)]
        parts += [jnp.full((q_cnt, 1), NEG_INF, jnp.float32)] * (chunkw - groups_pb)
        gm_ref[:, pl.ds(pl.multiple_of(i * chunkw, 128), chunkw)] = (
            jnp.concatenate(parts, axis=1))

    @pl.when(i == nb)
    def _epilogue():
        gm = gm_ref[...]
        ng = gm.shape[1]
        giota = lax.broadcasted_iota(jnp.int32, (q_cnt, ng), 1)
        gsel_parts = []
        g = gm
        for _ in range(k_sel):
            mx = jnp.max(g, axis=-1, keepdims=True)
            ag = jnp.min(jnp.where(g == mx, giota, BIG_I32), axis=-1,
                         keepdims=True)
            gsel_parts.append(ag)
            g = jnp.where(giota == ag, NEG_INF, g)
        gsel = jnp.concatenate(gsel_parts, axis=1)
        r = (gsel // chunkw) * groups_pb + (gsel % chunkw)
        bases = r * 128
        pad = 128 - k_sel
        bases_ref[...] = jnp.concatenate(
            [bases, jnp.zeros((q_cnt, pad), jnp.int32)], axis=1)


def _extract_kernel(bflat_ref, sc_hbm_ref, bases_ref, k_ref,
                    vals_ref, idx_ref, cand_ref, sem, *, k_sel, q_cnt):
    def cp(qq, jj):
        b = pl.multiple_of(bflat_ref[qq * k_sel + jj], 128)
        return pltpu.make_async_copy(
            sc_hbm_ref.at[qq:qq + 1, pl.ds(b, 128)],
            cand_ref.at[qq:qq + 1, pl.ds(pl.multiple_of(jj * 128, 128), 128)],
            sem)

    for qq in range(q_cnt):
        def issue(jj, _, qq=qq):
            cp(qq, jj).start()
            return 0
        lax.fori_loop(0, k_sel, issue, 0)

    for qq in range(q_cnt):
        def drain(jj, _, qq=qq):
            cp(qq, jj).wait()
            return 0
        lax.fori_loop(0, k_sel, drain, 0)

    cand = cand_ref[...]
    nlan = k_sel * 128
    l2 = lax.broadcasted_iota(jnp.int32, (q_cnt, nlan), 1)
    jl = l2 >> 7
    bases_v = bases_ref[...]
    bsel = jnp.zeros((q_cnt, nlan), jnp.int32)
    for j in range(k_sel):
        bsel = bsel + jnp.where(jl == j, bases_v[:, j:j + 1], 0)
    cidx = bsel + (l2 & 127)

    v_parts, i_parts = [], []
    c = cand
    for _ in range(k_sel):
        mx = jnp.max(c, axis=-1, keepdims=True)
        sel = jnp.min(jnp.where(c == mx, cidx, BIG_I32), axis=-1,
                      keepdims=True)
        v_parts.append(mx)
        i_parts.append(sel)
        c = jnp.where(cidx == sel, NEG_INF, c)
    vals16 = jnp.concatenate(v_parts, axis=1)
    idx16 = jnp.concatenate(i_parts, axis=1) + (k_ref[0] - k_sel)
    pad = 128 - k_sel
    vals_ref[...] = jnp.concatenate(
        [vals16, jnp.zeros((q_cnt, pad), jnp.float32)], axis=1)
    idx_ref[...] = jnp.concatenate(
        [idx16, jnp.zeros((q_cnt, pad), jnp.int32)], axis=1)


def _make_sc_gather(n_rows, d, dtype):
    info = plsc.get_sparse_core_info()
    nw = info.num_cores * info.num_subcores
    b_per_w = n_rows // nw
    mesh = plsc.VectorSubcoreMesh(core_axis_name="c", subcore_axis_name="s")

    @functools.partial(
        pl.kernel, mesh=mesh,
        out_type=jax.ShapeDtypeStruct((n_rows, d), dtype),
        scratch_types=[
            pltpu.VMEM((b_per_w,), jnp.int32),
            pltpu.VMEM((b_per_w, d), dtype),
            pltpu.SemaphoreType.DMA,
        ],
    )
    def sc_gather(table_hbm, idx_hbm, out_hbm, idx_v, rows_v, sem):
        wid = lax.axis_index("s") * info.num_cores + lax.axis_index("c")
        base = wid * b_per_w
        pltpu.sync_copy(idx_hbm.at[pl.ds(base, b_per_w)], idx_v)
        pltpu.async_copy(table_hbm.at[idx_v], rows_v, sem).wait()
        pltpu.sync_copy(rows_v, out_hbm.at[pl.ds(base, b_per_w)])

    return sc_gather


def kernel(query, memory_contents, importances, W_q, b_q, timestamps, k):
    m_real, d = memory_contents.shape
    q_cnt = query.shape[0]
    k_sel = 16
    nb = 8
    groups_pb = 100
    chunkw = 128
    mb = groups_pb * 128
    mp = nb * mb

    imp_p = importances.reshape(1, m_real)
    ts_p = timestamps.astype(jnp.float32).reshape(1, m_real)
    karr = jnp.asarray(k, jnp.int32).reshape(1)

    body = functools.partial(_score_kernel, nb=nb, mb=mb, m_real=m_real,
                             k_sel=k_sel, groups_pb=groups_pb, chunkw=chunkw)
    sc, bases_p = pl.pallas_call(
        body,
        grid=(nb + 1,),
        in_specs=[
            pl.BlockSpec(memory_space=pltpu.MemorySpace.SMEM),
            pl.BlockSpec((q_cnt, d), lambda i: (0, 0)),
            pl.BlockSpec((d, d), lambda i: (0, 0)),
            pl.BlockSpec((1, d), lambda i: (0, 0)),
            pl.BlockSpec((mb, d), lambda i: (jnp.minimum(i, nb - 1), 0)),
            pl.BlockSpec((1, mb), lambda i: (0, jnp.minimum(i, nb - 1))),
            pl.BlockSpec((1, mb), lambda i: (0, jnp.minimum(i, nb - 1))),
        ],
        out_specs=[
            pl.BlockSpec((q_cnt, mb), lambda i: (0, jnp.minimum(i, nb - 1))),
            pl.BlockSpec((q_cnt, 128), lambda i: (0, 0)),
        ],
        out_shape=[
            jax.ShapeDtypeStruct((q_cnt, mp), jnp.float32),
            jax.ShapeDtypeStruct((q_cnt, 128), jnp.int32),
        ],
        scratch_shapes=[
            pltpu.VMEM((q_cnt, d), jnp.bfloat16),
            pltpu.VMEM((q_cnt, nb * chunkw), jnp.float32),
        ],
        compiler_params=pltpu.CompilerParams(
            dimension_semantics=("arbitrary",)),
    )(karr, query, W_q, b_q.reshape(1, d), memory_contents, imp_p, ts_p)

    bases_flat = bases_p[:, :k_sel].reshape(q_cnt * k_sel)
    ebody = functools.partial(_extract_kernel, k_sel=k_sel, q_cnt=q_cnt)
    vals_p, idx_p = pl.pallas_call(
        ebody,
        grid_spec=pltpu.PrefetchScalarGridSpec(
            num_scalar_prefetch=1,
            grid=(1,),
            in_specs=[
                pl.BlockSpec(memory_space=pltpu.MemorySpace.HBM),
                pl.BlockSpec((q_cnt, 128), lambda i, b: (0, 0)),
                pl.BlockSpec(memory_space=pltpu.MemorySpace.SMEM),
            ],
            out_specs=[
                pl.BlockSpec((q_cnt, 128), lambda i, b: (0, 0)),
                pl.BlockSpec((q_cnt, 128), lambda i, b: (0, 0)),
            ],
            scratch_shapes=[
                pltpu.VMEM((q_cnt, k_sel * 128), jnp.float32),
                pltpu.SemaphoreType.DMA,
            ],
        ),
        out_shape=[
            jax.ShapeDtypeStruct((q_cnt, 128), jnp.float32),
            jax.ShapeDtypeStruct((q_cnt, 128), jnp.int32),
        ],
    )(bases_flat, sc, bases_p, karr)

    vals = vals_p[:, :k_sel]
    idx = idx_p[:, :k_sel]

    rows = jnp.clip(idx, 0, m_real - 1).reshape(q_cnt * k_sel)
    n_rows = q_cnt * k_sel
    retrieved_flat = _make_sc_gather(n_rows, d, jnp.float32)(
        memory_contents, rows)
    retrieved = retrieved_flat.reshape(q_cnt, k_sel, d)
    return (vals, idx, retrieved)

# --- scband reference (transcript-rebuilt; emitter-appended) ---
"""Pipeline reference for scband-episodic-memory-55027120996865 (READ-ONLY COPY).

The authoritative reference and input builder live on the scoring server;
editing this copy changes nothing except your own understanding.
"""

import jax, jax.numpy as jnp
import numpy as np


def setup_inputs(seed: int = 0) -> dict:
    key = jax.random.key(seed)
    ks = jax.random.split(key, 6)
    Q, M, D = 32, 100000, 128
    query = jax.random.normal(ks[0], (Q, D), dtype=jnp.float32)
    memory_contents = jax.random.normal(ks[1], (M, D), dtype=jnp.float32)
    importances = jax.random.uniform(ks[2], (M,), dtype=jnp.float32)
    timestamps = jnp.arange(M, dtype=jnp.int32)
    W_q = jax.random.normal(ks[3], (D, D), dtype=jnp.float32) * 0.05
    b_q = jnp.zeros((D,), dtype=jnp.float32)
    return {
        "query": query,
        "memory_contents": memory_contents,
        "importances": importances,
        "W_q": W_q,
        "b_q": b_q,
        "timestamps": timestamps,
        "k": 16,
    }


def reference(query, memory_contents, importances, W_q, b_q, timestamps, k):
    # Batched version of EpisodicMemory.retrieve
    recency_weight = 0.3
    # query_net (nn.Linear)
    q = query @ W_q.T + b_q
    # F.cosine_similarity between each query and each stored memory
    qn = q / jnp.maximum(jnp.linalg.norm(q, axis=-1, keepdims=True), 1e-8)
    mn = memory_contents / jnp.maximum(
        jnp.linalg.norm(memory_contents, axis=-1, keepdims=True), 1e-8
    )
    sim = qn @ mn.T  # [Q, M]
    current_time = memory_contents.shape[0]
    recency = (timestamps.astype(jnp.float32) + 1.0) / (current_time + 1.0)
    score = (1.0 - recency_weight) * sim + recency_weight * recency[None, :]
    score = score * (0.5 + 0.5 * importances[None, :])
    k_static = 16
    vals, idx = jax.lax.top_k(score, k_static)  # [Q, k]
    idx = idx + (jnp.asarray(k, dtype=idx.dtype) - k_static)
    retrieved = jnp.take(memory_contents, idx, axis=0)  # [Q, k, D]
    return (vals, idx, retrieved)

if __name__ == "__main__":
    import jax
    _d = setup_inputs()
    print(jax.jit(kernel)(*tuple(_d.values())))

</pallas_src>

<mosaic_0001>
#map = affine_map<(d0, d1) -> (0, 0)>
#map1 = affine_map<(d0, d1) -> (0)>
module attributes {stable_mosaic.version = 14 : i64} {
  func.func @sc_gather(%arg0: i32, %arg1: i32, %arg2: memref<100000x128xf32, #tpu.memory_space<hbm>>, %arg3: memref<512xi32, #tpu.memory_space<hbm>>, %arg4: memref<512x128xf32, #tpu.memory_space<hbm>>, %arg5: memref<16xi32, #tpu.memory_space<vmem>>, %arg6: memref<16x128xf32, #tpu.memory_space<vmem>>, %arg7: memref<!tpu.dma_semaphore, #tpu.memory_space<semaphore_mem>>) attributes {dimension_semantics = [#tpu.dimension_semantics<core_parallel>, #tpu.dimension_semantics<subcore_parallel>], iteration_bounds = array<i64: 2, 16>, scalar_prefetch = 0 : i64, scratch_operands = 3 : i64, tpu.core_type = #tpu.core_type<sc_vector_subcore>, window_params = [{transform_indices = #map}, {transform_indices = #map1}, {transform_indices = #map}]} {
    %mul3A = arith.constant 2 : i32
    %mul3A_0 = arith.muli %arg1, %mul3A : i32
    %add3A = arith.addi %mul3A_0, %arg0 : i32
    %mul3A_1 = arith.constant 16 : i32
    %mul3A_2 = arith.muli %add3A, %mul3A_1 : i32
    "tpu.region"() ({
      %run_scoped3A = tpu.sem_alloc : memref<!tpu.dma_semaphore, #tpu.memory_space<semaphore_mem>>
      %dma_start3A_7 = tpu.memref_slice %arg3[%mul3A_2] : memref<512xi32, #tpu.memory_space<hbm>> -> memref<16xi32, #tpu.memory_space<hbm>>
      %dma_start3A_8 = tpu.memref_slice %arg3[%mul3A_2] : memref<512xi32, #tpu.memory_space<hbm>> -> memref<16xi32, #tpu.memory_space<hbm>>
      tpu.enqueue_dma source(%dma_start3A_8 : memref<16xi32, #tpu.memory_space<hbm>>) target(%arg5 : memref<16xi32, #tpu.memory_space<vmem>>) target_semaphore(%run_scoped3A : memref<!tpu.dma_semaphore, #tpu.memory_space<semaphore_mem>>)
      %dma_wait3A_9 = tpu.memref_slice %arg3[%mul3A_2] : memref<512xi32, #tpu.memory_space<hbm>> -> memref<16xi32, #tpu.memory_space<hbm>>
      %dma_wait3A_10 = tpu.memref_slice %arg3[%mul3A_2] : memref<512xi32, #tpu.memory_space<hbm>> -> memref<16xi32, #tpu.memory_space<hbm>>
      tpu.wait_dma2 semaphore(%run_scoped3A : memref<!tpu.dma_semaphore, #tpu.memory_space<semaphore_mem>>) src(%dma_wait3A_10 : memref<16xi32, #tpu.memory_space<hbm>>) dst(%arg5 : memref<16xi32, #tpu.memory_space<vmem>>)
      tpu.yield
    }) : () -> ()
    %dma_start3A = arith.constant 0 : i32
    %dma_start3A_3 = arith.constant 0 : i32
    %dma_start3A_4 = tpu.memref_slice %arg2[%dma_start3A, %dma_start3A_3] : memref<100000x128xf32, #tpu.memory_space<hbm>> -> memref<100000x128xf32, #tpu.memory_space<hbm>>
    tpu.enqueue_indirect_dma source(%dma_start3A_4 : memref<100000x128xf32, #tpu.memory_space<hbm>>) target(%arg6 : memref<16x128xf32, #tpu.memory_space<vmem>>) offsets(%arg5 : memref<16xi32, #tpu.memory_space<vmem>>) semaphore(%arg7 : memref<!tpu.dma_semaphore, #tpu.memory_space<semaphore_mem>>)
    %dma_wait3A = arith.constant 0 : i32
    %dma_wait3A_5 = arith.constant 0 : i32
    %dma_wait3A_6 = tpu.memref_slice %arg2[%dma_wait3A, %dma_wait3A_5] : memref<100000x128xf32, #tpu.memory_space<hbm>> -> memref<100000x128xf32, #tpu.memory_space<hbm>>
    tpu.wait_indirect_dma semaphore(%arg7 : memref<!tpu.dma_semaphore, #tpu.memory_space<semaphore_mem>>) src(%dma_wait3A_6 : memref<100000x128xf32, #tpu.memory_space<hbm>>) dst(%arg6 : memref<16x128xf32, #tpu.memory_space<vmem>>)
    "tpu.region"() ({
      %run_scoped3A = tpu.sem_alloc : memref<!tpu.dma_semaphore, #tpu.memory_space<semaphore_mem>>
      %dma_start3A_7 = arith.constant 0 : i32
      %dma_start3A_8 = tpu.memref_slice %arg4[%mul3A_2, %dma_start3A_7] : memref<512x128xf32, #tpu.memory_space<hbm>> -> memref<16x128xf32, #tpu.memory_space<hbm>>
      %dma_start3A_9 = arith.constant 0 : i32
      %dma_start3A_10 = tpu.memref_slice %arg4[%mul3A_2, %dma_start3A_9] : memref<512x128xf32, #tpu.memory_space<hbm>> -> memref<16x128xf32, #tpu.memory_space<hbm>>
      tpu.enqueue_dma source(%arg6 : memref<16x128xf32, #tpu.memory_space<vmem>>) target(%dma_start3A_10 : memref<16x128xf32, #tpu.memory_space<hbm>>) target_semaphore(%run_scoped3A : memref<!tpu.dma_semaphore, #tpu.memory_space<semaphore_mem>>)
      %dma_wait3A_11 = arith.constant 0 : i32
      %dma_wait3A_12 = tpu.memref_slice %arg4[%mul3A_2, %dma_wait3A_11] : memref<512x128xf32, #tpu.memory_space<hbm>> -> memref<16x128xf32, #tpu.memory_space<hbm>>
      %dma_wait3A_13 = arith.constant 0 : i32
      %dma_wait3A_14 = tpu.memref_slice %arg4[%mul3A_2, %dma_wait3A_13] : memref<512x128xf32, #tpu.memory_space<hbm>> -> memref<16x128xf32, #tpu.memory_space<hbm>>
      tpu.wait_dma2 semaphore(%run_scoped3A : memref<!tpu.dma_semaphore, #tpu.memory_space<semaphore_mem>>) src(%arg6 : memref<16x128xf32, #tpu.memory_space<vmem>>) dst(%dma_wait3A_14 : memref<16x128xf32, #tpu.memory_space<hbm>>)
      tpu.yield
    }) : () -> ()
    return
  }
}

module attributes {stable_mosaic.version = 14 : i64} {
  func.func @_score_kernel(%arg0: i32, %arg1: memref<1xi32, #tpu.memory_space<smem>>, %arg2: memref<32x128xf32, #tpu.memory_space<vmem>>, %arg3: memref<128x128xf32, #tpu.memory_space<vmem>>, %arg4: memref<1x128xf32, #tpu.memory_space<vmem>>, %arg5: memref<12800x128xf32, #tpu.memory_space<vmem>>, %arg6: memref<1x12800xf32, #tpu.memory_space<vmem>>, %arg7: memref<1x12800xf32, #tpu.memory_space<vmem>>, %arg8: memref<32x12800xf32, #tpu.memory_space<vmem>>, %arg9: memref<32x128xi32, #tpu.memory_space<vmem>>, %arg10: memref<32x128xbf16, #tpu.memory_space<vmem>>, %arg11: memref<32x1024xf32, #tpu.memory_space<vmem>>) attributes {dimension_semantics = [#tpu.dimension_semantics<arbitrary>], iteration_bounds = array<i64: 9>, scalar_prefetch = 0 : i64, scratch_operands = 2 : i64, tpu.core_type = #tpu.core_type<tc>, window_params = [{transform_indices = @transform_0, window_bounds = array<i64: 1>}, {pipeline_mode = #tpu.pipeline_mode<synchronous>, transform_indices = @transform_1, window_bounds = array<i64: 32, 128>}, {pipeline_mode = #tpu.pipeline_mode<synchronous>, transform_indices = @transform_2, window_bounds = array<i64: 128, 128>}, {pipeline_mode = #tpu.pipeline_mode<synchronous>, transform_indices = @transform_3, window_bounds = array<i64: 1, 128>}, {transform_indices = @transform_4, window_bounds = array<i64: 12800, 128>}, {transform_indices = @transform_5, window_bounds = array<i64: 1, 12800>}, {transform_indices = @transform_6, window_bounds = array<i64: 1, 12800>}, {transform_indices = @transform_7, window_bounds = array<i64: 32, 12800>}, {pipeline_mode = #tpu.pipeline_mode<synchronous>, transform_indices = @transform_8, window_bounds = array<i64: 32, 128>}]} {
    %eq3A = arith.constant 0 : i32
    %eq3A_0 = arith.cmpi eq, %arg0, %eq3A : i32
    %convert_element_type3A = arith.extui %eq3A_0 : i1 to i32
    %cond3A = arith.constant 0 : i32
    %cond3A_1 = arith.cmpi ne, %convert_element_type3A, %cond3A : i32
    scf.if %cond3A_1 {
      %get3A = arith.constant 0 : index
      %get3A_11 = arith.constant 0 : index
      %get3A_12 = vector.load %arg2[%get3A, %get3A_11] : memref<32x128xf32, #tpu.memory_space<vmem>>, vector<32x128xf32>
      %convert_element_type3A_13 = arith.truncf %get3A_12 : vector<32x128xf32> to vector<32x128xbf16>
      %get3A_14 = arith.constant 0 : index
      %get3A_15 = arith.constant 0 : index
      %get3A_16 = vector.load %arg3[%get3A_14, %get3A_15] : memref<128x128xf32, #tpu.memory_space<vmem>>, vector<128x128xf32>
      %convert_element_type3A_17 = arith.truncf %get3A_16 : vector<128x128xf32> to vector<128x128xbf16>
      %dot_general3A = arith.constant dense<0.000000e+00> : vector<32x128xf32>
      %dot_general3A_18 = tpu.matmul %convert_element_type3A_13, %convert_element_type3A_17, %dot_general3A {dimension_numbers = #tpu.dot_dimension_numbers<[1], [1], [0], [0], [0, 0, 1, 0], [], []>, transpose_lhs_hint = false} : vector<32x128xbf16>, vector<128x128xbf16>, vector<32x128xf32> -> vector<32x128xf32>
      %get3A_19 = arith.constant 0 : index
      %get3A_20 = arith.constant 0 : index
      %get3A_21 = vector.load %arg4[%get3A_19, %get3A_20] : memref<1x128xf32, #tpu.memory_space<vmem>>, vector<1x128xf32>
      %add3A = vector.broadcast %get3A_21 : vector<1x128xf32> to vector<32x128xf32>
      %add3A_22 = arith.addf %dot_general3A_18, %add3A : vector<32x128xf32>
      %mul3A = arith.mulf %add3A_22, %add3A_22 : vector<32x128xf32>
      %reduce_sum3A = arith.constant dense<0.000000e+00> : vector<32xf32>
      %reduce_sum3A_23 = vector.multi_reduction <add>, %mul3A, %reduce_sum3A [1] : vector<32x128xf32> to vector<32xf32>
      %broadcast_in_dim3A = vector.shape_cast %reduce_sum3A_23 : vector<32xf32> to vector<32x1xf32>
      %sqrt3A = math.sqrt %broadcast_in_dim3A : vector<32x1xf32>
      %max3A = arith.constant 9.99999993E-9 : f32
      %max3A_24 = vector.broadcast %max3A : f32 to vector<32x1xf32>
      %max3A_25 = arith.maximumf %sqrt3A, %max3A_24 : vector<32x1xf32>
      %div3A = vector.broadcast %max3A_25 : vector<32x1xf32> to vector<32x128xf32>
      %div3A_26 = arith.divf %add3A_22, %div3A : vector<32x128xf32>
      %convert_element_type3A_27 = arith.truncf %div3A_26 : vector<32x128xf32> to vector<32x128xbf16>
      %swap3A = arith.constant 0 : index
      %swap3A_28 = arith.constant 0 : index
      %swap3A_29 = vector.load %arg10[%swap3A, %swap3A_28] : memref<32x128xbf16, #tpu.memory_space<vmem>>, vector<32x128xbf16>
      tpu.vector_store %arg10[%swap3A, %swap3A_28], %convert_element_type3A_27 {strides = array<i32>} : memref<32x128xbf16, #tpu.memory_space<vmem>>, vector<32x128xbf16>,
    } else {
    }
    %lt3A = arith.constant 8 : i32
    %lt3A_2 = arith.cmpi slt, %arg0, %lt3A : i32
    %convert_element_type3A_3 = arith.extui %lt3A_2 : i1 to i32
    %cond3A_4 = arith.constant 0 : i32
    %cond3A_5 = arith.cmpi ne, %convert_element_type3A_3, %cond3A_4 : i32
    scf.if %cond3A_5 {
      %get3A = arith.constant 0 : index
      %get3A_11 = arith.constant 0 : index
      %get3A_12 = vector.load %arg5[%get3A, %get3A_11] : memref<12800x128xf32, #tpu.memory_space<vmem>>, vector<12800x128xf32>
      %broadcast_in_dim3A = arith.constant 1.000000e+00 : f32
      %broadcast_in_dim3A_13 = vector.broadcast %broadcast_in_dim3A : f32 to vector<1x128xf32>
      %mul3A = arith.mulf %get3A_12, %get3A_12 : vector<12800x128xf32>
      %dot_general3A = arith.constant dense<0.000000e+00> : vector<1x12800xf32>
      %dot_general3A_14 = tpu.matmul %broadcast_in_dim3A_13, %mul3A, %dot_general3A {dimension_numbers = #tpu.dot_dimension_numbers<[1], [1], [0], [0], [0, 0, 1, 0], [], []>, precision = #tpu.contract_precision<fp32>, transpose_lhs_hint = false} : vector<1x128xf32>, vector<12800x128xf32>, vector<1x12800xf32> -> vector<1x12800xf32>
      %sqrt3A = math.sqrt %dot_general3A_14 : vector<1x12800xf32>
      %max3A = arith.constant 9.99999993E-9 : f32
      %max3A_15 = vector.broadcast %max3A : f32 to vector<1x12800xf32>
      %max3A_16 = arith.maximumf %sqrt3A, %max3A_15 : vector<1x12800xf32>
      %div3A = arith.constant 1.000000e+00 : f32
      %div3A_17 = vector.broadcast %div3A : f32 to vector<1x12800xf32>
      %div3A_18 = arith.divf %div3A_17, %max3A_16 : vector<1x12800xf32>
      %transpose3A = tpu.transpose %div3A_18, [1, 0] : vector<1x12800xf32> -> vector<12800x1xf32>
      %mul3A_19 = vector.broadcast %transpose3A : vector<12800x1xf32> to vector<12800x128xf32>
      %mul3A_20 = arith.mulf %get3A_12, %mul3A_19 : vector<12800x128xf32>
      %convert_element_type3A_21 = arith.truncf %mul3A_20 : vector<12800x128xf32> to vector<12800x128xbf16>
      %get3A_22 = arith.constant 0 : index
      %get3A_23 = arith.constant 0 : index
      %get3A_24 = vector.load %arg10[%get3A_22, %get3A_23] : memref<32x128xbf16, #tpu.memory_space<vmem>>, vector<32x128xbf16>
      %dot_general3A_25 = arith.constant dense<0.000000e+00> : vector<32x12800xf32>
      %dot_general3A_26 = tpu.matmul %get3A_24, %convert_element_type3A_21, %dot_general3A_25 {dimension_numbers = #tpu.dot_dimension_numbers<[1], [1], [0], [0], [0, 0, 1, 0], [], []>, transpose_lhs_hint = false} : vector<32x128xbf16>, vector<12800x128xbf16>, vector<32x12800xf32> -> vector<32x12800xf32>
      %get3A_27 = arith.constant 0 : index
      %get3A_28 = arith.constant 0 : index
      %get3A_29 = vector.load %arg6[%get3A_27, %get3A_28] : memref<1x12800xf32, #tpu.memory_space<vmem>>, vector<1x12800xf32>
      %mul3A_30 = arith.constant 5.000000e-01 : f32
      %mul3A_31 = vector.broadcast %mul3A_30 : f32 to vector<1x12800xf32>
      %mul3A_32 = arith.mulf %mul3A_31, %get3A_29 : vector<1x12800xf32>
      %add3A = arith.constant 5.000000e-01 : f32
      %add3A_33 = vector.broadcast %add3A : f32 to vector<1x12800xf32>
      %add3A_34 = arith.addf %add3A_33, %mul3A_32 : vector<1x12800xf32>
      %get3A_35 = arith.constant 0 : index
      %get3A_36 = arith.constant 0 : index
      %get3A_37 = vector.load %arg7[%get3A_35, %get3A_36] : memref<1x12800xf32, #tpu.memory_space<vmem>>, vector<1x12800xf32>
      %add3A_38 = arith.constant 1.000000e+00 : f32
      %add3A_39 = vector.broadcast %add3A_38 : f32 to vector<1x12800xf32>
      %add3A_40 = arith.addf %get3A_37, %add3A_39 : vector<1x12800xf32>
      %div3A_41 = arith.constant 1.000010e+05 : f32
      %div3A_42 = vector.broadcast %div3A_41 : f32 to vector<1x12800xf32>
      %div3A_43 = arith.divf %add3A_40, %div3A_42 : vector<1x12800xf32>
      %mul3A_44 = arith.constant 0.699999988 : f32
      %mul3A_45 = vector.broadcast %mul3A_44 : f32 to vector<32x12800xf32>
      %mul3A_46 = arith.mulf %mul3A_45, %dot_general3A_26 : vector<32x12800xf32>
      %mul3A_47 = arith.constant 3.000000e-01 : f32
      %mul3A_48 = vector.broadcast %mul3A_47 : f32 to vector<1x12800xf32>
      %mul3A_49 = arith.mulf %mul3A_48, %div3A_43 : vector<1x12800xf32>
      %add3A_50 = vector.broadcast %mul3A_49 : vector<1x12800xf32> to vector<32x12800xf32>
      %add3A_51 = arith.addf %mul3A_46, %add3A_50 : vector<32x12800xf32>
      %mul3A_52 = vector.broadcast %add3A_34 : vector<1x12800xf32> to vector<32x12800xf32>
      %mul3A_53 = arith.mulf %add3A_51, %mul3A_52 : vector<32x12800xf32>
      %mul3A_54 = arith.constant 12800 : i32
      %mul3A_55 = arith.muli %arg0, %mul3A_54 : i32
      %iota3A = tpu.iota {dimensions = array<i32: 1>} : vector<32x12800xi32>
      %add3A_56 = vector.broadcast %mul3A_55 : i32 to vector<32x12800xi32>
      %add3A_57 = arith.addi %add3A_56, %iota3A : vector<32x12800xi32>
      %lt3A_58 = arith.constant 100000 : i32
      %lt3A_59 = vector.broadcast %lt3A_58 : i32 to vector<32x12800xi32>
      %lt3A_60 = arith.cmpi slt, %add3A_57, %lt3A_59 : vector<32x12800xi32>
      %jit3A = arith.constant 0xFF800000 : f32
      %broadcast_in_dim3A_61 = vector.broadcast %jit3A : f32 to vector<32x12800xf32>
      %select_n3A = arith.select %lt3A_60, %mul3A_53, %broadcast_in_dim3A_61 : vector<32x12800xi1>, vector<32x12800xf32>
      %swap3A = arith.constant 0 : index
      %swap3A_62 = arith.constant 0 : index
      %swap3A_63 = vector.load %arg8[%swap3A, %swap3A_62] : memref<32x12800xf32, #tpu.memory_space<vmem>>, vector<32x12800xf32>
      tpu.vector_store %arg8[%swap3A, %swap3A_62], %select_n3A {strides = array<i32>} : memref<32x12800xf32, #tpu.memory_space<vmem>>, vector<32x12800xf32>,
      %slice3A = vector.extract_strided_slice %select_n3A {offsets = [0, 0], sizes = [32, 128], strides = [1, 1]} : vector<32x12800xf32> to vector<32x128xf32>
      %reduce_max3A = arith.constant dense<0xFF800000> : vector<32xf32>
      %reduce_max3A_64 = vector.multi_reduction <maximumf>, %slice3A, %reduce_max3A [1] : vector<32x128xf32> to vector<32xf32>
      %broadcast_in_dim3A_65 = vector.shape_cast %reduce_max3A_64 : vector<32xf32> to vector<32x1xf32>
      %slice3A_66 = vector.extract_strided_slice %select_n3A {offsets = [0, 128], sizes = [32, 128], strides = [1, 1]} : vector<32x12800xf32> to vector<32x128xf32>
      %reduce_max3A_67 = arith.constant dense<0xFF800000> : vector<32xf32>
      %reduce_max3A_68 = vector.multi_reduction <maximumf>, %slice3A_66, %reduce_max3A_67 [1] : vector<32x128xf32> to vector<32xf32>
      %broadcast_in_dim3A_69 = vector.shape_cast %reduce_max3A_68 : vector<32xf32> to vector<32x1xf32>
      %slice3A_70 = vector.extract_strided_slice %select_n3A {offsets = [0, 256], sizes = [32, 128], strides = [1, 1]} : vector<32x12800xf32> to vector<32x128xf32>
      %reduce_max3A_71 = arith.constant dense<0xFF800000> : vector<32xf32>
      %reduce_max3A_72 = vector.multi_reduction <maximumf>, %slice3A_70, %reduce_max3A_71 [1] : vector<32x128xf32> to vector<32xf32>
      %broadcast_in_dim3A_73 = vector.shape_cast %reduce_max3A_72 : vector<32xf32> to vector<32x1xf32>
      %slice3A_74 = vector.extract_strided_slice %select_n3A {offsets = [0, 384], sizes = [32, 128], strides = [1, 1]} : vector<32x12800xf32> to vector<32x128xf32>
      %reduce_max3A_75 = arith.constant dense<0xFF800000> : vector<32xf32>
      %reduce_max3A_76 = vector.multi_reduction <maximumf>, %slice3A_74, %reduce_max3A_75 [1] : vector<32x128xf32> to vector<32xf32>
      %broadcast_in_dim3A_77 = vector.shape_cast %reduce_max3A_76 : vector<32xf32> to vector<32x1xf32>
      %slice3A_78 = vector.extract_strided_slice %select_n3A {offsets = [0, 512], sizes = [32, 128], strides = [1, 1]} : vector<32x12800xf32> to vector<32x128xf32>
      %reduce_max3A_79 = arith.constant dense<0xFF800000> : vector<32xf32>
      %reduce_max3A_80 = vector.multi_reduction <maximumf>, %slice3A_78, %reduce_max3A_79 [1] : vector<32x128xf32> to vector<32xf32>
      %broadcast_in_dim3A_81 = vector.shape_cast %reduce_max3A_80 : vector<32xf32> to vector<32x1xf32>
      %slice3A_82 = vector.extract_strided_slice %select_n3A {offsets = [0, 640], sizes = [32, 128], strides = [1, 1]} : vector<32x12800xf32> to vector<32x128xf32>
      %reduce_max3A_83 = arith.constant dense<0xFF800000> : vector<32xf32>
      %reduce_max3A_84 = vector.multi_reduction <maximumf>, %slice3A_82, %reduce_max3A_83 [1] : vector<32x128xf32> to vector<32xf32>
      %broadcast_in_dim3A_85 = vector.shape_cast %reduce_max3A_84 : vector<32xf32> to vector<32x1xf32>
      %slice3A_86 = vector.extract_strided_slice %select_n3A {offsets = [0, 768], sizes = [32, 128], strides = [1, 1]} : vector<32x12800xf32> to vector<32x128xf32>
      %reduce_max3A_87 = arith.constant dense<0xFF800000> : vector<32xf32>
      %reduce_max3A_88 = vector.multi_reduction <maximumf>, %slice3A_86, %reduce_max3A_87 [1] : vector<32x128xf32> to vector<32xf32>
      %broadcast_in_dim3A_89 = vector.shape_cast %reduce_max3A_88 : vector<32xf32> to vector<32x1xf32>
      %slice3A_90 = vector.extract_strided_slice %select_n3A {offsets = [0, 896], sizes = [32, 128], strides = [1, 1]} : vector<32x12800xf32> to vector<32x128xf32>
      %reduce_max3A_91 = arith.constant dense<0xFF800000> : vector<32xf32>
      %reduce_max3A_92 = vector.multi_reduction <maximumf>, %slice3A_90, %reduce_max3A_91 [1] : vector<32x128xf32> to vector<32xf32>
      %broadcast_in_dim3A_93 = vector.shape_cast %reduce_max3A_92 : vector<32xf32> to vector<32x1xf32>
      %slice3A_94 = vector.extract_strided_slice %select_n3A {offsets = [0, 1024], sizes = [32, 128], strides = [1, 1]} : vector<32x12800xf32> to vector<32x128xf32>
      %reduce_max3A_95 = arith.constant dense<0xFF800000> : vector<32xf32>
      %reduce_max3A_96 = vector.multi_reduction <maximumf>, %slice3A_94, %reduce_max3A_95 [1] : vector<32x128xf32> to vector<32xf32>
      %broadcast_in_dim3A_97 = vector.shape_cast %reduce_max3A_96 : vector<32xf32> to vector<32x1xf32>
      %slice3A_98 = vector.extract_strided_slice %select_n3A {offsets = [0, 1152], sizes = [32, 128], strides = [1, 1]} : vector<32x12800xf32> to vector<32x128xf32>
      %reduce_max3A_99 = arith.constant dense<0xFF800000> : vector<32xf32>
      %reduce_max3A_100 = vector.multi_reduction <maximumf>, %slice3A_98, %reduce_max3A_99 [1] : vector<32x128xf32> to vector<32xf32>
      %broadcast_in_dim3A_101 = vector.shape_cast %reduce_max3A_100 : vector<32xf32> to vector<32x1xf32>
      %slice3A_102 = vector.extract_strided_slice %select_n3A {offsets = [0, 1280], sizes = [32, 128], strides = [1, 1]} : vector<32x12800xf32> to vector<32x128xf32>
      %reduce_max3A_103 = arith.constant dense<0xFF800000> : vector<32xf32>
      %reduce_max3A_104 = vector.multi_reduction <maximumf>, %slice3A_102, %reduce_max3A_103 [1] : vector<32x128xf32> to vector<32xf32>
      %broadcast_in_dim3A_105 = vector.shape_cast %reduce_max3A_104 : vector<32xf32> to vector<32x1xf32>
      %slice3A_106 = vector.extract_strided_slice %select_n3A {offsets = [0, 1408], sizes = [32, 128], strides = [1, 1]} : vector<32x12800xf32> to vector<32x128xf32>
      %reduce_max3A_107 = arith.constant dense<0xFF800000> : vector<32xf32>
      %reduce_max3A_108 = vector.multi_reduction <maximumf>, %slice3A_106, %reduce_max3A_107 [1] : vector<32x128xf32> to vector<32xf32>
      %broadcast_in_dim3A_109 = vector.shape_cast %reduce_max3A_108 : vector<32xf32> to vector<32x1xf32>
      %slice3A_110 = vector.extract_strided_slice %select_n3A {offsets = [0, 1536], sizes = [32, 128], strides = [1, 1]} : vector<32x12800xf32> to vector<32x128xf32>
      %reduce_max3A_111 = arith.constant dense<0xFF800000> : vector<32xf32>
      %reduce_max3A_112 = vector.multi_reduction <maximumf>, %slice3A_110, %reduce_max3A_111 [1] : vector<32x128xf32> to vector<32xf32>
      %broadcast_in_dim3A_113 = vector.shape_cast %reduce_max3A_112 : vector<32xf32> to vector<32x1xf32>
      %slice3A_114 = vector.extract_strided_slice %select_n3A {offsets = [0, 1664], sizes = [32, 128], strides = [1, 1]} : vector<32x12800xf32> to vector<32x128xf32>
      %reduce_max3A_115 = arith.constant dense<0xFF800000> : vector<32xf32>
      %reduce_max3A_116 = vector.multi_reduction <maximumf>, %slice3A_114, %reduce_max3A_115 [1] : vector<32x128xf32> to vector<32xf32>
      %broadcast_in_dim3A_117 = vector.shape_cast %reduce_max3A_116 : vector<32xf32> to vector<32x1xf32>
      %slice3A_118 = vector.extract_strided_slice %select_n3A {offsets = [0, 1792], sizes = [32, 128], strides = [1, 1]} : vector<32x12800xf32> to vector<32x128xf32>
      %reduce_max3A_119 = arith.constant dense<0xFF800000> : vector<32xf32>
      %reduce_max3A_120 = vector.multi_reduction <maximumf>, %slice3A_118, %reduce_max3A_119 [1] : vector<32x128xf32> to vector<32xf32>
      %broadcast_in_dim3A_121 = vector.shape_cast %reduce_max3A_120 : vector<32xf32> to vector<32x1xf32>
      %slice3A_122 = vector.extract_strided_slice %select_n3A {offsets = [0, 1920], sizes = [32, 128], strides = [1, 1]} : vector<32x12800xf32> to vector<32x128xf32>
      %reduce_max3A_123 = arith.constant dense<0xFF800000> : vector<32xf32>
      %reduce_max3A_124 = vector.multi_reduction <maximumf>, %slice3A_122, %reduce_max3A_123 [1] : vector<32x128xf32> to vector<32xf32>
      %broadcast_in_dim3A_125 = vector.shape_cast %reduce_max3A_124 : vector<32xf32> to vector<32x1xf32>
      %slice3A_126 = vector.extract_strided_slice %select_n3A {offsets = [0, 2048], sizes = [32, 128], strides = [1, 1]} : vector<32x12800xf32> to vector<32x128xf32>
      %reduce_max3A_127 = arith.constant dense<0xFF800000> : vector<32xf32>
      %reduce_max3A_128 = vector.multi_reduction <maximumf>, %slice3A_126, %reduce_max3A_127 [1] : vector<32x128xf32> to vector<32xf32>
      %broadcast_in_dim3A_129 = vector.shape_cast %reduce_max3A_128 : vector<32xf32> to vector<32x1xf32>
      %slice3A_130 = vector.extract_strided_slice %select_n3A {offsets = [0, 2176], sizes = [32, 128], strides = [1, 1]} : vector<32x12800xf32> to vector<32x128xf32>
      %reduce_max3A_131 = arith.constant dense<0xFF800000> : vector<32xf32>
      %reduce_max3A_132 = vector.multi_reduction <maximumf>, %slice3A_130, %reduce_max3A_131 [1] : vector<32x128xf32> to vector<32xf32>
      %broadcast_in_dim3A_133 = vector.shape_cast %reduce_max3A_132 : vector<32xf32> to vector<32x1xf32>
      %slice3A_134 = vector.extract_strided_slice %select_n3A {offsets = [0, 2304], sizes = [32, 128], strides = [1, 1]} : vector<32x12800xf32> to vector<32x128xf32>
      %reduce_max3A_135 = arith.constant dense<0xFF800000> : vector<32xf32>
      %reduce_max3A_136 = vector.multi_reduction <maximumf>, %slice3A_134, %reduce_max3A_135 [1] : vector<32x128xf32> to vector<32xf32>
      %broadcast_in_dim3A_137 = vector.shape_cast %reduce_max3A_136 : vector<32xf32> to vector<32x1xf32>
      %slice3A_138 = vector.extract_strided_slice %select_n3A {offsets = [0, 2432], sizes = [32, 128], strides = [1, 1]} : vector<32x12800xf32> to vector<32x128xf32>
      %reduce_max3A_139 = arith.constant dense<0xFF800000> : vector<32xf32>
      %reduce_max3A_140 = vector.multi_reduction <maximumf>, %slice3A_138, %reduce_max3A_139 [1] : vector<32x128xf32> to vector<32xf32>
      %broadcast_in_dim3A_141 = vector.shape_cast %reduce_max3A_140 : vector<32xf32> to vector<32x1xf32>
      %slice3A_142 = vector.extract_strided_slice %select_n3A {offsets = [0, 2560], sizes = [32, 128], strides = [1, 1]} : vector<32x12800xf32> to vector<32x128xf32>
      %reduce_max3A_143 = arith.constant dense<0xFF800000> : vector<32xf32>
      %reduce_max3A_144 = vector.multi_reduction <maximumf>, %slice3A_142, %reduce_max3A_143 [1] : vector<32x128xf32> to vector<32xf32>
      %broadcast_in_dim3A_145 = vector.shape_cast %reduce_max3A_144 : vector<32xf32> to vector<32x1xf32>
      %slice3A_146 = vector.extract_strided_slice %select_n3A {offsets = [0, 2688], sizes = [32, 128], strides = [1, 1]} : vector<32x12800xf32> to vector<32x128xf32>
      %reduce_max3A_147 = arith.constant dense<0xFF800000> : vector<32xf32>
      %reduce_max3A_148 = vector.multi_reduction <maximumf>, %slice3A_146, %reduce_max3A_147 [1] : vector<32x128xf32> to vector<32xf32>
      %broadcast_in_dim3A_149 = vector.shape_cast %reduce_max3A_148 : vector<32xf32> to vector<32x1xf32>
      %slice3A_150 = vector.extract_strided_slice %select_n3A {offsets = [0, 2816], sizes = [32, 128], strides = [1, 1]} : vector<32x12800xf32> to vector<32x128xf32>
      %reduce_max3A_151 = arith.constant dense<0xFF800000> : vector<32xf32>
      %reduce_max3A_152 = vector.multi_reduction <maximumf>, %slice3A_150, %reduce_max3A_151 [1] : vector<32x128xf32> to vector<32xf32>
      %broadcast_in_dim3A_153 = vector.shape_cast %reduce_max3A_152 : vector<32xf32> to vector<32x1xf32>
      %slice3A_154 = vector.extract_strided_slice %select_n3A {offsets = [0, 2944], sizes = [32, 128], strides = [1, 1]} : vector<32x12800xf32> to vector<32x128xf32>
      %reduce_max3A_155 = arith.constant dense<0xFF800000> : vector<32xf32>
      %reduce_max3A_156 = vector.multi_reduction <maximumf>, %slice3A_154, %reduce_max3A_155 [1] : vector<32x128xf32> to vector<32xf32>
      %broadcast_in_dim3A_157 = vector.shape_cast %reduce_max3A_156 : vector<32xf32> to vector<32x1xf32>
      %slice3A_158 = vector.extract_strided_slice %select_n3A {offsets = [0, 3072], sizes = [32, 128], strides = [1, 1]} : vector<32x12800xf32> to vector<32x128xf32>
      %reduce_max3A_159 = arith.constant dense<0xFF800000> : vector<32xf32>
      %reduce_max3A_160 = vector.multi_reduction <maximumf>, %slice3A_158, %reduce_max3A_159 [1] : vector<32x128xf32> to vector<32xf32>
      %broadcast_in_dim3A_161 = vector.shape_cast %reduce_max3A_160 : vector<32xf32> to vector<32x1xf32>
      %slice3A_162 = vector.extract_strided_slice %select_n3A {offsets = [0, 3200], sizes = [32, 128], strides = [1, 1]} : vector<32x12800xf32> to vector<32x128xf32>
      %reduce_max3A_163 = arith.constant dense<0xFF800000> : vector<32xf32>
      %reduce_max3A_164 = vector.multi_reduction <maximumf>, %slice3A_162, %reduce_max3A_163 [1] : vector<32x128xf32> to vector<32xf32>
      %broadcast_in_dim3A_165 = vector.shape_cast %reduce_max3A_164 : vector<32xf32> to vector<32x1xf32>
      %slice3A_166 = vector.extract_strided_slice %select_n3A {offsets = [0, 3328], sizes = [32, 128], strides = [1, 1]} : vector<32x12800xf32> to vector<32x128xf32>
      %reduce_max3A_167 = arith.constant dense<0xFF800000> : vector<32xf32>
      %reduce_max3A_168 = vector.multi_reduction <maximumf>, %slice3A_166, %reduce_max3A_167 [1] : vector<32x128xf32> to vector<32xf32>
      %broadcast_in_dim3A_169 = vector.shape_cast %reduce_max3A_168 : vector<32xf32> to vector<32x1xf32>
      %slice3A_170 = vector.extract_strided_slice %select_n3A {offsets = [0, 3456], sizes = [32, 128], strides = [1, 1]} : vector<32x12800xf32> to vector<32x128xf32>
      %reduce_max3A_171 = arith.constant dense<0xFF800000> : vector<32xf32>
      %reduce_max3A_172 = vector.multi_reduction <maximumf>, %slice3A_170, %reduce_max3A_171 [1] : vector<32x128xf32> to vector<32xf32>
      %broadcast_in_dim3A_173 = vector.shape_cast %reduce_max3A_172 : vector<32xf32> to vector<32x1xf32>
      %slice3A_174 = vector.extract_strided_slice %select_n3A {offsets = [0, 3584], sizes = [32, 128], strides = [1, 1]} : vector<32x12800xf32> to vector<32x128xf32>
      %reduce_max3A_175 = arith.constant dense<0xFF800000> : vector<32xf32>
      %reduce_max3A_176 = vector.multi_reduction <maximumf>, %slice3A_174, %reduce_max3A_175 [1] : vector<32x128xf32> to vector<32xf32>
      %broadcast_in_dim3A_177 = vector.shape_cast %reduce_max3A_176 : vector<32xf32> to vector<32x1xf32>
      %slice3A_178 = vector.extract_strided_slice %select_n3A {offsets = [0, 3712], sizes = [32, 128], strides = [1, 1]} : vector<32x12800xf32> to vector<32x128xf32>
      %reduce_max3A_179 = arith.constant dense<0xFF800000> : vector<32xf32>
      %reduce_max3A_180 = vector.multi_reduction <maximumf>, %slice3A_178, %reduce_max3A_179 [1] : vector<32x128xf32> to vector<32xf32>
      %broadcast_in_dim3A_181 = vector.shape_cast %reduce_max3A_180 : vector<32xf32> to vector<32x1xf32>
      %slice3A_182 = vector.extract_strided_slice %select_n3A {offsets = [0, 3840], sizes = [32, 128], strides = [1, 1]} : vector<32x12800xf32> to vector<32x128xf32>
      %reduce_max3A_183 = arith.constant dense<0xFF800000> : vector<32xf32>
      %reduce_max3A_184 = vector.multi_reduction <maximumf>, %slice3A_182, %reduce_max3A_183 [1] : vector<32x128xf32> to vector<32xf32>
      %broadcast_in_dim3A_185 = vector.shape_cast %reduce_max3A_184 : vector<32xf32> to vector<32x1xf32>
      %slice3A_186 = vector.extract_strided_slice %select_n3A {offsets = [0, 3968], sizes = [32, 128], strides = [1, 1]} : vector<32x12800xf32> to vector<32x128xf32>
      %reduce_max3A_187 = arith.constant dense<0xFF800000> : vector<32xf32>
      %reduce_max3A_188 = vector.multi_reduction <maximumf>, %slice3A_186, %reduce_max3A_187 [1] : vector<32x128xf32> to vector<32xf32>
      %broadcast_in_dim3A_189 = vector.shape_cast %reduce_max3A_188 : vector<32xf32> to vector<32x1xf32>
      %slice3A_190 = vector.extract_strided_slice %select_n3A {offsets = [0, 4096], sizes = [32, 128], strides = [1, 1]} : vector<32x12800xf32> to vector<32x128xf32>
      %reduce_max3A_191 = arith.constant dense<0xFF800000> : vector<32xf32>
      %reduce_max3A_192 = vector.multi_reduction <maximumf>, %slice3A_190, %reduce_max3A_191 [1] : vector<32x128xf32> to vector<32xf32>
      %broadcast_in_dim3A_193 = vector.shape_cast %reduce_max3A_192 : vector<32xf32> to vector<32x1xf32>
      %slice3A_194 = vector.extract_strided_slice %select_n3A {offsets = [0, 4224], sizes = [32, 128], strides = [1, 1]} : vector<32x12800xf32> to vector<32x128xf32>
      %reduce_max3A_195 = arith.constant dense<0xFF800000> : vector<32xf32>
      %reduce_max3A_196 = vector.multi_reduction <maximumf>, %slice3A_194, %reduce_max3A_195 [1] : vector<32x128xf32> to vector<32xf32>
      %broadcast_in_dim3A_197 = vector.shape_cast %reduce_max3A_196 : vector<32xf32> to vector<32x1xf32>
      %slice3A_198 = vector.extract_strided_slice %select_n3A {offsets = [0, 4352], sizes = [32, 128], strides = [1, 1]} : vector<32x12800xf32> to vector<32x128xf32>
      %reduce_max3A_199 = arith.constant dense<0xFF800000> : vector<32xf32>
      %reduce_max3A_200 = vector.multi_reduction <maximumf>, %slice3A_198, %reduce_max3A_199 [1] : vector<32x128xf32> to vector<32xf32>
      %broadcast_in_dim3A_201 = vector.shape_cast %reduce_max3A_200 : vector<32xf32> to vector<32x1xf32>
      %slice3A_202 = vector.extract_strided_slice %select_n3A {offsets = [0, 4480], sizes = [32, 128], strides = [1, 1]} : vector<32x12800xf32> to vector<32x128xf32>
      %reduce_max3A_203 = arith.constant dense<0xFF800000> : vector<32xf32>
      %reduce_max3A_204 = vector.multi_reduction <maximumf>, %slice3A_202, %reduce_max3A_203 [1] : vector<32x128xf32> to vector<32xf32>
      %broadcast_in_dim3A_205 = vector.shape_cast %reduce_max3A_204 : vector<32xf32> to vector<32x1xf32>
      %slice3A_206 = vector.extract_strided_slice %select_n3A {offsets = [0, 4608], sizes = [32, 128], strides = [1, 1]} : vector<32x12800xf32> to vector<32x128xf32>
      %reduce_max3A_207 = arith.constant dense<0xFF800000> : vector<32xf32>
      %reduce_max3A_208 = vector.multi_reduction <maximumf>, %slice3A_206, %reduce_max3A_207 [1] : vector<32x128xf32> to vector<32xf32>
      %broadcast_in_dim3A_209 = vector.shape_cast %reduce_max3A_208 : vector<32xf32> to vector<32x1xf32>
      %slice3A_210 = vector.extract_strided_slice %select_n3A {offsets = [0, 4736], sizes = [32, 128], strides = [1, 1]} : vector<32x12800xf32> to vector<32x128xf32>
      %reduce_max3A_211 = arith.constant dense<0xFF800000> : vector<32xf32>
      %reduce_max3A_212 = vector.multi_reduction <maximumf>, %slice3A_210, %reduce_max3A_211 [1] : vector<32x128xf32> to vector<32xf32>
      %broadcast_in_dim3A_213 = vector.shape_cast %reduce_max3A_212 : vector<32xf32> to vector<32x1xf32>
      %slice3A_214 = vector.extract_strided_slice %select_n3A {offsets = [0, 4864], sizes = [32, 128], strides = [1, 1]} : vector<32x12800xf32> to vector<32x128xf32>
      %reduce_max3A_215 = arith.constant dense<0xFF800000> : vector<32xf32>
      %reduce_max3A_216 = vector.multi_reduction <maximumf>, %slice3A_214, %reduce_max3A_215 [1] : vector<32x128xf32> to vector<32xf32>
      %broadcast_in_dim3A_217 = vector.shape_cast %reduce_max3A_216 : vector<32xf32> to vector<32x1xf32>
      %slice3A_218 = vector.extract_strided_slice %select_n3A {offsets = [0, 4992], sizes = [32, 128], strides = [1, 1]} : vector<32x12800xf32> to vector<32x128xf32>
      %reduce_max3A_219 = arith.constant dense<0xFF800000> : vector<32xf32>
      %reduce_max3A_220 = vector.multi_reduction <maximumf>, %slice3A_218, %reduce_max3A_219 [1] : vector<32x128xf32> to vector<32xf32>
      %broadcast_in_dim3A_221 = vector.shape_cast %reduce_max3A_220 : vector<32xf32> to vector<32x1xf32>
      %slice3A_222 = vector.extract_strided_slice %select_n3A {offsets = [0, 5120], sizes = [32, 128], strides = [1, 1]} : vector<32x12800xf32> to vector<32x128xf32>
      %reduce_max3A_223 = arith.constant dense<0xFF800000> : vector<32xf32>
      %reduce_max3A_224 = vector.multi_reduction <maximumf>, %slice3A_222, %reduce_max3A_223 [1] : vector<32x128xf32> to vector<32xf32>
      %broadcast_in_dim3A_225 = vector.shape_cast %reduce_max3A_224 : vector<32xf32> to vector<32x1xf32>
      %slice3A_226 = vector.extract_strided_slice %select_n3A {offsets = [0, 5248], sizes = [32, 128], strides = [1, 1]} : vector<32x12800xf32> to vector<32x128xf32>
      %reduce_max3A_227 = arith.constant dense<0xFF800000> : vector<32xf32>
      %reduce_max3A_228 = vector.multi_reduction <maximumf>, %slice3A_226, %reduce_max3A_227 [1] : vector<32x128xf32> to vector<32xf32>
      %broadcast_in_dim3A_229 = vector.shape_cast %reduce_max3A_228 : vector<32xf32> to vector<32x1xf32>
      %slice3A_230 = vector.extract_strided_slice %select_n3A {offsets = [0, 5376], sizes = [32, 128], strides = [1, 1]} : vector<32x12800xf32> to vector<32x128xf32>
      %reduce_max3A_231 = arith.constant dense<0xFF800000> : vector<32xf32>
      %reduce_max3A_232 = vector.multi_reduction <maximumf>, %slice3A_230, %reduce_max3A_231 [1] : vector<32x128xf32> to vector<32xf32>
      %broadcast_in_dim3A_233 = vector.shape_cast %reduce_max3A_232 : vector<32xf32> to vector<32x1xf32>
      %slice3A_234 = vector.extract_strided_slice %select_n3A {offsets = [0, 5504], sizes = [32, 128], strides = [1, 1]} : vector<32x12800xf32> to vector<32x128xf32>
      %reduce_max3A_235 = arith.constant dense<0xFF800000> : vector<32xf32>
      %reduce_max3A_236 = vector.multi_reduction <maximumf>, %slice3A_234, %reduce_max3A_235 [1] : vector<32x128xf32> to vector<32xf32>
      %broadcast_in_dim3A_237 = vector.shape_cast %reduce_max3A_236 : vector<32xf32> to vector<32x1xf32>
      %slice3A_238 = vector.extract_strided_slice %select_n3A {offsets = [0, 5632], sizes = [32, 128], strides = [1, 1]} : vector<32x12800xf32> to vector<32x128xf32>
      %reduce_max3A_239 = arith.constant dense<0xFF800000> : vector<32xf32>
      %reduce_max3A_240 = vector.multi_reduction <maximumf>, %slice3A_238, %reduce_max3A_239 [1] : vector<32x128xf32> to vector<32xf32>
      %broadcast_in_dim3A_241 = vector.shape_cast %reduce_max3A_240 : vector<32xf32> to vector<32x1xf32>
      %slice3A_242 = vector.extract_strided_slice %select_n3A {offsets = [0, 5760], sizes = [32, 128], strides = [1, 1]} : vector<32x12800xf32> to vector<32x128xf32>
      %reduce_max3A_243 = arith.constant dense<0xFF800000> : vector<32xf32>
      %reduce_max3A_244 = vector.multi_reduction <maximumf>, %slice3A_242, %reduce_max3A_243 [1] : vector<32x128xf32> to vector<32xf32>
      %broadcast_in_dim3A_245 = vector.shape_cast %reduce_max3A_244 : vector<32xf32> to vector<32x1xf32>
      %slice3A_246 = vector.extract_strided_slice %select_n3A {offsets = [0, 5888], sizes = [32, 128], strides = [1, 1]} : vector<32x12800xf32> to vector<32x128xf32>
      %reduce_max3A_247 = arith.constant dense<0xFF800000> : vector<32xf32>
      %reduce_max3A_248 = vector.multi_reduction <maximumf>, %slice3A_246, %reduce_max3A_247 [1] : vector<32x128xf32> to vector<32xf32>
      %broadcast_in_dim3A_249 = vector.shape_cast %reduce_max3A_248 : vector<32xf32> to vector<32x1xf32>
      %slice3A_250 = vector.extract_strided_slice %select_n3A {offsets = [0, 6016], sizes = [32, 128], strides = [1, 1]} : vector<32x12800xf32> to vector<32x128xf32>
      %reduce_max3A_251 = arith.constant dense<0xFF800000> : vector<32xf32>
      %reduce_max3A_252 = vector.multi_reduction <maximumf>, %slice3A_250, %reduce_max3A_251 [1] : vector<32x128xf32> to vector<32xf32>
      %broadcast_in_dim3A_253 = vector.shape_cast %reduce_max3A_252 : vector<32xf32> to vector<32x1xf32>
      %slice3A_254 = vector.extract_strided_slice %select_n3A {offsets = [0, 6144], sizes = [32, 128], strides = [1, 1]} : vector<32x12800xf32> to vector<32x128xf32>
      %reduce_max3A_255 = arith.constant dense<0xFF800000> : vector<32xf32>
      %reduce_max3A_256 = vector.multi_reduction <maximumf>, %slice3A_254, %reduce_max3A_255 [1] : vector<32x128xf32> to vector<32xf32>
      %broadcast_in_dim3A_257 = vector.shape_cast %reduce_max3A_256 : vector<32xf32> to vector<32x1xf32>
      %slice3A_258 = vector.extract_strided_slice %select_n3A {offsets = [0, 6272], sizes = [32, 128], strides = [1, 1]} : vector<32x12800xf32> to vector<32x128xf32>
      %reduce_max3A_259 = arith.constant dense<0xFF800000> : vector<32xf32>
      %reduce_max3A_260 = vector.multi_reduction <maximumf>, %slice3A_258, %reduce_max3A_259 [1] : vector<32x128xf32> to vector<32xf32>
      %broadcast_in_dim3A_261 = vector.shape_cast %reduce_max3A_260 : vector<32xf32> to vector<32x1xf32>
      %slice3A_262 = vector.extract_strided_slice %select_n3A {offsets = [0, 6400], sizes = [32, 128], strides = [1, 1]} : vector<32x12800xf32> to vector<32x128xf32>
      %reduce_max3A_263 = arith.constant dense<0xFF800000> : vector<32xf32>
      %reduce_max3A_264 = vector.multi_reduction <maximumf>, %slice3A_262, %reduce_max3A_263 [1] : vector<32x128xf32> to vector<32xf32>
      %broadcast_in_dim3A_265 = vector.shape_cast %reduce_max3A_264 : vector<32xf32> to vector<32x1xf32>
      %slice3A_266 = vector.extract_strided_slice %select_n3A {offsets = [0, 6528], sizes = [32, 128], strides = [1, 1]} : vector<32x12800xf32> to vector<32x128xf32>
      %reduce_max3A_267 = arith.constant dense<0xFF800000> : vector<32xf32>
      %reduce_max3A_268 = vector.multi_reduction <maximumf>, %slice3A_266, %reduce_max3A_267 [1] : vector<32x128xf32> to vector<32xf32>
      %broadcast_in_dim3A_269 = vector.shape_cast %reduce_max3A_268 : vector<32xf32> to vector<32x1xf32>
      %slice3A_270 = vector.extract_strided_slice %select_n3A {offsets = [0, 6656], sizes = [32, 128], strides = [1, 1]} : vector<32x12800xf32> to vector<32x128xf32>
      %reduce_max3A_271 = arith.constant dense<0xFF800000> : vector<32xf32>
      %reduce_max3A_272 = vector.multi_reduction <maximumf>, %slice3A_270, %reduce_max3A_271 [1] : vector<32x128xf32> to vector<32xf32>
      %broadcast_in_dim3A_273 = vector.shape_cast %reduce_max3A_272 : vector<32xf32> to vector<32x1xf32>
      %slice3A_274 = vector.extract_strided_slice %select_n3A {offsets = [0, 6784], sizes = [32, 128], strides = [1, 1]} : vector<32x12800xf32> to vector<32x128xf32>
      %reduce_max3A_275 = arith.constant dense<0xFF800000> : vector<32xf32>
      %reduce_max3A_276 = vector.multi_reduction <maximumf>, %slice3A_274, %reduce_max3A_275 [1] : vector<32x128xf32> to vector<32xf32>
      %broadcast_in_dim3A_277 = vector.shape_cast %reduce_max3A_276 : vector<32xf32> to vector<32x1xf32>
      %slice3A_278 = vector.extract_strided_slice %select_n3A {offsets = [0, 6912], sizes = [32, 128], strides = [1, 1]} : vector<32x12800xf32> to vector<32x128xf32>
      %reduce_max3A_279 = arith.constant dense<0xFF800000> : vector<32xf32>
      %reduce_max3A_280 = vector.multi_reduction <maximumf>, %slice3A_278, %reduce_max3A_279 [1] : vector<32x128xf32> to vector<32xf32>
      %broadcast_in_dim3A_281 = vector.shape_cast %reduce_max3A_280 : vector<32xf32> to vector<32x1xf32>
      %slice3A_282 = vector.extract_strided_slice %select_n3A {offsets = [0, 7040], sizes = [32, 128], strides = [1, 1]} : vector<32x12800xf32> to vector<32x128xf32>
      %reduce_max3A_283 = arith.constant dense<0xFF800000> : vector<32xf32>
      %reduce_max3A_284 = vector.multi_reduction <maximumf>, %slice3A_282, %reduce_max3A_283 [1] : vector<32x128xf32> to vector<32xf32>
      %broadcast_in_dim3A_285 = vector.shape_cast %reduce_max3A_284 : vector<32xf32> to vector<32x1xf32>
      %slice3A_286 = vector.extract_strided_slice %select_n3A {offsets = [0, 7168], sizes = [32, 128], strides = [1, 1]} : vector<32x12800xf32> to vector<32x128xf32>
      %reduce_max3A_287 = arith.constant dense<0xFF800000> : vector<32xf32>
      %reduce_max3A_288 = vector.multi_reduction <maximumf>, %slice3A_286, %reduce_max3A_287 [1] : vector<32x128xf32> to vector<32xf32>
      %broadcast_in_dim3A_289 = vector.shape_cast %reduce_max3A_288 : vector<32xf32> to vector<32x1xf32>
      %slice3A_290 = vector.extract_strided_slice %select_n3A {offsets = [0, 7296], sizes = [32, 128], strides = [1, 1]} : vector<32x12800xf32> to vector<32x128xf32>
      %reduce_max3A_291 = arith.constant dense<0xFF800000> : vector<32xf32>
      %reduce_max3A_292 = vector.multi_reduction <maximumf>, %slice3A_290, %reduce_max3A_291 [1] : vector<32x128xf32> to vector<32xf32>
      %broadcast_in_dim3A_293 = vector.shape_cast %reduce_max3A_292 : vector<32xf32> to vector<32x1xf32>
      %slice3A_294 = vector.extract_strided_slice %select_n3A {offsets = [0, 7424], sizes = [32, 128], strides = [1, 1]} : vector<32x12800xf32> to vector<32x128xf32>
      %reduce_max3A_295 = arith.constant dense<0xFF800000> : vector<32xf32>
      %reduce_max3A_296 = vector.multi_reduction <maximumf>, %slice3A_294, %reduce_max3A_295 [1] : vector<32x128xf32> to vector<32xf32>
      %broadcast_in_dim3A_297 = vector.shape_cast %reduce_max3A_296 : vector<32xf32> to vector<32x1xf32>
      %slice3A_298 = vector.extract_strided_slice %select_n3A {offsets = [0, 7552], sizes = [32, 128], strides = [1, 1]} : vector<32x12800xf32> to vector<32x128xf32>
      %reduce_max3A_299 = arith.constant dense<0xFF800000> : vector<32xf32>
      %reduce_max3A_300 = vector.multi_reduction <maximumf>, %slice3A_298, %reduce_max3A_299 [1] : vector<32x128xf32> to vector<32xf32>
      %broadcast_in_dim3A_301 = vector.shape_cast %reduce_max3A_300 : vector<32xf32> to vector<32x1xf32>
      %slice3A_302 = vector.extract_strided_slice %select_n3A {offsets = [0, 7680], sizes = [32, 128], strides = [1, 1]} : vector<32x12800xf32> to vector<32x128xf32>
      %reduce_max3A_303 = arith.constant dense<0xFF800000> : vector<32xf32>
      %reduce_max3A_304 = vector.multi_reduction <maximumf>, %slice3A_302, %reduce_max3A_303 [1] : vector<32x128xf32> to vector<32xf32>
      %broadcast_in_dim3A_305 = vector.shape_cast %reduce_max3A_304 : vector<32xf32> to vector<32x1xf32>
      %slice3A_306 = vector.extract_strided_slice %select_n3A {offsets = [0, 7808], sizes = [32, 128], strides = [1, 1]} : vector<32x12800xf32> to vector<32x128xf32>
      %reduce_max3A_307 = arith.constant dense<0xFF800000> : vector<32xf32>
      %reduce_max3A_308 = vector.multi_reduction <maximumf>, %slice3A_306, %reduce_max3A_307 [1] : vector<32x128xf32> to vector<32xf32>
      %broadcast_in_dim3A_309 = vector.shape_cast %reduce_max3A_308 : vector<32xf32> to vector<32x1xf32>
      %slice3A_310 = vector.extract_strided_slice %select_n3A {offsets = [0, 7936], sizes = [32, 128], strides = [1, 1]} : vector<32x12800xf32> to vector<32x128xf32>
      %reduce_max3A_311 = arith.constant dense<0xFF800000> : vector<32xf32>
      %reduce_max3A_312 = vector.multi_reduction <maximumf>, %slice3A_310, %reduce_max3A_311 [1] : vector<32x128xf32> to vector<32xf32>
      %broadcast_in_dim3A_313 = vector.shape_cast %reduce_max3A_312 : vector<32xf32> to vector<32x1xf32>
      %slice3A_314 = vector.extract_strided_slice %select_n3A {offsets = [0, 8064], sizes = [32, 128], strides = [1, 1]} : vector<32x12800xf32> to vector<32x128xf32>
      %reduce_max3A_315 = arith.constant dense<0xFF800000> : vector<32xf32>
      %reduce_max3A_316 = vector.multi_reduction <maximumf>, %slice3A_314, %reduce_max3A_315 [1] : vector<32x128xf32> to vector<32xf32>
      %broadcast_in_dim3A_317 = vector.shape_cast %reduce_max3A_316 : vector<32xf32> to vector<32x1xf32>
      %slice3A_318 = vector.extract_strided_slice %select_n3A {offsets = [0, 8192], sizes = [32, 128], strides = [1, 1]} : vector<32x12800xf32> to vector<32x128xf32>
      %reduce_max3A_319 = arith.constant dense<0xFF800000> : vector<32xf32>
      %reduce_max3A_320 = vector.multi_reduction <maximumf>, %slice3A_318, %reduce_max3A_319 [1] : vector<32x128xf32> to vector<32xf32>
      %broadcast_in_dim3A_321 = vector.shape_cast %reduce_max3A_320 : vector<32xf32> to vector<32x1xf32>
      %slice3A_322 = vector.extract_strided_slice %select_n3A {offsets = [0, 8320], sizes = [32, 128], strides = [1, 1]} : vector<32x12800xf32> to vector<32x128xf32>
      %reduce_max3A_323 = arith.constant dense<0xFF800000> : vector<32xf32>
      %reduce_max3A_324 = vector.multi_reduction <maximumf>, %slice3A_322, %reduce_max3A_323 [1] : vector<32x128xf32> to vector<32xf32>
      %broadcast_in_dim3A_325 = vector.shape_cast %reduce_max3A_324 : vector<32xf32> to vector<32x1xf32>
      %slice3A_326 = vector.extract_strided_slice %select_n3A {offsets = [0, 8448], sizes = [32, 128], strides = [1, 1]} : vector<32x12800xf32> to vector<32x128xf32>
      %reduce_max3A_327 = arith.constant dense<0xFF800000> : vector<32xf32>
      %reduce_max3A_328 = vector.multi_reduction <maximumf>, %slice3A_326, %reduce_max3A_327 [1] : vector<32x128xf32> to vector<32xf32>
      %broadcast_in_dim3A_329 = vector.shape_cast %reduce_max3A_328 : vector<32xf32> to vector<32x1xf32>
      %slice3A_330 = vector.extract_strided_slice %select_n3A {offsets = [0, 8576], sizes = [32, 128], strides = [1, 1]} : vector<32x12800xf32> to vector<32x128xf32>
      %reduce_max3A_331 = arith.constant dense<0xFF800000> : vector<32xf32>
      %reduce_max3A_332 = vector.multi_reduction <maximumf>, %slice3A_330, %reduce_max3A_331 [1] : vector<32x128xf32> to vector<32xf32>
      %broadcast_in_dim3A_333 = vector.shape_cast %reduce_max3A_332 : vector<32xf32> to vector<32x1xf32>
      %slice3A_334 = vector.extract_strided_slice %select_n3A {offsets = [0, 8704], sizes = [32, 128], strides = [1, 1]} : vector<32x12800xf32> to vector<32x128xf32>
      %reduce_max3A_335 = arith.constant dense<0xFF800000> : vector<32xf32>
      %reduce_max3A_336 = vector.multi_reduction <maximumf>, %slice3A_334, %reduce_max3A_335 [1] : vector<32x128xf32> to vector<32xf32>
      %broadcast_in_dim3A_337 = vector.shape_cast %reduce_max3A_336 : vector<32xf32> to vector<32x1xf32>
      %slice3A_338 = vector.extract_strided_slice %select_n3A {offsets = [0, 8832], sizes = [32, 128], strides = [1, 1]} : vector<32x12800xf32> to vector<32x128xf32>
      %reduce_max3A_339 = arith.constant dense<0xFF800000> : vector<32xf32>
      %reduce_max3A_340 = vector.multi_reduction <maximumf>, %slice3A_338, %reduce_max3A_339 [1] : vector<32x128xf32> to vector<32xf32>
      %broadcast_in_dim3A_341 = vector.shape_cast %reduce_max3A_340 : vector<32xf32> to vector<32x1xf32>
      %slice3A_342 = vector.extract_strided_slice %select_n3A {offsets = [0, 8960], sizes = [32, 128], strides = [1, 1]} : vector<32x12800xf32> to vector<32x128xf32>
      %reduce_max3A_343 = arith.constant dense<0xFF800000> : vector<32xf32>
      %reduce_max3A_344 = vector.multi_reduction <maximumf>, %slice3A_342, %reduce_max3A_343 [1] : vector<32x128xf32> to vector<32xf32>
      %broadcast_in_dim3A_345 = vector.shape_cast %reduce_max3A_344 : vector<32xf32> to vector<32x1xf32>
      %slice3A_346 = vector.extract_strided_slice %select_n3A {offsets = [0, 9088], sizes = [32, 128], strides = [1, 1]} : vector<32x12800xf32> to vector<32x128xf32>
      %reduce_max3A_347 = arith.constant dense<0xFF800000> : vector<32xf32>
      %reduce_max3A_348 = vector.multi_reduction <maximumf>, %slice3A_346, %reduce_max3A_347 [1] : vector<32x128xf32> to vector<32xf32>
      %broadcast_in_dim3A_349 = vector.shape_cast %reduce_max3A_348 : vector<32xf32> to vector<32x1xf32>
      %slice3A_350 = vector.extract_strided_slice %select_n3A {offsets = [0, 9216], sizes = [32, 128], strides = [1, 1]} : vector<32x12800xf32> to vector<32x128xf32>
      %reduce_max3A_351 = arith.constant dense<0xFF800000> : vector<32xf32>
      %reduce_max3A_352 = vector.multi_reduction <maximumf>, %slice3A_350, %reduce_max3A_351 [1] : vector<32x128xf32> to vector<32xf32>
      %broadcast_in_dim3A_353 = vector.shape_cast %reduce_max3A_352 : vector<32xf32> to vector<32x1xf32>
      %slice3A_354 = vector.extract_strided_slice %select_n3A {offsets = [0, 9344], sizes = [32, 128], strides = [1, 1]} : vector<32x12800xf32> to vector<32x128xf32>
      %reduce_max3A_355 = arith.constant dense<0xFF800000> : vector<32xf32>
      %reduce_max3A_356 = vector.multi_reduction <maximumf>, %slice3A_354, %reduce_max3A_355 [1] : vector<32x128xf32> to vector<32xf32>
      %broadcast_in_dim3A_357 = vector.shape_cast %reduce_max3A_356 : vector<32xf32> to vector<32x1xf32>
      %slice3A_358 = vector.extract_strided_slice %select_n3A {offsets = [0, 9472], sizes = [32, 128], strides = [1, 1]} : vector<32x12800xf32> to vector<32x128xf32>
      %reduce_max3A_359 = arith.constant dense<0xFF800000> : vector<32xf32>
      %reduce_max3A_360 = vector.multi_reduction <maximumf>, %slice3A_358, %reduce_max3A_359 [1] : vector<32x128xf32> to vector<32xf32>
      %broadcast_in_dim3A_361 = vector.shape_cast %reduce_max3A_360 : vector<32xf32> to vector<32x1xf32>
      %slice3A_362 = vector.extract_strided_slice %select_n3A {offsets = [0, 9600], sizes = [32, 128], strides = [1, 1]} : vector<32x12800xf32> to vector<32x128xf32>
      %reduce_max3A_363 = arith.constant dense<0xFF800000> : vector<32xf32>
      %reduce_max3A_364 = vector.multi_reduction <maximumf>, %slice3A_362, %reduce_max3A_363 [1] : vector<32x128xf32> to vector<32xf32>
      %broadcast_in_dim3A_365 = vector.shape_cast %reduce_max3A_364 : vector<32xf32> to vector<32x1xf32>
      %slice3A_366 = vector.extract_strided_slice %select_n3A {offsets = [0, 9728], sizes = [32, 128], strides = [1, 1]} : vector<32x12800xf32> to vector<32x128xf32>
      %reduce_max3A_367 = arith.constant dense<0xFF800000> : vector<32xf32>
      %reduce_max3A_368 = vector.multi_reduction <maximumf>, %slice3A_366, %reduce_max3A_367 [1] : vector<32x128xf32> to vector<32xf32>
      %broadcast_in_dim3A_369 = vector.shape_cast %reduce_max3A_368 : vector<32xf32> to vector<32x1xf32>
      %slice3A_370 = vector.extract_strided_slice %select_n3A {offsets = [0, 9856], sizes = [32, 128], strides = [1, 1]} : vector<32x12800xf32> to vector<32x128xf32>
      %reduce_max3A_371 = arith.constant dense<0xFF800000> : vector<32xf32>
      %reduce_max3A_372 = vector.multi_reduction <maximumf>, %slice3A_370, %reduce_max3A_371 [1] : vector<32x128xf32> to vector<32xf32>
      %broadcast_in_dim3A_373 = vector.shape_cast %reduce_max3A_372 : vector<32xf32> to vector<32x1xf32>
      %slice3A_374 = vector.extract_strided_slice %select_n3A {offsets = [0, 9984], sizes = [32, 128], strides = [1, 1]} : vector<32x12800xf32> to vector<32x128xf32>
      %reduce_max3A_375 = arith.constant dense<0xFF800000> : vector<32xf32>
      %reduce_max3A_376 = vector.multi_reduction <maximumf>, %slice3A_374, %reduce_max3A_375 [1] : vector<32x128xf32> to vector<32xf32>
      %broadcast_in_dim3A_377 = vector.shape_cast %reduce_max3A_376 : vector<32xf32> to vector<32x1xf32>
      %slice3A_378 = vector.extract_strided_slice %select_n3A {offsets = [0, 10112], sizes = [32, 128], strides = [1, 1]} : vector<32x12800xf32> to vector<32x128xf32>
      %reduce_max3A_379 = arith.constant dense<0xFF800000> : vector<32xf32>
      %reduce_max3A_380 = vector.multi_reduction <maximumf>, %slice3A_378, %reduce_max3A_379 [1] : vector<32x128xf32> to vector<32xf32>
      %broadcast_in_dim3A_381 = vector.shape_cast %reduce_max3A_380 : vector<32xf32> to vector<32x1xf32>
      %slice3A_382 = vector.extract_strided_slice %select_n3A {offsets = [0, 10240], sizes = [32, 128], strides = [1, 1]} : vector<32x12800xf32> to vector<32x128xf32>
      %reduce_max3A_383 = arith.constant dense<0xFF800000> : vector<32xf32>
      %reduce_max3A_384 = vector.multi_reduction <maximumf>, %slice3A_382, %reduce_max3A_383 [1] : vector<32x128xf32> to vector<32xf32>
      %broadcast_in_dim3A_385 = vector.shape_cast %reduce_max3A_384 : vector<32xf32> to vector<32x1xf32>
      %slice3A_386 = vector.extract_strided_slice %select_n3A {offsets = [0, 10368], sizes = [32, 128], strides = [1, 1]} : vector<32x12800xf32> to vector<32x128xf32>
      %reduce_max3A_387 = arith.constant dense<0xFF800000> : vector<32xf32>
      %reduce_max3A_388 = vector.multi_reduction <maximumf>, %slice3A_386, %reduce_max3A_387 [1] : vector<32x128xf32> to vector<32xf32>
      %broadcast_in_dim3A_389 = vector.shape_cast %reduce_max3A_388 : vector<32xf32> to vector<32x1xf32>
      %slice3A_390 = vector.extract_strided_slice %select_n3A {offsets = [0, 10496], sizes = [32, 128], strides = [1, 1]} : vector<32x12800xf32> to vector<32x128xf32>
      %reduce_max3A_391 = arith.constant dense<0xFF800000> : vector<32xf32>
      %reduce_max3A_392 = vector.multi_reduction <maximumf>, %slice3A_390, %reduce_max3A_391 [1] : vector<32x128xf32> to vector<32xf32>
      %broadcast_in_dim3A_393 = vector.shape_cast %reduce_max3A_392 : vector<32xf32> to vector<32x1xf32>
      %slice3A_394 = vector.extract_strided_slice %select_n3A {offsets = [0, 10624], sizes = [32, 128], strides = [1, 1]} : vector<32x12800xf32> to vector<32x128xf32>
      %reduce_max3A_395 = arith.constant dense<0xFF800000> : vector<32xf32>
      %reduce_max3A_396 = vector.multi_reduction <maximumf>, %slice3A_394, %reduce_max3A_395 [1] : vector<32x128xf32> to vector<32xf32>
      %broadcast_in_dim3A_397 = vector.shape_cast %reduce_max3A_396 : vector<32xf32> to vector<32x1xf32>
      %slice3A_398 = vector.extract_strided_slice %select_n3A {offsets = [0, 10752], sizes = [32, 128], strides = [1, 1]} : vector<32x12800xf32> to vector<32x128xf32>
      %reduce_max3A_399 = arith.constant dense<0xFF800000> : vector<32xf32>
      %reduce_max3A_400 = vector.multi_reduction <maximumf>, %slice3A_398, %reduce_max3A_399 [1] : vector<32x128xf32> to vector<32xf32>
      %broadcast_in_dim3A_401 = vector.shape_cast %reduce_max3A_400 : vector<32xf32> to vector<32x1xf32>
      %slice3A_402 = vector.extract_strided_slice %select_n3A {offsets = [0, 10880], sizes = [32, 128], strides = [1, 1]} : vector<32x12800xf32> to vector<32x128xf32>
      %reduce_max3A_403 = arith.constant dense<0xFF800000> : vector<32xf32>
      %reduce_max3A_404 = vector.multi_reduction <maximumf>, %slice3A_402, %reduce_max3A_403 [1] : vector<32x128xf32> to vector<32xf32>
      %broadcast_in_dim3A_405 = vector.shape_cast %reduce_max3A_404 : vector<32xf32> to vector<32x1xf32>
      %slice3A_406 = vector.extract_strided_slice %select_n3A {offsets = [0, 11008], sizes = [32, 128], strides = [1, 1]} : vector<32x12800xf32> to vector<32x128xf32>
      %reduce_max3A_407 = arith.constant dense<0xFF800000> : vector<32xf32>
      %reduce_max3A_408 = vector.multi_reduction <maximumf>, %slice3A_406, %reduce_max3A_407 [1] : vector<32x128xf32> to vector<32xf32>
      %broadcast_in_dim3A_409 = vector.shape_cast %reduce_max3A_408 : vector<32xf32> to vector<32x1xf32>
      %slice3A_410 = vector.extract_strided_slice %select_n3A {offsets = [0, 11136], sizes = [32, 128], strides = [1, 1]} : vector<32x12800xf32> to vector<32x128xf32>
      %reduce_max3A_411 = arith.constant dense<0xFF800000> : vector<32xf32>
      %reduce_max3A_412 = vector.multi_reduction <maximumf>, %slice3A_410, %reduce_max3A_411 [1] : vector<32x128xf32> to vector<32xf32>
      %broadcast_in_dim3A_413 = vector.shape_cast %reduce_max3A_412 : vector<32xf32> to vector<32x1xf32>
      %slice3A_414 = vector.extract_strided_slice %select_n3A {offsets = [0, 11264], sizes = [32, 128], strides = [1, 1]} : vector<32x12800xf32> to vector<32x128xf32>
      %reduce_max3A_415 = arith.constant dense<0xFF800000> : vector<32xf32>
      %reduce_max3A_416 = vector.multi_reduction <maximumf>, %slice3A_414, %reduce_max3A_415 [1] : vector<32x128xf32> to vector<32xf32>
      %broadcast_in_dim3A_417 = vector.shape_cast %reduce_max3A_416 : vector<32xf32> to vector<32x1xf32>
      %slice3A_418 = vector.extract_strided_slice %select_n3A {offsets = [0, 11392], sizes = [32, 128], strides = [1, 1]} : vector<32x12800xf32> to vector<32x128xf32>
      %reduce_max3A_419 = arith.constant dense<0xFF800000> : vector<32xf32>
      %reduce_max3A_420 = vector.multi_reduction <maximumf>, %slice3A_418, %reduce_max3A_419 [1] : vector<32x128xf32> to vector<32xf32>
      %broadcast_in_dim3A_421 = vector.shape_cast %reduce_max3A_420 : vector<32xf32> to vector<32x1xf32>
      %slice3A_422 = vector.extract_strided_slice %select_n3A {offsets = [0, 11520], sizes = [32, 128], strides = [1, 1]} : vector<32x12800xf32> to vector<32x128xf32>
      %reduce_max3A_423 = arith.constant dense<0xFF800000> : vector<32xf32>
      %reduce_max3A_424 = vector.multi_reduction <maximumf>, %slice3A_422, %reduce_max3A_423 [1] : vector<32x128xf32> to vector<32xf32>
      %broadcast_in_dim3A_425 = vector.shape_cast %reduce_max3A_424 : vector<32xf32> to vector<32x1xf32>
      %slice3A_426 = vector.extract_strided_slice %select_n3A {offsets = [0, 11648], sizes = [32, 128], strides = [1, 1]} : vector<32x12800xf32> to vector<32x128xf32>
      %reduce_max3A_427 = arith.constant dense<0xFF800000> : vector<32xf32>
      %reduce_max3A_428 = vector.multi_reduction <maximumf>, %slice3A_426, %reduce_max3A_427 [1] : vector<32x128xf32> to vector<32xf32>
      %broadcast_in_dim3A_429 = vector.shape_cast %reduce_max3A_428 : vector<32xf32> to vector<32x1xf32>
      %slice3A_430 = vector.extract_strided_slice %select_n3A {offsets = [0, 11776], sizes = [32, 128], strides = [1, 1]} : vector<32x12800xf32> to vector<32x128xf32>
      %reduce_max3A_431 = arith.constant dense<0xFF800000> : vector<32xf32>
      %reduce_max3A_432 = vector.multi_reduction <maximumf>, %slice3A_430, %reduce_max3A_431 [1] : vector<32x128xf32> to vector<32xf32>
      %broadcast_in_dim3A_433 = vector.shape_cast %reduce_max3A_432 : vector<32xf32> to vector<32x1xf32>
      %slice3A_434 = vector.extract_strided_slice %select_n3A {offsets = [0, 11904], sizes = [32, 128], strides = [1, 1]} : vector<32x12800xf32> to vector<32x128xf32>
      %reduce_max3A_435 = arith.constant dense<0xFF800000> : vector<32xf32>
      %reduce_max3A_436 = vector.multi_reduction <maximumf>, %slice3A_434, %reduce_max3A_435 [1] : vector<32x128xf32> to vector<32xf32>
      %broadcast_in_dim3A_437 = vector.shape_cast %reduce_max3A_436 : vector<32xf32> to vector<32x1xf32>
      %slice3A_438 = vector.extract_strided_slice %select_n3A {offsets = [0, 12032], sizes = [32, 128], strides = [1, 1]} : vector<32x12800xf32> to vector<32x128xf32>
      %reduce_max3A_439 = arith.constant dense<0xFF800000> : vector<32xf32>
      %reduce_max3A_440 = vector.multi_reduction <maximumf>, %slice3A_438, %reduce_max3A_439 [1] : vector<32x128xf32> to vector<32xf32>
      %broadcast_in_dim3A_441 = vector.shape_cast %reduce_max3A_440 : vector<32xf32> to vector<32x1xf32>
      %slice3A_442 = vector.extract_strided_slice %select_n3A {offsets = [0, 12160], sizes = [32, 128], strides = [1, 1]} : vector<32x12800xf32> to vector<32x128xf32>
      %reduce_max3A_443 = arith.constant dense<0xFF800000> : vector<32xf32>
      %reduce_max3A_444 = vector.multi_reduction <maximumf>, %slice3A_442, %reduce_max3A_443 [1] : vector<32x128xf32> to vector<32xf32>
      %broadcast_in_dim3A_445 = vector.shape_cast %reduce_max3A_444 : vector<32xf32> to vector<32x1xf32>
      %slice3A_446 = vector.extract_strided_slice %select_n3A {offsets = [0, 12288], sizes = [32, 128], strides = [1, 1]} : vector<32x12800xf32> to vector<32x128xf32>
      %reduce_max3A_447 = arith.constant dense<0xFF800000> : vector<32xf32>
      %reduce_max3A_448 = vector.multi_reduction <maximumf>, %slice3A_446, %reduce_max3A_447 [1] : vector<32x128xf32> to vector<32xf32>
      %broadcast_in_dim3A_449 = vector.shape_cast %reduce_max3A_448 : vector<32xf32> to vector<32x1xf32>
      %slice3A_450 = vector.extract_strided_slice %select_n3A {offsets = [0, 12416], sizes = [32, 128], strides = [1, 1]} : vector<32x12800xf32> to vector<32x128xf32>
      %reduce_max3A_451 = arith.constant dense<0xFF800000> : vector<32xf32>
      %reduce_max3A_452 = vector.multi_reduction <maximumf>, %slice3A_450, %reduce_max3A_451 [1] : vector<32x128xf32> to vector<32xf32>
      %broadcast_in_dim3A_453 = vector.shape_cast %reduce_max3A_452 : vector<32xf32> to vector<32x1xf32>
      %slice3A_454 = vector.extract_strided_slice %select_n3A {offsets = [0, 12544], sizes = [32, 128], strides = [1, 1]} : vector<32x12800xf32> to vector<32x128xf32>
      %reduce_max3A_455 = arith.constant dense<0xFF800000> : vector<32xf32>
      %reduce_max3A_456 = vector.multi_reduction <maximumf>, %slice3A_454, %reduce_max3A_455 [1] : vector<32x128xf32> to vector<32xf32>
      %broadcast_in_dim3A_457 = vector.shape_cast %reduce_max3A_456 : vector<32xf32> to vector<32x1xf32>
      %slice3A_458 = vector.extract_strided_slice %select_n3A {offsets = [0, 12672], sizes = [32, 128], strides = [1, 1]} : vector<32x12800xf32> to vector<32x128xf32>
      %reduce_max3A_459 = arith.constant dense<0xFF800000> : vector<32xf32>
      %reduce_max3A_460 = vector.multi_reduction <maximumf>, %slice3A_458, %reduce_max3A_459 [1] : vector<32x128xf32> to vector<32xf32>
      %broadcast_in_dim3A_461 = vector.shape_cast %reduce_max3A_460 : vector<32xf32> to vector<32x1xf32>
      %broadcast_in_dim3A_462 = arith.constant 0xFF800000 : f32
      %broadcast_in_dim3A_463 = vector.broadcast %broadcast_in_dim3A_462 : f32 to vector<32x1xf32>
      %concatenate3A = tpu.concatenate %broadcast_in_dim3A_65, %broadcast_in_dim3A_69, %broadcast_in_dim3A_73, %broadcast_in_dim3A_77, %broadcast_in_dim3A_81, %broadcast_in_dim3A_85, %broadcast_in_dim3A_89, %broadcast_in_dim3A_93, %broadcast_in_dim3A_97, %broadcast_in_dim3A_101, %broadcast_in_dim3A_105, %broadcast_in_dim3A_109, %broadcast_in_dim3A_113, %broadcast_in_dim3A_117, %broadcast_in_dim3A_121, %broadcast_in_dim3A_125, %broadcast_in_dim3A_129, %broadcast_in_dim3A_133, %broadcast_in_dim3A_137, %broadcast_in_dim3A_141, %broadcast_in_dim3A_145, %broadcast_in_dim3A_149, %broadcast_in_dim3A_153, %broadcast_in_dim3A_157, %broadcast_in_dim3A_161, %broadcast_in_dim3A_165, %broadcast_in_dim3A_169, %broadcast_in_dim3A_173, %broadcast_in_dim3A_177, %broadcast_in_dim3A_181, %broadcast_in_dim3A_185, %broadcast_in_dim3A_189, %broadcast_in_dim3A_193, %broadcast_in_dim3A_197, %broadcast_in_dim3A_201, %broadcast_in_dim3A_205, %broadcast_in_dim3A_209, %broadcast_in_dim3A_213, %broadcast_in_dim3A_217, %broadcast_in_dim3A_221, %broadcast_in_dim3A_225, %broadcast_in_dim3A_229, %broadcast_in_dim3A_233, %broadcast_in_dim3A_237, %broadcast_in_dim3A_241, %broadcast_in_dim3A_245, %broadcast_in_dim3A_249, %broadcast_in_dim3A_253, %broadcast_in_dim3A_257, %broadcast_in_dim3A_261, %broadcast_in_dim3A_265, %broadcast_in_dim3A_269, %broadcast_in_dim3A_273, %broadcast_in_dim3A_277, %broadcast_in_dim3A_281, %broadcast_in_dim3A_285, %broadcast_in_dim3A_289, %broadcast_in_dim3A_293, %broadcast_in_dim3A_297, %broadcast_in_dim3A_301, %broadcast_in_dim3A_305, %broadcast_in_dim3A_309, %broadcast_in_dim3A_313, %broadcast_in_dim3A_317, %broadcast_in_dim3A_321, %broadcast_in_dim3A_325, %broadcast_in_dim3A_329, %broadcast_in_dim3A_333, %broadcast_in_dim3A_337, %broadcast_in_dim3A_341, %broadcast_in_dim3A_345, %broadcast_in_dim3A_349, %broadcast_in_dim3A_353, %broadcast_in_dim3A_357, %broadcast_in_dim3A_361, %broadcast_in_dim3A_365, %broadcast_in_dim3A_369, %broadcast_in_dim3A_373, %broadcast_in_dim3A_377, %broadcast_in_dim3A_381, %broadcast_in_dim3A_385, %broadcast_in_dim3A_389, %broadcast_in_dim3A_393, %broadcast_in_dim3A_397, %broadcast_in_dim3A_401, %broadcast_in_dim3A_405, %broadcast_in_dim3A_409, %broadcast_in_dim3A_413, %broadcast_in_dim3A_417, %broadcast_in_dim3A_421, %broadcast_in_dim3A_425, %broadcast_in_dim3A_429, %broadcast_in_dim3A_433, %broadcast_in_dim3A_437, %broadcast_in_dim3A_441, %broadcast_in_dim3A_445, %broadcast_in_dim3A_449, %broadcast_in_dim3A_453, %broadcast_in_dim3A_457, %broadcast_in_dim3A_461, %broadcast_in_dim3A_463, %broadcast_in_dim3A_463, %broadcast_in_dim3A_463, %broadcast_in_dim3A_463, %broadcast_in_dim3A_463, %broadcast_in_dim3A_463, %broadcast_in_dim3A_463, %broadcast_in_dim3A_463, %broadcast_in_dim3A_463, %broadcast_in_dim3A_463, %broadcast_in_dim3A_463, %broadcast_in_dim3A_463, %broadcast_in_dim3A_463, %broadcast_in_dim3A_463, %broadcast_in_dim3A_463, %broadcast_in_dim3A_463, %broadcast_in_dim3A_463, %broadcast_in_dim3A_463, %broadcast_in_dim3A_463, %broadcast_in_dim3A_463, %broadcast_in_dim3A_463, %broadcast_in_dim3A_463, %broadcast_in_dim3A_463, %broadcast_in_dim3A_463, %broadcast_in_dim3A_463, %broadcast_in_dim3A_463, %broadcast_in_dim3A_463, %broadcast_in_dim3A_463 in 1 : vector<32x1xf32>, vector<32x1xf32>, vector<32x1xf32>, vector<32x1xf32>, vector<32x1xf32>, vector<32x1xf32>, vector<32x1xf32>, vector<32x1xf32>, vector<32x1xf32>, vector<32x1xf32>, vector<32x1xf32>, vector<32x1xf32>, vector<32x1xf32>, vector<32x1xf32>, vector<32x1xf32>, vector<32x1xf32>, vector<32x1xf32>, vector<32x1xf32>, vector<32x1xf32>, vector<32x1xf32>, vector<32x1xf32>, vector<32x1xf32>, vector<32x1xf32>, vector<32x1xf32>, vector<32x1xf32>, vector<32x1xf32>, vector<32x1xf32>, vector<32x1xf32>, vector<32x1xf32>, vector<32x1xf32>, vector<32x1xf32>, vector<32x1xf32>, vector<32x1xf32>, vector<32x1xf32>, vector<32x1xf32>, vector<32x1xf32>, vector<32x1xf32>, vector<32x1xf32>, vector<32x1xf32>, vector<32x1xf32>, vector<32x1xf32>, vector<32x1xf32>, vector<32x1xf32>, vector<32x1xf32>, vector<32x1xf32>, vector<32x1xf32>, vector<32x1xf32>, vector<32x1xf32>, vector<32x1xf32>, vector<32x1xf32>, vector<32x1xf32>, vector<32x1xf32>, vector<32x1xf32>, vector<32x1xf32>, vector<32x1xf32>, vector<32x1xf32>, vector<32x1xf32>, vector<32x1xf32>, vector<32x1xf32>, vector<32x1xf32>, vector<32x1xf32>, vector<32x1xf32>, vector<32x1xf32>, vector<32x1xf32>, vector<32x1xf32>, vector<32x1xf32>, vector<32x1xf32>, vector<32x1xf32>, vector<32x1xf32>, vector<32x1xf32>, vector<32x1xf32>, vector<32x1xf32>, vector<32x1xf32>, vector<32x1xf32>, vector<32x1xf32>, vector<32x1xf32>, vector<32x1xf32>, vector<32x1xf32>, vector<32x1xf32>, vector<32x1xf32>, vector<32x1xf32>, vector<32x1xf32>, vector<32x1xf32>, vector<32x1xf32>, vector<32x1xf32>, vector<32x1xf32>, vector<32x1xf32>, vector<32x1xf32>, vector<32x1xf32>, vector<32x1xf32>, vector<32x1xf32>, vector<32x1xf32>, vector<32x1xf32>, vector<32x1xf32>, vector<32x1xf32>, vector<32x1xf32>, vector<32x1xf32>, vector<32x1xf32>, vector<32x1xf32>, vector<32x1xf32>, vector<32x1xf32>, vector<32x1xf32>, vector<32x1xf32>, vector<32x1xf32>, vector<32x1xf32>, vector<32x1xf32>, vector<32x1xf32>, vector<32x1xf32>, vector<32x1xf32>, vector<32x1xf32>, vector<32x1xf32>, vector<32x1xf32>, vector<32x1xf32>, vector<32x1xf32>, vector<32x1xf32>, vector<32x1xf32>, vector<32x1xf32>, vector<32x1xf32>, vector<32x1xf32>, vector<32x1xf32>, vector<32x1xf32>, vector<32x1xf32>, vector<32x1xf32>, vector<32x1xf32>, vector<32x1xf32>, vector<32x1xf32>, vector<32x1xf32>, vector<32x1xf32> -> vector<32x128xf32>
      %mul3A_464 = arith.constant 128 : i32
      %mul3A_465 = arith.muli %arg0, %mul3A_464 : i32
      %multiple_of3A = tpu.assume_multiple %mul3A_465, 128 : i32
      %swap3A_466 = arith.constant 0 : index
      %swap3A_467 = arith.index_cast %multiple_of3A : i32 to index
      %swap3A_468 = vector.load %arg11[%swap3A_466, %swap3A_467] : memref<32x1024xf32, #tpu.memory_space<vmem>>, vector<32x128xf32>
      tpu.vector_store %arg11[%swap3A_466, %swap3A_467], %concatenate3A {strides = array<i32>} : memref<32x1024xf32, #tpu.memory_space<vmem>>, vector<32x128xf32>,
    } else {
    }
    %eq3A_6 = arith.constant 8 : i32
    %eq3A_7 = arith.cmpi eq, %arg0, %eq3A_6 : i32
    %convert_element_type3A_8 = arith.extui %eq3A_7 : i1 to i32
    %cond3A_9 = arith.constant 0 : i32
    %cond3A_10 = arith.cmpi ne, %convert_element_type3A_8, %cond3A_9 : i32
    scf.if %cond3A_10 {
      %get3A = arith.constant 0 : index
      %get3A_11 = arith.constant 0 : index
      %get3A_12 = vector.load %arg11[%get3A, %get3A_11] : memref<32x1024xf32, #tpu.memory_space<vmem>>, vector<32x1024xf32>
      %iota3A = tpu.iota {dimensions = array<i32: 1>} : vector<32x1024xi32>
      %reduce_max3A = arith.constant dense<0xFF800000> : vector<32xf32>
      %reduce_max3A_13 = vector.multi_reduction <maximumf>, %get3A_12, %reduce_max3A [1] : vector<32x1024xf32> to vector<32xf32>
      %broadcast_in_dim3A = vector.shape_cast %reduce_max3A_13 : vector<32xf32> to vector<32x1xf32>
      %eq3A_14 = vector.broadcast %broadcast_in_dim3A : vector<32x1xf32> to vector<32x1024xf32>
      %eq3A_15 = arith.cmpf oeq, %get3A_12, %eq3A_14 : vector<32x1024xf32>
      %jit3A = arith.constant 1073741824 : i32
      %broadcast_in_dim3A_16 = vector.broadcast %jit3A : i32 to vector<32x1024xi32>
      %select_n3A = arith.select %eq3A_15, %iota3A, %broadcast_in_dim3A_16 : vector<32x1024xi1>, vector<32x1024xi32>
      %reduce_min3A = arith.constant dense<2147483647> : vector<32xi32>
      %reduce_min3A_17 = vector.multi_reduction <minsi>, %select_n3A, %reduce_min3A [1] : vector<32x1024xi32> to vector<32xi32>
      %broadcast_in_dim3A_18 = vector.shape_cast %reduce_min3A_17 : vector<32xi32> to vector<32x1xi32>
      %eq3A_19 = vector.broadcast %broadcast_in_dim3A_18 : vector<32x1xi32> to vector<32x1024xi32>
      %eq3A_20 = arith.cmpi eq, %iota3A, %eq3A_19 : vector<32x1024xi32>
      %jit3A_21 = arith.constant 0xFF800000 : f32
      %broadcast_in_dim3A_22 = vector.broadcast %jit3A_21 : f32 to vector<32x1024xf32>
      %select_n3A_23 = arith.select %eq3A_20, %broadcast_in_dim3A_22, %get3A_12 : vector<32x1024xi1>, vector<32x1024xf32>
      %reduce_max3A_24 = arith.constant dense<0xFF800000> : vector<32xf32>
      %reduce_max3A_25 = vector.multi_reduction <maximumf>, %select_n3A_23, %reduce_max3A_24 [1] : vector<32x1024xf32> to vector<32xf32>
      %broadcast_in_dim3A_26 = vector.shape_cast %reduce_max3A_25 : vector<32xf32> to vector<32x1xf32>
      %eq3A_27 = vector.broadcast %broadcast_in_dim3A_26 : vector<32x1xf32> to vector<32x1024xf32>
      %eq3A_28 = arith.cmpf oeq, %select_n3A_23, %eq3A_27 : vector<32x1024xf32>
      %jit3A_29 = arith.constant 1073741824 : i32
      %broadcast_in_dim3A_30 = vector.broadcast %jit3A_29 : i32 to vector<32x1024xi32>
      %select_n3A_31 = arith.select %eq3A_28, %iota3A, %broadcast_in_dim3A_30 : vector<32x1024xi1>, vector<32x1024xi32>
      %reduce_min3A_32 = arith.constant dense<2147483647> : vector<32xi32>
      %reduce_min3A_33 = vector.multi_reduction <minsi>, %select_n3A_31, %reduce_min3A_32 [1] : vector<32x1024xi32> to vector<32xi32>
      %broadcast_in_dim3A_34 = vector.shape_cast %reduce_min3A_33 : vector<32xi32> to vector<32x1xi32>
      %eq3A_35 = vector.broadcast %broadcast_in_dim3A_34 : vector<32x1xi32> to vector<32x1024xi32>
      %eq3A_36 = arith.cmpi eq, %iota3A, %eq3A_35 : vector<32x1024xi32>
      %jit3A_37 = arith.constant 0xFF800000 : f32
      %broadcast_in_dim3A_38 = vector.broadcast %jit3A_37 : f32 to vector<32x1024xf32>
      %select_n3A_39 = arith.select %eq3A_36, %broadcast_in_dim3A_38, %select_n3A_23 : vector<32x1024xi1>, vector<32x1024xf32>
      %reduce_max3A_40 = arith.constant dense<0xFF800000> : vector<32xf32>
      %reduce_max3A_41 = vector.multi_reduction <maximumf>, %select_n3A_39, %reduce_max3A_40 [1] : vector<32x1024xf32> to vector<32xf32>
      %broadcast_in_dim3A_42 = vector.shape_cast %reduce_max3A_41 : vector<32xf32> to vector<32x1xf32>
      %eq3A_43 = vector.broadcast %broadcast_in_dim3A_42 : vector<32x1xf32> to vector<32x1024xf32>
      %eq3A_44 = arith.cmpf oeq, %select_n3A_39, %eq3A_43 : vector<32x1024xf32>
      %jit3A_45 = arith.constant 1073741824 : i32
      %broadcast_in_dim3A_46 = vector.broadcast %jit3A_45 : i32 to vector<32x1024xi32>
      %select_n3A_47 = arith.select %eq3A_44, %iota3A, %broadcast_in_dim3A_46 : vector<32x1024xi1>, vector<32x1024xi32>
      %reduce_min3A_48 = arith.constant dense<2147483647> : vector<32xi32>
      %reduce_min3A_49 = vector.multi_reduction <minsi>, %select_n3A_47, %reduce_min3A_48 [1] : vector<32x1024xi32> to vector<32xi32>
      %broadcast_in_dim3A_50 = vector.shape_cast %reduce_min3A_49 : vector<32xi32> to vector<32x1xi32>
      %eq3A_51 = vector.broadcast %broadcast_in_dim3A_50 : vector<32x1xi32> to vector<32x1024xi32>
      %eq3A_52 = arith.cmpi eq, %iota3A, %eq3A_51 : vector<32x1024xi32>
      %jit3A_53 = arith.constant 0xFF800000 : f32
      %broadcast_in_dim3A_54 = vector.broadcast %jit3A_53 : f32 to vector<32x1024xf32>
      %select_n3A_55 = arith.select %eq3A_52, %broadcast_in_dim3A_54, %select_n3A_39 : vector<32x1024xi1>, vector<32x1024xf32>
      %reduce_max3A_56 = arith.constant dense<0xFF800000> : vector<32xf32>
      %reduce_max3A_57 = vector.multi_reduction <maximumf>, %select_n3A_55, %reduce_max3A_56 [1] : vector<32x1024xf32> to vector<32xf32>
      %broadcast_in_dim3A_58 = vector.shape_cast %reduce_max3A_57 : vector<32xf32> to vector<32x1xf32>
      %eq3A_59 = vector.broadcast %broadcast_in_dim3A_58 : vector<32x1xf32> to vector<32x1024xf32>
      %eq3A_60 = arith.cmpf oeq, %select_n3A_55, %eq3A_59 : vector<32x1024xf32>
      %jit3A_61 = arith.constant 1073741824 : i32
      %broadcast_in_dim3A_62 = vector.broadcast %jit3A_61 : i32 to vector<32x1024xi32>
      %select_n3A_63 = arith.select %eq3A_60, %iota3A, %broadcast_in_dim3A_62 : vector<32x1024xi1>, vector<32x1024xi32>
      %reduce_min3A_64 = arith.constant dense<2147483647> : vector<32xi32>
      %reduce_min3A_65 = vector.multi_reduction <minsi>, %select_n3A_63, %reduce_min3A_64 [1] : vector<32x1024xi32> to vector<32xi32>
      %broadcast_in_dim3A_66 = vector.shape_cast %reduce_min3A_65 : vector<32xi32> to vector<32x1xi32>
      %eq3A_67 = vector.broadcast %broadcast_in_dim3A_66 : vector<32x1xi32> to vector<32x1024xi32>
      %eq3A_68 = arith.cmpi eq, %iota3A, %eq3A_67 : vector<32x1024xi32>
      %jit3A_69 = arith.constant 0xFF800000 : f32
      %broadcast_in_dim3A_70 = vector.broadcast %jit3A_69 : f32 to vector<32x1024xf32>
      %select_n3A_71 = arith.select %eq3A_68, %broadcast_in_dim3A_70, %select_n3A_55 : vector<32x1024xi1>, vector<32x1024xf32>
      %reduce_max3A_72 = arith.constant dense<0xFF800000> : vector<32xf32>
      %reduce_max3A_73 = vector.multi_reduction <maximumf>, %select_n3A_71, %reduce_max3A_72 [1] : vector<32x1024xf32> to vector<32xf32>
      %broadcast_in_dim3A_74 = vector.shape_cast %reduce_max3A_73 : vector<32xf32> to vector<32x1xf32>
      %eq3A_75 = vector.broadcast %broadcast_in_dim3A_74 : vector<32x1xf32> to vector<32x1024xf32>
      %eq3A_76 = arith.cmpf oeq, %select_n3A_71, %eq3A_75 : vector<32x1024xf32>
      %jit3A_77 = arith.constant 1073741824 : i32
      %broadcast_in_dim3A_78 = vector.broadcast %jit3A_77 : i32 to vector<32x1024xi32>
      %select_n3A_79 = arith.select %eq3A_76, %iota3A, %broadcast_in_dim3A_78 : vector<32x1024xi1>, vector<32x1024xi32>
      %reduce_min3A_80 = arith.constant dense<2147483647> : vector<32xi32>
      %reduce_min3A_81 = vector.multi_reduction <minsi>, %select_n3A_79, %reduce_min3A_80 [1] : vector<32x1024xi32> to vector<32xi32>
      %broadcast_in_dim3A_82 = vector.shape_cast %reduce_min3A_81 : vector<32xi32> to vector<32x1xi32>
      %eq3A_83 = vector.broadcast %broadcast_in_dim3A_82 : vector<32x1xi32> to vector<32x1024xi32>
      %eq3A_84 = arith.cmpi eq, %iota3A, %eq3A_83 : vector<32x1024xi32>
      %jit3A_85 = arith.constant 0xFF800000 : f32
      %broadcast_in_dim3A_86 = vector.broadcast %jit3A_85 : f32 to vector<32x1024xf32>
      %select_n3A_87 = arith.select %eq3A_84, %broadcast_in_dim3A_86, %select_n3A_71 : vector<32x1024xi1>, vector<32x1024xf32>
      %reduce_max3A_88 = arith.constant dense<0xFF800000> : vector<32xf32>
      %reduce_max3A_89 = vector.multi_reduction <maximumf>, %select_n3A_87, %reduce_max3A_88 [1] : vector<32x1024xf32> to vector<32xf32>
      %broadcast_in_dim3A_90 = vector.shape_cast %reduce_max3A_89 : vector<32xf32> to vector<32x1xf32>
      %eq3A_91 = vector.broadcast %broadcast_in_dim3A_90 : vector<32x1xf32> to vector<32x1024xf32>
      %eq3A_92 = arith.cmpf oeq, %select_n3A_87, %eq3A_91 : vector<32x1024xf32>
      %jit3A_93 = arith.constant 1073741824 : i32
      %broadcast_in_dim3A_94 = vector.broadcast %jit3A_93 : i32 to vector<32x1024xi32>
      %select_n3A_95 = arith.select %eq3A_92, %iota3A, %broadcast_in_dim3A_94 : vector<32x1024xi1>, vector<32x1024xi32>
      %reduce_min3A_96 = arith.constant dense<2147483647> : vector<32xi32>
      %reduce_min3A_97 = vector.multi_reduction <minsi>, %select_n3A_95, %reduce_min3A_96 [1] : vector<32x1024xi32> to vector<32xi32>
      %broadcast_in_dim3A_98 = vector.shape_cast %reduce_min3A_97 : vector<32xi32> to vector<32x1xi32>
      %eq3A_99 = vector.broadcast %broadcast_in_dim3A_98 : vector<32x1xi32> to vector<32x1024xi32>
      %eq3A_100 = arith.cmpi eq, %iota3A, %eq3A_99 : vector<32x1024xi32>
      %jit3A_101 = arith.constant 0xFF800000 : f32
      %broadcast_in_dim3A_102 = vector.broadcast %jit3A_101 : f32 to vector<32x1024xf32>
      %select_n3A_103 = arith.select %eq3A_100, %broadcast_in_dim3A_102, %select_n3A_87 : vector<32x1024xi1>, vector<32x1024xf32>
      %reduce_max3A_104 = arith.constant dense<0xFF800000> : vector<32xf32>
      %reduce_max3A_105 = vector.multi_reduction <maximumf>, %select_n3A_103, %reduce_max3A_104 [1] : vector<32x1024xf32> to vector<32xf32>
      %broadcast_in_dim3A_106 = vector.shape_cast %reduce_max3A_105 : vector<32xf32> to vector<32x1xf32>
      %eq3A_107 = vector.broadcast %broadcast_in_dim3A_106 : vector<32x1xf32> to vector<32x1024xf32>
      %eq3A_108 = arith.cmpf oeq, %select_n3A_103, %eq3A_107 : vector<32x1024xf32>
      %jit3A_109 = arith.constant 1073741824 : i32
      %broadcast_in_dim3A_110 = vector.broadcast %jit3A_109 : i32 to vector<32x1024xi32>
      %select_n3A_111 = arith.select %eq3A_108, %iota3A, %broadcast_in_dim3A_110 : vector<32x1024xi1>, vector<32x1024xi32>
      %reduce_min3A_112 = arith.constant dense<2147483647> : vector<32xi32>
      %reduce_min3A_113 = vector.multi_reduction <minsi>, %select_n3A_111, %reduce_min3A_112 [1] : vector<32x1024xi32> to vector<32xi32>
      %broadcast_in_dim3A_114 = vector.shape_cast %reduce_min3A_113 : vector<32xi32> to vector<32x1xi32>
      %eq3A_115 = vector.broadcast %broadcast_in_dim3A_114 : vector<32x1xi32> to vector<32x1024xi32>
      %eq3A_116 = arith.cmpi eq, %iota3A, %eq3A_115 : vector<32x1024xi32>
      %jit3A_117 = arith.constant 0xFF800000 : f32
      %broadcast_in_dim3A_118 = vector.broadcast %jit3A_117 : f32 to vector<32x1024xf32>
      %select_n3A_119 = arith.select %eq3A_116, %broadcast_in_dim3A_118, %select_n3A_103 : vector<32x1024xi1>, vector<32x1024xf32>
      %reduce_max3A_120 = arith.constant dense<0xFF800000> : vector<32xf32>
      %reduce_max3A_121 = vector.multi_reduction <maximumf>, %select_n3A_119, %reduce_max3A_120 [1] : vector<32x1024xf32> to vector<32xf32>
      %broadcast_in_dim3A_122 = vector.shape_cast %reduce_max3A_121 : vector<32xf32> to vector<32x1xf32>
      %eq3A_123 = vector.broadcast %broadcast_in_dim3A_122 : vector<32x1xf32> to vector<32x1024xf32>
      %eq3A_124 = arith.cmpf oeq, %select_n3A_119, %eq3A_123 : vector<32x1024xf32>
      %jit3A_125 = arith.constant 1073741824 : i32
      %broadcast_in_dim3A_126 = vector.broadcast %jit3A_125 : i32 to vector<32x1024xi32>
      %select_n3A_127 = arith.select %eq3A_124, %iota3A, %broadcast_in_dim3A_126 : vector<32x1024xi1>, vector<32x1024xi32>
      %reduce_min3A_128 = arith.constant dense<2147483647> : vector<32xi32>
      %reduce_min3A_129 = vector.multi_reduction <minsi>, %select_n3A_127, %reduce_min3A_128 [1] : vector<32x1024xi32> to vector<32xi32>
      %broadcast_in_dim3A_130 = vector.shape_cast %reduce_min3A_129 : vector<32xi32> to vector<32x1xi32>
      %eq3A_131 = vector.broadcast %broadcast_in_dim3A_130 : vector<32x1xi32> to vector<32x1024xi32>
      %eq3A_132 = arith.cmpi eq, %iota3A, %eq3A_131 : vector<32x1024xi32>
      %jit3A_133 = arith.constant 0xFF800000 : f32
      %broadcast_in_dim3A_134 = vector.broadcast %jit3A_133 : f32 to vector<32x1024xf32>
      %select_n3A_135 = arith.select %eq3A_132, %broadcast_in_dim3A_134, %select_n3A_119 : vector<32x1024xi1>, vector<32x1024xf32>
      %reduce_max3A_136 = arith.constant dense<0xFF800000> : vector<32xf32>
      %reduce_max3A_137 = vector.multi_reduction <maximumf>, %select_n3A_135, %reduce_max3A_136 [1] : vector<32x1024xf32> to vector<32xf32>
      %broadcast_in_dim3A_138 = vector.shape_cast %reduce_max3A_137 : vector<32xf32> to vector<32x1xf32>
      %eq3A_139 = vector.broadcast %broadcast_in_dim3A_138 : vector<32x1xf32> to vector<32x1024xf32>
      %eq3A_140 = arith.cmpf oeq, %select_n3A_135, %eq3A_139 : vector<32x1024xf32>
      %jit3A_141 = arith.constant 1073741824 : i32
      %broadcast_in_dim3A_142 = vector.broadcast %jit3A_141 : i32 to vector<32x1024xi32>
      %select_n3A_143 = arith.select %eq3A_140, %iota3A, %broadcast_in_dim3A_142 : vector<32x1024xi1>, vector<32x1024xi32>
      %reduce_min3A_144 = arith.constant dense<2147483647> : vector<32xi32>
      %reduce_min3A_145 = vector.multi_reduction <minsi>, %select_n3A_143, %reduce_min3A_144 [1] : vector<32x1024xi32> to vector<32xi32>
      %broadcast_in_dim3A_146 = vector.shape_cast %reduce_min3A_145 : vector<32xi32> to vector<32x1xi32>
      %eq3A_147 = vector.broadcast %broadcast_in_dim3A_146 : vector<32x1xi32> to vector<32x1024xi32>
      %eq3A_148 = arith.cmpi eq, %iota3A, %eq3A_147 : vector<32x1024xi32>
      %jit3A_149 = arith.constant 0xFF800000 : f32
      %broadcast_in_dim3A_150 = vector.broadcast %jit3A_149 : f32 to vector<32x1024xf32>
      %select_n3A_151 = arith.select %eq3A_148, %broadcast_in_dim3A_150, %select_n3A_135 : vector<32x1024xi1>, vector<32x1024xf32>
      %reduce_max3A_152 = arith.constant dense<0xFF800000> : vector<32xf32>
      %reduce_max3A_153 = vector.multi_reduction <maximumf>, %select_n3A_151, %reduce_max3A_152 [1] : vector<32x1024xf32> to vector<32xf32>
      %broadcast_in_dim3A_154 = vector.shape_cast %reduce_max3A_153 : vector<32xf32> to vector<32x1xf32>
      %eq3A_155 = vector.broadcast %broadcast_in_dim3A_154 : vector<32x1xf32> to vector<32x1024xf32>
      %eq3A_156 = arith.cmpf oeq, %select_n3A_151, %eq3A_155 : vector<32x1024xf32>
      %jit3A_157 = arith.constant 1073741824 : i32
      %broadcast_in_dim3A_158 = vector.broadcast %jit3A_157 : i32 to vector<32x1024xi32>
      %select_n3A_159 = arith.select %eq3A_156, %iota3A, %broadcast_in_dim3A_158 : vector<32x1024xi1>, vector<32x1024xi32>
      %reduce_min3A_160 = arith.constant dense<2147483647> : vector<32xi32>
      %reduce_min3A_161 = vector.multi_reduction <minsi>, %select_n3A_159, %reduce_min3A_160 [1] : vector<32x1024xi32> to vector<32xi32>
      %broadcast_in_dim3A_162 = vector.shape_cast %reduce_min3A_161 : vector<32xi32> to vector<32x1xi32>
      %eq3A_163 = vector.broadcast %broadcast_in_dim3A_162 : vector<32x1xi32> to vector<32x1024xi32>
      %eq3A_164 = arith.cmpi eq, %iota3A, %eq3A_163 : vector<32x1024xi32>
      %jit3A_165 = arith.constant 0xFF800000 : f32
      %broadcast_in_dim3A_166 = vector.broadcast %jit3A_165 : f32 to vector<32x1024xf32>
      %select_n3A_167 = arith.select %eq3A_164, %broadcast_in_dim3A_166, %select_n3A_151 : vector<32x1024xi1>, vector<32x1024xf32>
      %reduce_max3A_168 = arith.constant dense<0xFF800000> : vector<32xf32>
      %reduce_max3A_169 = vector.multi_reduction <maximumf>, %select_n3A_167, %reduce_max3A_168 [1] : vector<32x1024xf32> to vector<32xf32>
      %broadcast_in_dim3A_170 = vector.shape_cast %reduce_max3A_169 : vector<32xf32> to vector<32x1xf32>
      %eq3A_171 = vector.broadcast %broadcast_in_dim3A_170 : vector<32x1xf32> to vector<32x1024xf32>
      %eq3A_172 = arith.cmpf oeq, %select_n3A_167, %eq3A_171 : vector<32x1024xf32>
      %jit3A_173 = arith.constant 1073741824 : i32
      %broadcast_in_dim3A_174 = vector.broadcast %jit3A_173 : i32 to vector<32x1024xi32>
      %select_n3A_175 = arith.select %eq3A_172, %iota3A, %broadcast_in_dim3A_174 : vector<32x1024xi1>, vector<32x1024xi32>
      %reduce_min3A_176 = arith.constant dense<2147483647> : vector<32xi32>
      %reduce_min3A_177 = vector.multi_reduction <minsi>, %select_n3A_175, %reduce_min3A_176 [1] : vector<32x1024xi32> to vector<32xi32>
      %broadcast_in_dim3A_178 = vector.shape_cast %reduce_min3A_177 : vector<32xi32> to vector<32x1xi32>
      %eq3A_179 = vector.broadcast %broadcast_in_dim3A_178 : vector<32x1xi32> to vector<32x1024xi32>
      %eq3A_180 = arith.cmpi eq, %iota3A, %eq3A_179 : vector<32x1024xi32>
      %jit3A_181 = arith.constant 0xFF800000 : f32
      %broadcast_in_dim3A_182 = vector.broadcast %jit3A_181 : f32 to vector<32x1024xf32>
      %select_n3A_183 = arith.select %eq3A_180, %broadcast_in_dim3A_182, %select_n3A_167 : vector<32x1024xi1>, vector<32x1024xf32>
      %reduce_max3A_184 = arith.constant dense<0xFF800000> : vector<32xf32>
      %reduce_max3A_185 = vector.multi_reduction <maximumf>, %select_n3A_183, %reduce_max3A_184 [1] : vector<32x1024xf32> to vector<32xf32>
      %broadcast_in_dim3A_186 = vector.shape_cast %reduce_max3A_185 : vector<32xf32> to vector<32x1xf32>
      %eq3A_187 = vector.broadcast %broadcast_in_dim3A_186 : vector<32x1xf32> to vector<32x1024xf32>
      %eq3A_188 = arith.cmpf oeq, %select_n3A_183, %eq3A_187 : vector<32x1024xf32>
      %jit3A_189 = arith.constant 1073741824 : i32
      %broadcast_in_dim3A_190 = vector.broadcast %jit3A_189 : i32 to vector<32x1024xi32>
      %select_n3A_191 = arith.select %eq3A_188, %iota3A, %broadcast_in_dim3A_190 : vector<32x1024xi1>, vector<32x1024xi32>
      %reduce_min3A_192 = arith.constant dense<2147483647> : vector<32xi32>
      %reduce_min3A_193 = vector.multi_reduction <minsi>, %select_n3A_191, %reduce_min3A_192 [1] : vector<32x1024xi32> to vector<32xi32>
      %broadcast_in_dim3A_194 = vector.shape_cast %reduce_min3A_193 : vector<32xi32> to vector<32x1xi32>
      %eq3A_195 = vector.broadcast %broadcast_in_dim3A_194 : vector<32x1xi32> to vector<32x1024xi32>
      %eq3A_196 = arith.cmpi eq, %iota3A, %eq3A_195 : vector<32x1024xi32>
      %jit3A_197 = arith.constant 0xFF800000 : f32
      %broadcast_in_dim3A_198 = vector.broadcast %jit3A_197 : f32 to vector<32x1024xf32>
      %select_n3A_199 = arith.select %eq3A_196, %broadcast_in_dim3A_198, %select_n3A_183 : vector<32x1024xi1>, vector<32x1024xf32>
      %reduce_max3A_200 = arith.constant dense<0xFF800000> : vector<32xf32>
      %reduce_max3A_201 = vector.multi_reduction <maximumf>, %select_n3A_199, %reduce_max3A_200 [1] : vector<32x1024xf32> to vector<32xf32>
      %broadcast_in_dim3A_202 = vector.shape_cast %reduce_max3A_201 : vector<32xf32> to vector<32x1xf32>
      %eq3A_203 = vector.broadcast %broadcast_in_dim3A_202 : vector<32x1xf32> to vector<32x1024xf32>
      %eq3A_204 = arith.cmpf oeq, %select_n3A_199, %eq3A_203 : vector<32x1024xf32>
      %jit3A_205 = arith.constant 1073741824 : i32
      %broadcast_in_dim3A_206 = vector.broadcast %jit3A_205 : i32 to vector<32x1024xi32>
      %select_n3A_207 = arith.select %eq3A_204, %iota3A, %broadcast_in_dim3A_206 : vector<32x1024xi1>, vector<32x1024xi32>
      %reduce_min3A_208 = arith.constant dense<2147483647> : vector<32xi32>
      %reduce_min3A_209 = vector.multi_reduction <minsi>, %select_n3A_207, %reduce_min3A_208 [1] : vector<32x1024xi32> to vector<32xi32>
      %broadcast_in_dim3A_210 = vector.shape_cast %reduce_min3A_209 : vector<32xi32> to vector<32x1xi32>
      %eq3A_211 = vector.broadcast %broadcast_in_dim3A_210 : vector<32x1xi32> to vector<32x1024xi32>
      %eq3A_212 = arith.cmpi eq, %iota3A, %eq3A_211 : vector<32x1024xi32>
      %jit3A_213 = arith.constant 0xFF800000 : f32
      %broadcast_in_dim3A_214 = vector.broadcast %jit3A_213 : f32 to vector<32x1024xf32>
      %select_n3A_215 = arith.select %eq3A_212, %broadcast_in_dim3A_214, %select_n3A_199 : vector<32x1024xi1>, vector<32x1024xf32>
      %reduce_max3A_216 = arith.constant dense<0xFF800000> : vector<32xf32>
      %reduce_max3A_217 = vector.multi_reduction <maximumf>, %select_n3A_215, %reduce_max3A_216 [1] : vector<32x1024xf32> to vector<32xf32>
      %broadcast_in_dim3A_218 = vector.shape_cast %reduce_max3A_217 : vector<32xf32> to vector<32x1xf32>
      %eq3A_219 = vector.broadcast %broadcast_in_dim3A_218 : vector<32x1xf32> to vector<32x1024xf32>
      %eq3A_220 = arith.cmpf oeq, %select_n3A_215, %eq3A_219 : vector<32x1024xf32>
      %jit3A_221 = arith.constant 1073741824 : i32
      %broadcast_in_dim3A_222 = vector.broadcast %jit3A_221 : i32 to vector<32x1024xi32>
      %select_n3A_223 = arith.select %eq3A_220, %iota3A, %broadcast_in_dim3A_222 : vector<32x1024xi1>, vector<32x1024xi32>
      %reduce_min3A_224 = arith.constant dense<2147483647> : vector<32xi32>
      %reduce_min3A_225 = vector.multi_reduction <minsi>, %select_n3A_223, %reduce_min3A_224 [1] : vector<32x1024xi32> to vector<32xi32>
      %broadcast_in_dim3A_226 = vector.shape_cast %reduce_min3A_225 : vector<32xi32> to vector<32x1xi32>
      %eq3A_227 = vector.broadcast %broadcast_in_dim3A_226 : vector<32x1xi32> to vector<32x1024xi32>
      %eq3A_228 = arith.cmpi eq, %iota3A, %eq3A_227 : vector<32x1024xi32>
      %jit3A_229 = arith.constant 0xFF800000 : f32
      %broadcast_in_dim3A_230 = vector.broadcast %jit3A_229 : f32 to vector<32x1024xf32>
      %select_n3A_231 = arith.select %eq3A_228, %broadcast_in_dim3A_230, %select_n3A_215 : vector<32x1024xi1>, vector<32x1024xf32>
      %reduce_max3A_232 = arith.constant dense<0xFF800000> : vector<32xf32>
      %reduce_max3A_233 = vector.multi_reduction <maximumf>, %select_n3A_231, %reduce_max3A_232 [1] : vector<32x1024xf32> to vector<32xf32>
      %broadcast_in_dim3A_234 = vector.shape_cast %reduce_max3A_233 : vector<32xf32> to vector<32x1xf32>
      %eq3A_235 = vector.broadcast %broadcast_in_dim3A_234 : vector<32x1xf32> to vector<32x1024xf32>
      %eq3A_236 = arith.cmpf oeq, %select_n3A_231, %eq3A_235 : vector<32x1024xf32>
      %jit3A_237 = arith.constant 1073741824 : i32
      %broadcast_in_dim3A_238 = vector.broadcast %jit3A_237 : i32 to vector<32x1024xi32>
      %select_n3A_239 = arith.select %eq3A_236, %iota3A, %broadcast_in_dim3A_238 : vector<32x1024xi1>, vector<32x1024xi32>
      %reduce_min3A_240 = arith.constant dense<2147483647> : vector<32xi32>
      %reduce_min3A_241 = vector.multi_reduction <minsi>, %select_n3A_239, %reduce_min3A_240 [1] : vector<32x1024xi32> to vector<32xi32>
      %broadcast_in_dim3A_242 = vector.shape_cast %reduce_min3A_241 : vector<32xi32> to vector<32x1xi32>
      %eq3A_243 = vector.broadcast %broadcast_in_dim3A_242 : vector<32x1xi32> to vector<32x1024xi32>
      %eq3A_244 = arith.cmpi eq, %iota3A, %eq3A_243 : vector<32x1024xi32>
      %jit3A_245 = arith.constant 0xFF800000 : f32
      %broadcast_in_dim3A_246 = vector.broadcast %jit3A_245 : f32 to vector<32x1024xf32>
      %select_n3A_247 = arith.select %eq3A_244, %broadcast_in_dim3A_246, %select_n3A_231 : vector<32x1024xi1>, vector<32x1024xf32>
      %reduce_max3A_248 = arith.constant dense<0xFF800000> : vector<32xf32>
      %reduce_max3A_249 = vector.multi_reduction <maximumf>, %select_n3A_247, %reduce_max3A_248 [1] : vector<32x1024xf32> to vector<32xf32>
      %broadcast_in_dim3A_250 = vector.shape_cast %reduce_max3A_249 : vector<32xf32> to vector<32x1xf32>
      %eq3A_251 = vector.broadcast %broadcast_in_dim3A_250 : vector<32x1xf32> to vector<32x1024xf32>
      %eq3A_252 = arith.cmpf oeq, %select_n3A_247, %eq3A_251 : vector<32x1024xf32>
      %jit3A_253 = arith.constant 1073741824 : i32
      %broadcast_in_dim3A_254 = vector.broadcast %jit3A_253 : i32 to vector<32x1024xi32>
      %select_n3A_255 = arith.select %eq3A_252, %iota3A, %broadcast_in_dim3A_254 : vector<32x1024xi1>, vector<32x1024xi32>
      %reduce_min3A_256 = arith.constant dense<2147483647> : vector<32xi32>
      %reduce_min3A_257 = vector.multi_reduction <minsi>, %select_n3A_255, %reduce_min3A_256 [1] : vector<32x1024xi32> to vector<32xi32>
      %broadcast_in_dim3A_258 = vector.shape_cast %reduce_min3A_257 : vector<32xi32> to vector<32x1xi32>
      %concatenate3A = tpu.concatenate %broadcast_in_dim3A_18, %broadcast_in_dim3A_34, %broadcast_in_dim3A_50, %broadcast_in_dim3A_66, %broadcast_in_dim3A_82, %broadcast_in_dim3A_98, %broadcast_in_dim3A_114, %broadcast_in_dim3A_130, %broadcast_in_dim3A_146, %broadcast_in_dim3A_162, %broadcast_in_dim3A_178, %broadcast_in_dim3A_194, %broadcast_in_dim3A_210, %broadcast_in_dim3A_226, %broadcast_in_dim3A_242, %broadcast_in_dim3A_258 in 1 : vector<32x1xi32>, vector<32x1xi32>, vector<32x1xi32>, vector<32x1xi32>, vector<32x1xi32>, vector<32x1xi32>, vector<32x1xi32>, vector<32x1xi32>, vector<32x1xi32>, vector<32x1xi32>, vector<32x1xi32>, vector<32x1xi32>, vector<32x1xi32>, vector<32x1xi32>, vector<32x1xi32>, vector<32x1xi32> -> vector<32x16xi32>
      %jit3A_259 = arith.constant 128 : i32
      %div3A = vector.broadcast %jit3A_259 : i32 to vector<32x16xi32>
      %div3A_260 = arith.divsi %concatenate3A, %div3A : vector<32x16xi32>
      %sign3A = arith.constant 0 : i32
      %sign3A_261 = vector.broadcast %sign3A : i32 to vector<32x16xi32>
      %sign3A_262 = arith.cmpi sgt, %concatenate3A, %sign3A_261 : vector<32x16xi32>
      %sign3A_263 = arith.extui %sign3A_262 : vector<32x16xi1> to vector<32x16xi32>
      %sign3A_264 = arith.constant 0 : i32
      %sign3A_265 = vector.broadcast %sign3A_264 : i32 to vector<32x16xi32>
      %sign3A_266 = arith.cmpi slt, %concatenate3A, %sign3A_265 : vector<32x16xi32>
      %sign3A_267 = arith.extui %sign3A_266 : vector<32x16xi1> to vector<32x16xi32>
      %sign3A_268 = arith.subi %sign3A_263, %sign3A_267 : vector<32x16xi32>
      %sign3A_269 = arith.constant 0 : i32
      %sign3A_270 = arith.cmpi sgt, %jit3A_259, %sign3A_269 : i32
      %sign3A_271 = arith.extui %sign3A_270 : i1 to i32
      %sign3A_272 = arith.constant 0 : i32
      %sign3A_273 = arith.cmpi slt, %jit3A_259, %sign3A_272 : i32
      %sign3A_274 = arith.extui %sign3A_273 : i1 to i32
      %sign3A_275 = arith.subi %sign3A_271, %sign3A_274 : i32
      %ne3A = vector.broadcast %sign3A_275 : i32 to vector<32x16xi32>
      %ne3A_276 = arith.cmpi ne, %sign3A_268, %ne3A : vector<32x16xi32>
      %rem3A = vector.broadcast %jit3A_259 : i32 to vector<32x16xi32>
      %rem3A_277 = arith.remsi %concatenate3A, %rem3A : vector<32x16xi32>
      %ne3A_278 = arith.constant 0 : i32
      %ne3A_279 = vector.broadcast %ne3A_278 : i32 to vector<32x16xi32>
      %ne3A_280 = arith.cmpi ne, %rem3A_277, %ne3A_279 : vector<32x16xi32>
      %and3A = arith.andi %ne3A_276, %ne3A_280 : vector<32x16xi1>
      %sub3A = arith.constant 1 : i32
      %sub3A_281 = vector.broadcast %sub3A : i32 to vector<32x16xi32>
      %sub3A_282 = arith.subi %div3A_260, %sub3A_281 : vector<32x16xi32>
      %select_n3A_283 = arith.select %and3A, %sub3A_282, %div3A_260 : vector<32x16xi1>, vector<32x16xi32>
      %mul3A = arith.constant 100 : i32
      %mul3A_284 = vector.broadcast %mul3A : i32 to vector<32x16xi32>
      %mul3A_285 = arith.muli %select_n3A_283, %mul3A_284 : vector<32x16xi32>
      %jit3A_286 = arith.constant 128 : i32
      %eq3A_287 = arith.constant 0 : i32
      %eq3A_288 = arith.cmpi eq, %jit3A_286, %eq3A_287 : i32
      %jit3A_289 = arith.constant 1 : i32
      %select_n3A_290 = arith.select %eq3A_288, %jit3A_289, %jit3A_286 : i32
      %rem3A_291 = vector.broadcast %select_n3A_290 : i32 to vector<32x16xi32>
      %rem3A_292 = arith.remsi %concatenate3A, %rem3A_291 : vector<32x16xi32>
      %ne3A_293 = arith.constant 0 : i32
      %ne3A_294 = vector.broadcast %ne3A_293 : i32 to vector<32x16xi32>
      %ne3A_295 = arith.cmpi ne, %rem3A_292, %ne3A_294 : vector<32x16xi32>
      %lt3A_296 = arith.constant 0 : i32
      %lt3A_297 = vector.broadcast %lt3A_296 : i32 to vector<32x16xi32>
      %lt3A_298 = arith.cmpi slt, %rem3A_292, %lt3A_297 : vector<32x16xi32>
      %lt3A_299 = arith.constant 0 : i32
      %lt3A_300 = arith.cmpi slt, %select_n3A_290, %lt3A_299 : i32
      %ne3A_301 = vector.broadcast %lt3A_300 : i1 to vector<32x16xi1>
      %ne3A_302 = vector.broadcast %ne3A_301 : vector<32x16xi1> to vector<32x16xi1>
      %ne3A_303 = arith.xori %lt3A_298, %ne3A_302 : vector<32x16xi1>
      %and3A_304 = arith.andi %ne3A_303, %ne3A_295 : vector<32x16xi1>
      %add3A = vector.broadcast %select_n3A_290 : i32 to vector<32x16xi32>
      %add3A_305 = arith.addi %rem3A_292, %add3A : vector<32x16xi32>
      %select_n3A_306 = arith.select %and3A_304, %add3A_305, %rem3A_292 : vector<32x16xi1>, vector<32x16xi32>
      %add3A_307 = arith.addi %mul3A_285, %select_n3A_306 : vector<32x16xi32>
      %mul3A_308 = arith.constant 128 : i32
      %mul3A_309 = vector.broadcast %mul3A_308 : i32 to vector<32x16xi32>
      %mul3A_310 = arith.muli %add3A_307, %mul3A_309 : vector<32x16xi32>
      %broadcast_in_dim3A_311 = arith.constant 0 : i32
      %broadcast_in_dim3A_312 = vector.broadcast %broadcast_in_dim3A_311 : i32 to vector<32x112xi32>
      %concatenate3A_313 = tpu.concatenate %mul3A_310, %broadcast_in_dim3A_312 in 1 : vector<32x16xi32>, vector<32x112xi32> -> vector<32x128xi32>
      %swap3A = arith.constant 0 : index
      %swap3A_314 = arith.constant 0 : index
      %swap3A_315 = vector.load %arg9[%swap3A, %swap3A_314] : memref<32x128xi32, #tpu.memory_space<vmem>>, vector<32x128xi32>
      tpu.vector_store %arg9[%swap3A, %swap3A_314], %concatenate3A_313 {strides = array<i32>} : memref<32x128xi32, #tpu.memory_space<vmem>>, vector<32x128xi32>,
    } else {
    }
    return
  }
  func.func @transform_0(%arg0: i32) -> i32 {
    %c0_i32 = arith.constant 0 : i32
    %c0_i32_0 = arith.constant 0 : i32
    return %c0_i32 : i32
  }
  func.func @transform_1(%arg0: i32) -> (i32, i32) {
    %c0_i32 = arith.constant 0 : i32
    %c0_i32_0 = arith.constant 0 : i32
    %c0_i32_1 = arith.constant 0 : i32
    return %c0_i32, %c0_i32_0 : i32, i32
  }
  func.func @transform_2(%arg0: i32) -> (i32, i32) {
    %c0_i32 = arith.constant 0 : i32
    %c0_i32_0 = arith.constant 0 : i32
    %c0_i32_1 = arith.constant 0 : i32
    return %c0_i32, %c0_i32_0 : i32, i32
  }
  func.func @transform_3(%arg0: i32) -> (i32, i32) {
    %c0_i32 = arith.constant 0 : i32
    %c0_i32_0 = arith.constant 0 : i32
    %c0_i32_1 = arith.constant 0 : i32
    return %c0_i32, %c0_i32_0 : i32, i32
  }
  func.func @transform_4(%arg0: i32) -> (i32, i32) {
    %min3A = arith.constant 7 : i32
    %min3A_0 = arith.minsi %arg0, %min3A : i32
    %c0_i32 = arith.constant 0 : i32
    %c0_i32_1 = arith.constant 0 : i32
    return %min3A_0, %c0_i32 : i32, i32
  }
  func.func @transform_5(%arg0: i32) -> (i32, i32) {
    %min3A = arith.constant 7 : i32
    %min3A_0 = arith.minsi %arg0, %min3A : i32
    %c0_i32 = arith.constant 0 : i32
    %c0_i32_1 = arith.constant 0 : i32
    return %c0_i32, %min3A_0 : i32, i32
  }
  func.func @transform_6(%arg0: i32) -> (i32, i32) {
    %min3A = arith.constant 7 : i32
    %min3A_0 = arith.minsi %arg0, %min3A : i32
    %c0_i32 = arith.constant 0 : i32
    %c0_i32_1 = arith.constant 0 : i32
    return %c0_i32, %min3A_0 : i32, i32
  }
  func.func @transform_7(%arg0: i32) -> (i32, i32) {
    %min3A = arith.constant 7 : i32
    %min3A_0 = arith.minsi %arg0, %min3A : i32
    %c0_i32 = arith.constant 0 : i32
    %c0_i32_1 = arith.constant 0 : i32
    return %c0_i32, %min3A_0 : i32, i32
  }
  func.func @transform_8(%arg0: i32) -> (i32, i32) {
    %c0_i32 = arith.constant 0 : i32
    %c0_i32_0 = arith.constant 0 : i32
    %c0_i32_1 = arith.constant 0 : i32
    return %c0_i32, %c0_i32_0 : i32, i32
  }
}

module attributes {stable_mosaic.version = 14 : i64} {
  func.func @_extract_kernel(%arg0: i32, %arg1: memref<512xi32, #tpu.memory_space<smem>>, %arg2: memref<32x102400xf32, #tpu.memory_space<hbm>>, %arg3: memref<32x128xi32, #tpu.memory_space<vmem>>, %arg4: memref<1xi32, #tpu.memory_space<smem>>, %arg5: memref<32x128xf32, #tpu.memory_space<vmem>>, %arg6: memref<32x128xi32, #tpu.memory_space<vmem>>, %arg7: memref<32x2048xf32, #tpu.memory_space<vmem>>, %arg8: memref<!tpu.dma_semaphore, #tpu.memory_space<semaphore_mem>>) attributes {dimension_semantics = [#tpu.dimension_semantics<arbitrary>], iteration_bounds = array<i64: 1>, scalar_prefetch = 1 : i64, scratch_operands = 2 : i64, tpu.core_type = #tpu.core_type<tc>, window_params = [{}, {pipeline_mode = #tpu.pipeline_mode<synchronous>, transform_indices = @transform_1, window_bounds = array<i64: 32, 128>}, {transform_indices = @transform_2, window_bounds = array<i64: 1>}, {pipeline_mode = #tpu.pipeline_mode<synchronous>, transform_indices = @transform_3, window_bounds = array<i64: 32, 128>}, {pipeline_mode = #tpu.pipeline_mode<synchronous>, transform_indices = @transform_4, window_bounds = array<i64: 32, 128>}]} {
    %scan3A = arith.constant 0 : i32
    %scan3A_0 = arith.constant 16 : i32
    %scan3A_1 = arith.addi %scan3A, %scan3A_0 : i32
    %scan3A_2 = arith.constant 1 : i32
    scf.for %scan3A_751 = %scan3A to %scan3A_1 step %scan3A_2  : i32 {
      %add3A_752 = arith.constant 0 : i32
      %add3A_753 = arith.addi %add3A_752, %scan3A_751 : i32
      %get3A_754 = arith.index_cast %add3A_753 : i32 to index
      %get3A_755 = memref.load %arg1[%get3A_754] : memref<512xi32, #tpu.memory_space<smem>>
      %multiple_of3A = tpu.assume_multiple %get3A_755, 128 : i32
      %mul3A = arith.constant 128 : i32
      %mul3A_756 = arith.muli %scan3A_751, %mul3A : i32
      %multiple_of3A_757 = tpu.assume_multiple %mul3A_756, 128 : i32
      %dma_start3A = arith.constant 0 : i32
      %dma_start3A_758 = tpu.memref_slice %arg7[%dma_start3A, %multiple_of3A_757] : memref<32x2048xf32, #tpu.memory_space<vmem>> -> memref<1x128xf32, #tpu.memory_space<vmem>>
      %dma_start3A_759 = arith.constant 0 : i32
      %dma_start3A_760 = tpu.memref_slice %arg2[%dma_start3A_759, %multiple_of3A] : memref<32x102400xf32, #tpu.memory_space<hbm>> -> memref<1x128xf32, #tpu.memory_space<hbm>>
      tpu.enqueue_dma source(%dma_start3A_760 : memref<1x128xf32, #tpu.memory_space<hbm>>) target(%dma_start3A_758 : memref<1x128xf32, #tpu.memory_space<vmem>>) target_semaphore(%arg8 : memref<!tpu.dma_semaphore, #tpu.memory_space<semaphore_mem>>)
    }
    %scan3A_3 = arith.constant 16 : i32
    %scan3A_4 = arith.constant 0 : i32
    %scan3A_5 = arith.constant 16 : i32
    %scan3A_6 = arith.addi %scan3A_4, %scan3A_5 : i32
    %scan3A_7 = arith.constant 1 : i32
    scf.for %scan3A_751 = %scan3A_4 to %scan3A_6 step %scan3A_7  : i32 {
      %add3A_752 = arith.constant 16 : i32
      %add3A_753 = arith.addi %add3A_752, %scan3A_751 : i32
      %get3A_754 = arith.index_cast %add3A_753 : i32 to index
      %get3A_755 = memref.load %arg1[%get3A_754] : memref<512xi32, #tpu.memory_space<smem>>
      %multiple_of3A = tpu.assume_multiple %get3A_755, 128 : i32
      %mul3A = arith.constant 128 : i32
      %mul3A_756 = arith.muli %scan3A_751, %mul3A : i32
      %multiple_of3A_757 = tpu.assume_multiple %mul3A_756, 128 : i32
      %dma_start3A = arith.constant 1 : i32
      %dma_start3A_758 = tpu.memref_slice %arg7[%dma_start3A, %multiple_of3A_757] : memref<32x2048xf32, #tpu.memory_space<vmem>> -> memref<1x128xf32, #tpu.memory_space<vmem>>
      %dma_start3A_759 = arith.constant 1 : i32
      %dma_start3A_760 = tpu.memref_slice %arg2[%dma_start3A_759, %multiple_of3A] : memref<32x102400xf32, #tpu.memory_space<hbm>> -> memref<1x128xf32, #tpu.memory_space<hbm>>
      tpu.enqueue_dma source(%dma_start3A_760 : memref<1x128xf32, #tpu.memory_space<hbm>>) target(%dma_start3A_758 : memref<1x128xf32, #tpu.memory_space<vmem>>) target_semaphore(%arg8 : memref<!tpu.dma_semaphore, #tpu.memory_space<semaphore_mem>>)
    }
    %scan3A_8 = arith.constant 16 : i32
    %scan3A_9 = arith.constant 0 : i32
    %scan3A_10 = arith.constant 16 : i32
    %scan3A_11 = arith.addi %scan3A_9, %scan3A_10 : i32
    %scan3A_12 = arith.constant 1 : i32
    scf.for %scan3A_751 = %scan3A_9 to %scan3A_11 step %scan3A_12  : i32 {
      %add3A_752 = arith.constant 32 : i32
      %add3A_753 = arith.addi %add3A_752, %scan3A_751 : i32
      %get3A_754 = arith.index_cast %add3A_753 : i32 to index
      %get3A_755 = memref.load %arg1[%get3A_754] : memref<512xi32, #tpu.memory_space<smem>>
      %multiple_of3A = tpu.assume_multiple %get3A_755, 128 : i32
      %mul3A = arith.constant 128 : i32
      %mul3A_756 = arith.muli %scan3A_751, %mul3A : i32
      %multiple_of3A_757 = tpu.assume_multiple %mul3A_756, 128 : i32
      %dma_start3A = arith.constant 2 : i32
      %dma_start3A_758 = tpu.memref_slice %arg7[%dma_start3A, %multiple_of3A_757] : memref<32x2048xf32, #tpu.memory_space<vmem>> -> memref<1x128xf32, #tpu.memory_space<vmem>>
      %dma_start3A_759 = arith.constant 2 : i32
      %dma_start3A_760 = tpu.memref_slice %arg2[%dma_start3A_759, %multiple_of3A] : memref<32x102400xf32, #tpu.memory_space<hbm>> -> memref<1x128xf32, #tpu.memory_space<hbm>>
      tpu.enqueue_dma source(%dma_start3A_760 : memref<1x128xf32, #tpu.memory_space<hbm>>) target(%dma_start3A_758 : memref<1x128xf32, #tpu.memory_space<vmem>>) target_semaphore(%arg8 : memref<!tpu.dma_semaphore, #tpu.memory_space<semaphore_mem>>)
    }
    %scan3A_13 = arith.constant 16 : i32
    %scan3A_14 = arith.constant 0 : i32
    %scan3A_15 = arith.constant 16 : i32
    %scan3A_16 = arith.addi %scan3A_14, %scan3A_15 : i32
    %scan3A_17 = arith.constant 1 : i32
    scf.for %scan3A_751 = %scan3A_14 to %scan3A_16 step %scan3A_17  : i32 {
      %add3A_752 = arith.constant 48 : i32
      %add3A_753 = arith.addi %add3A_752, %scan3A_751 : i32
      %get3A_754 = arith.index_cast %add3A_753 : i32 to index
      %get3A_755 = memref.load %arg1[%get3A_754] : memref<512xi32, #tpu.memory_space<smem>>
      %multiple_of3A = tpu.assume_multiple %get3A_755, 128 : i32
      %mul3A = arith.constant 128 : i32
      %mul3A_756 = arith.muli %scan3A_751, %mul3A : i32
      %multiple_of3A_757 = tpu.assume_multiple %mul3A_756, 128 : i32
      %dma_start3A = arith.constant 3 : i32
      %dma_start3A_758 = tpu.memref_slice %arg7[%dma_start3A, %multiple_of3A_757] : memref<32x2048xf32, #tpu.memory_space<vmem>> -> memref<1x128xf32, #tpu.memory_space<vmem>>
      %dma_start3A_759 = arith.constant 3 : i32
      %dma_start3A_760 = tpu.memref_slice %arg2[%dma_start3A_759, %multiple_of3A] : memref<32x102400xf32, #tpu.memory_space<hbm>> -> memref<1x128xf32, #tpu.memory_space<hbm>>
      tpu.enqueue_dma source(%dma_start3A_760 : memref<1x128xf32, #tpu.memory_space<hbm>>) target(%dma_start3A_758 : memref<1x128xf32, #tpu.memory_space<vmem>>) target_semaphore(%arg8 : memref<!tpu.dma_semaphore, #tpu.memory_space<semaphore_mem>>)
    }
    %scan3A_18 = arith.constant 16 : i32
    %scan3A_19 = arith.constant 0 : i32
    %scan3A_20 = arith.constant 16 : i32
    %scan3A_21 = arith.addi %scan3A_19, %scan3A_20 : i32
    %scan3A_22 = arith.constant 1 : i32
    scf.for %scan3A_751 = %scan3A_19 to %scan3A_21 step %scan3A_22  : i32 {
      %add3A_752 = arith.constant 64 : i32
      %add3A_753 = arith.addi %add3A_752, %scan3A_751 : i32
      %get3A_754 = arith.index_cast %add3A_753 : i32 to index
      %get3A_755 = memref.load %arg1[%get3A_754] : memref<512xi32, #tpu.memory_space<smem>>
      %multiple_of3A = tpu.assume_multiple %get3A_755, 128 : i32
      %mul3A = arith.constant 128 : i32
      %mul3A_756 = arith.muli %scan3A_751, %mul3A : i32
      %multiple_of3A_757 = tpu.assume_multiple %mul3A_756, 128 : i32
      %dma_start3A = arith.constant 4 : i32
      %dma_start3A_758 = tpu.memref_slice %arg7[%dma_start3A, %multiple_of3A_757] : memref<32x2048xf32, #tpu.memory_space<vmem>> -> memref<1x128xf32, #tpu.memory_space<vmem>>
      %dma_start3A_759 = arith.constant 4 : i32
      %dma_start3A_760 = tpu.memref_slice %arg2[%dma_start3A_759, %multiple_of3A] : memref<32x102400xf32, #tpu.memory_space<hbm>> -> memref<1x128xf32, #tpu.memory_space<hbm>>
      tpu.enqueue_dma source(%dma_start3A_760 : memref<1x128xf32, #tpu.memory_space<hbm>>) target(%dma_start3A_758 : memref<1x128xf32, #tpu.memory_space<vmem>>) target_semaphore(%arg8 : memref<!tpu.dma_semaphore, #tpu.memory_space<semaphore_mem>>)
    }
    %scan3A_23 = arith.constant 16 : i32
    %scan3A_24 = arith.constant 0 : i32
    %scan3A_25 = arith.constant 16 : i32
    %scan3A_26 = arith.addi %scan3A_24, %scan3A_25 : i32
    %scan3A_27 = arith.constant 1 : i32
    scf.for %scan3A_751 = %scan3A_24 to %scan3A_26 step %scan3A_27  : i32 {
      %add3A_752 = arith.constant 80 : i32
      %add3A_753 = arith.addi %add3A_752, %scan3A_751 : i32
      %get3A_754 = arith.index_cast %add3A_753 : i32 to index
      %get3A_755 = memref.load %arg1[%get3A_754] : memref<512xi32, #tpu.memory_space<smem>>
      %multiple_of3A = tpu.assume_multiple %get3A_755, 128 : i32
      %mul3A = arith.constant 128 : i32
      %mul3A_756 = arith.muli %scan3A_751, %mul3A : i32
      %multiple_of3A_757 = tpu.assume_multiple %mul3A_756, 128 : i32
      %dma_start3A = arith.constant 5 : i32
      %dma_start3A_758 = tpu.memref_slice %arg7[%dma_start3A, %multiple_of3A_757] : memref<32x2048xf32, #tpu.memory_space<vmem>> -> memref<1x128xf32, #tpu.memory_space<vmem>>
      %dma_start3A_759 = arith.constant 5 : i32
      %dma_start3A_760 = tpu.memref_slice %arg2[%dma_start3A_759, %multiple_of3A] : memref<32x102400xf32, #tpu.memory_space<hbm>> -> memref<1x128xf32, #tpu.memory_space<hbm>>
      tpu.enqueue_dma source(%dma_start3A_760 : memref<1x128xf32, #tpu.memory_space<hbm>>) target(%dma_start3A_758 : memref<1x128xf32, #tpu.memory_space<vmem>>) target_semaphore(%arg8 : memref<!tpu.dma_semaphore, #tpu.memory_space<semaphore_mem>>)
    }
    %scan3A_28 = arith.constant 16 : i32
    %scan3A_29 = arith.constant 0 : i32
    %scan3A_30 = arith.constant 16 : i32
    %scan3A_31 = arith.addi %scan3A_29, %scan3A_30 : i32
    %scan3A_32 = arith.constant 1 : i32
    scf.for %scan3A_751 = %scan3A_29 to %scan3A_31 step %scan3A_32  : i32 {
      %add3A_752 = arith.constant 96 : i32
      %add3A_753 = arith.addi %add3A_752, %scan3A_751 : i32
      %get3A_754 = arith.index_cast %add3A_753 : i32 to index
      %get3A_755 = memref.load %arg1[%get3A_754] : memref<512xi32, #tpu.memory_space<smem>>
      %multiple_of3A = tpu.assume_multiple %get3A_755, 128 : i32
      %mul3A = arith.constant 128 : i32
      %mul3A_756 = arith.muli %scan3A_751, %mul3A : i32
      %multiple_of3A_757 = tpu.assume_multiple %mul3A_756, 128 : i32
      %dma_start3A = arith.constant 6 : i32
      %dma_start3A_758 = tpu.memref_slice %arg7[%dma_start3A, %multiple_of3A_757] : memref<32x2048xf32, #tpu.memory_space<vmem>> -> memref<1x128xf32, #tpu.memory_space<vmem>>
      %dma_start3A_759 = arith.constant 6 : i32
      %dma_start3A_760 = tpu.memref_slice %arg2[%dma_start3A_759, %multiple_of3A] : memref<32x102400xf32, #tpu.memory_space<hbm>> -> memref<1x128xf32, #tpu.memory_space<hbm>>
      tpu.enqueue_dma source(%dma_start3A_760 : memref<1x128xf32, #tpu.memory_space<hbm>>) target(%dma_start3A_758 : memref<1x128xf32, #tpu.memory_space<vmem>>) target_semaphore(%arg8 : memref<!tpu.dma_semaphore, #tpu.memory_space<semaphore_mem>>)
    }
    %scan3A_33 = arith.constant 16 : i32
    %scan3A_34 = arith.constant 0 : i32
    %scan3A_35 = arith.constant 16 : i32
    %scan3A_36 = arith.addi %scan3A_34, %scan3A_35 : i32
    %scan3A_37 = arith.constant 1 : i32
    scf.for %scan3A_751 = %scan3A_34 to %scan3A_36 step %scan3A_37  : i32 {
      %add3A_752 = arith.constant 112 : i32
      %add3A_753 = arith.addi %add3A_752, %scan3A_751 : i32
      %get3A_754 = arith.index_cast %add3A_753 : i32 to index
      %get3A_755 = memref.load %arg1[%get3A_754] : memref<512xi32, #tpu.memory_space<smem>>
      %multiple_of3A = tpu.assume_multiple %get3A_755, 128 : i32
      %mul3A = arith.constant 128 : i32
      %mul3A_756 = arith.muli %scan3A_751, %mul3A : i32
      %multiple_of3A_757 = tpu.assume_multiple %mul3A_756, 128 : i32
      %dma_start3A = arith.constant 7 : i32
      %dma_start3A_758 = tpu.memref_slice %arg7[%dma_start3A, %multiple_of3A_757] : memref<32x2048xf32, #tpu.memory_space<vmem>> -> memref<1x128xf32, #tpu.memory_space<vmem>>
      %dma_start3A_759 = arith.constant 7 : i32
      %dma_start3A_760 = tpu.memref_slice %arg2[%dma_start3A_759, %multiple_of3A] : memref<32x102400xf32, #tpu.memory_space<hbm>> -> memref<1x128xf32, #tpu.memory_space<hbm>>
      tpu.enqueue_dma source(%dma_start3A_760 : memref<1x128xf32, #tpu.memory_space<hbm>>) target(%dma_start3A_758 : memref<1x128xf32, #tpu.memory_space<vmem>>) target_semaphore(%arg8 : memref<!tpu.dma_semaphore, #tpu.memory_space<semaphore_mem>>)
    }
    %scan3A_38 = arith.constant 16 : i32
    %scan3A_39 = arith.constant 0 : i32
    %scan3A_40 = arith.constant 16 : i32
    %scan3A_41 = arith.addi %scan3A_39, %scan3A_40 : i32
    %scan3A_42 = arith.constant 1 : i32
    scf.for %scan3A_751 = %scan3A_39 to %scan3A_41 step %scan3A_42  : i32 {
      %add3A_752 = arith.constant 128 : i32
      %add3A_753 = arith.addi %add3A_752, %scan3A_751 : i32
      %get3A_754 = arith.index_cast %add3A_753 : i32 to index
      %get3A_755 = memref.load %arg1[%get3A_754] : memref<512xi32, #tpu.memory_space<smem>>
      %multiple_of3A = tpu.assume_multiple %get3A_755, 128 : i32
      %mul3A = arith.constant 128 : i32
      %mul3A_756 = arith.muli %scan3A_751, %mul3A : i32
      %multiple_of3A_757 = tpu.assume_multiple %mul3A_756, 128 : i32
      %dma_start3A = arith.constant 8 : i32
      %dma_start3A_758 = tpu.memref_slice %arg7[%dma_start3A, %multiple_of3A_757] : memref<32x2048xf32, #tpu.memory_space<vmem>> -> memref<1x128xf32, #tpu.memory_space<vmem>>
      %dma_start3A_759 = arith.constant 8 : i32
      %dma_start3A_760 = tpu.memref_slice %arg2[%dma_start3A_759, %multiple_of3A] : memref<32x102400xf32, #tpu.memory_space<hbm>> -> memref<1x128xf32, #tpu.memory_space<hbm>>
      tpu.enqueue_dma source(%dma_start3A_760 : memref<1x128xf32, #tpu.memory_space<hbm>>) target(%dma_start3A_758 : memref<1x128xf32, #tpu.memory_space<vmem>>) target_semaphore(%arg8 : memref<!tpu.dma_semaphore, #tpu.memory_space<semaphore_mem>>)
    }
    %scan3A_43 = arith.constant 16 : i32
    %scan3A_44 = arith.constant 0 : i32
    %scan3A_45 = arith.constant 16 : i32
    %scan3A_46 = arith.addi %scan3A_44, %scan3A_45 : i32
    %scan3A_47 = arith.constant 1 : i32
    scf.for %scan3A_751 = %scan3A_44 to %scan3A_46 step %scan3A_47  : i32 {
      %add3A_752 = arith.constant 144 : i32
      %add3A_753 = arith.addi %add3A_752, %scan3A_751 : i32
      %get3A_754 = arith.index_cast %add3A_753 : i32 to index
      %get3A_755 = memref.load %arg1[%get3A_754] : memref<512xi32, #tpu.memory_space<smem>>
      %multiple_of3A = tpu.assume_multiple %get3A_755, 128 : i32
      %mul3A = arith.constant 128 : i32
      %mul3A_756 = arith.muli %scan3A_751, %mul3A : i32
      %multiple_of3A_757 = tpu.assume_multiple %mul3A_756, 128 : i32
      %dma_start3A = arith.constant 9 : i32
      %dma_start3A_758 = tpu.memref_slice %arg7[%dma_start3A, %multiple_of3A_757] : memref<32x2048xf32, #tpu.memory_space<vmem>> -> memref<1x128xf32, #tpu.memory_space<vmem>>
      %dma_start3A_759 = arith.constant 9 : i32
      %dma_start3A_760 = tpu.memref_slice %arg2[%dma_start3A_759, %multiple_of3A] : memref<32x102400xf32, #tpu.memory_space<hbm>> -> memref<1x128xf32, #tpu.memory_space<hbm>>
      tpu.enqueue_dma source(%dma_start3A_760 : memref<1x128xf32, #tpu.memory_space<hbm>>) target(%dma_start3A_758 : memref<1x128xf32, #tpu.memory_space<vmem>>) target_semaphore(%arg8 : memref<!tpu.dma_semaphore, #tpu.memory_space<semaphore_mem>>)
    }
    %scan3A_48 = arith.constant 16 : i32
    %scan3A_49 = arith.constant 0 : i32
    %scan3A_50 = arith.constant 16 : i32
    %scan3A_51 = arith.addi %scan3A_49, %scan3A_50 : i32
    %scan3A_52 = arith.constant 1 : i32
    scf.for %scan3A_751 = %scan3A_49 to %scan3A_51 step %scan3A_52  : i32 {
      %add3A_752 = arith.constant 160 : i32
      %add3A_753 = arith.addi %add3A_752, %scan3A_751 : i32
      %get3A_754 = arith.index_cast %add3A_753 : i32 to index
      %get3A_755 = memref.load %arg1[%get3A_754] : memref<512xi32, #tpu.memory_space<smem>>
      %multiple_of3A = tpu.assume_multiple %get3A_755, 128 : i32
      %mul3A = arith.constant 128 : i32
      %mul3A_756 = arith.muli %scan3A_751, %mul3A : i32
      %multiple_of3A_757 = tpu.assume_multiple %mul3A_756, 128 : i32
      %dma_start3A = arith.constant 10 : i32
      %dma_start3A_758 = tpu.memref_slice %arg7[%dma_start3A, %multiple_of3A_757] : memref<32x2048xf32, #tpu.memory_space<vmem>> -> memref<1x128xf32, #tpu.memory_space<vmem>>
      %dma_start3A_759 = arith.constant 10 : i32
      %dma_start3A_760 = tpu.memref_slice %arg2[%dma_start3A_759, %multiple_of3A] : memref<32x102400xf32, #tpu.memory_space<hbm>> -> memref<1x128xf32, #tpu.memory_space<hbm>>
      tpu.enqueue_dma source(%dma_start3A_760 : memref<1x128xf32, #tpu.memory_space<hbm>>) target(%dma_start3A_758 : memref<1x128xf32, #tpu.memory_space<vmem>>) target_semaphore(%arg8 : memref<!tpu.dma_semaphore, #tpu.memory_space<semaphore_mem>>)
    }
    %scan3A_53 = arith.constant 16 : i32
    %scan3A_54 = arith.constant 0 : i32
    %scan3A_55 = arith.constant 16 : i32
    %scan3A_56 = arith.addi %scan3A_54, %scan3A_55 : i32
    %scan3A_57 = arith.constant 1 : i32
    scf.for %scan3A_751 = %scan3A_54 to %scan3A_56 step %scan3A_57  : i32 {
      %add3A_752 = arith.constant 176 : i32
      %add3A_753 = arith.addi %add3A_752, %scan3A_751 : i32
      %get3A_754 = arith.index_cast %add3A_753 : i32 to index
      %get3A_755 = memref.load %arg1[%get3A_754] : memref<512xi32, #tpu.memory_space<smem>>
      %multiple_of3A = tpu.assume_multiple %get3A_755, 128 : i32
      %mul3A = arith.constant 128 : i32
      %mul3A_756 = arith.muli %scan3A_751, %mul3A : i32
      %multiple_of3A_757 = tpu.assume_multiple %mul3A_756, 128 : i32
      %dma_start3A = arith.constant 11 : i32
      %dma_start3A_758 = tpu.memref_slice %arg7[%dma_start3A, %multiple_of3A_757] : memref<32x2048xf32, #tpu.memory_space<vmem>> -> memref<1x128xf32, #tpu.memory_space<vmem>>
      %dma_start3A_759 = arith.constant 11 : i32
      %dma_start3A_760 = tpu.memref_slice %arg2[%dma_start3A_759, %multiple_of3A] : memref<32x102400xf32, #tpu.memory_space<hbm>> -> memref<1x128xf32, #tpu.memory_space<hbm>>
      tpu.enqueue_dma source(%dma_start3A_760 : memref<1x128xf32, #tpu.memory_space<hbm>>) target(%dma_start3A_758 : memref<1x128xf32, #tpu.memory_space<vmem>>) target_semaphore(%arg8 : memref<!tpu.dma_semaphore, #tpu.memory_space<semaphore_mem>>)
    }
    %scan3A_58 = arith.constant 16 : i32
    %scan3A_59 = arith.constant 0 : i32
    %scan3A_60 = arith.constant 16 : i32
    %scan3A_61 = arith.addi %scan3A_59, %scan3A_60 : i32
    %scan3A_62 = arith.constant 1 : i32
    scf.for %scan3A_751 = %scan3A_59 to %scan3A_61 step %scan3A_62  : i32 {
      %add3A_752 = arith.constant 192 : i32
      %add3A_753 = arith.addi %add3A_752, %scan3A_751 : i32
      %get3A_754 = arith.index_cast %add3A_753 : i32 to index
      %get3A_755 = memref.load %arg1[%get3A_754] : memref<512xi32, #tpu.memory_space<smem>>
      %multiple_of3A = tpu.assume_multiple %get3A_755, 128 : i32
      %mul3A = arith.constant 128 : i32
      %mul3A_756 = arith.muli %scan3A_751, %mul3A : i32
      %multiple_of3A_757 = tpu.assume_multiple %mul3A_756, 128 : i32
      %dma_start3A = arith.constant 12 : i32
      %dma_start3A_758 = tpu.memref_slice %arg7[%dma_start3A, %multiple_of3A_757] : memref<32x2048xf32, #tpu.memory_space<vmem>> -> memref<1x128xf32, #tpu.memory_space<vmem>>
      %dma_start3A_759 = arith.constant 12 : i32
      %dma_start3A_760 = tpu.memref_slice %arg2[%dma_start3A_759, %multiple_of3A] : memref<32x102400xf32, #tpu.memory_space<hbm>> -> memref<1x128xf32, #tpu.memory_space<hbm>>
      tpu.enqueue_dma source(%dma_start3A_760 : memref<1x128xf32, #tpu.memory_space<hbm>>) target(%dma_start3A_758 : memref<1x128xf32, #tpu.memory_space<vmem>>) target_semaphore(%arg8 : memref<!tpu.dma_semaphore, #tpu.memory_space<semaphore_mem>>)
    }
    %scan3A_63 = arith.constant 16 : i32
    %scan3A_64 = arith.constant 0 : i32
    %scan3A_65 = arith.constant 16 : i32
    %scan3A_66 = arith.addi %scan3A_64, %scan3A_65 : i32
    %scan3A_67 = arith.constant 1 : i32
    scf.for %scan3A_751 = %scan3A_64 to %scan3A_66 step %scan3A_67  : i32 {
      %add3A_752 = arith.constant 208 : i32
      %add3A_753 = arith.addi %add3A_752, %scan3A_751 : i32
      %get3A_754 = arith.index_cast %add3A_753 : i32 to index
      %get3A_755 = memref.load %arg1[%get3A_754] : memref<512xi32, #tpu.memory_space<smem>>
      %multiple_of3A = tpu.assume_multiple %get3A_755, 128 : i32
      %mul3A = arith.constant 128 : i32
      %mul3A_756 = arith.muli %scan3A_751, %mul3A : i32
      %multiple_of3A_757 = tpu.assume_multiple %mul3A_756, 128 : i32
      %dma_start3A = arith.constant 13 : i32
      %dma_start3A_758 = tpu.memref_slice %arg7[%dma_start3A, %multiple_of3A_757] : memref<32x2048xf32, #tpu.memory_space<vmem>> -> memref<1x128xf32, #tpu.memory_space<vmem>>
      %dma_start3A_759 = arith.constant 13 : i32
      %dma_start3A_760 = tpu.memref_slice %arg2[%dma_start3A_759, %multiple_of3A] : memref<32x102400xf32, #tpu.memory_space<hbm>> -> memref<1x128xf32, #tpu.memory_space<hbm>>
      tpu.enqueue_dma source(%dma_start3A_760 : memref<1x128xf32, #tpu.memory_space<hbm>>) target(%dma_start3A_758 : memref<1x128xf32, #tpu.memory_space<vmem>>) target_semaphore(%arg8 : memref<!tpu.dma_semaphore, #tpu.memory_space<semaphore_mem>>)
    }
    %scan3A_68 = arith.constant 16 : i32
    %scan3A_69 = arith.constant 0 : i32
    %scan3A_70 = arith.constant 16 : i32
    %scan3A_71 = arith.addi %scan3A_69, %scan3A_70 : i32
    %scan3A_72 = arith.constant 1 : i32
    scf.for %scan3A_751 = %scan3A_69 to %scan3A_71 step %scan3A_72  : i32 {
      %add3A_752 = arith.constant 224 : i32
      %add3A_753 = arith.addi %add3A_752, %scan3A_751 : i32
      %get3A_754 = arith.index_cast %add3A_753 : i32 to index
      %get3A_755 = memref.load %arg1[%get3A_754] : memref<512xi32, #tpu.memory_space<smem>>
      %multiple_of3A = tpu.assume_multiple %get3A_755, 128 : i32
      %mul3A = arith.constant 128 : i32
      %mul3A_756 = arith.muli %scan3A_751, %mul3A : i32
      %multiple_of3A_757 = tpu.assume_multiple %mul3A_756, 128 : i32
      %dma_start3A = arith.constant 14 : i32
      %dma_start3A_758 = tpu.memref_slice %arg7[%dma_start3A, %multiple_of3A_757] : memref<32x2048xf32, #tpu.memory_space<vmem>> -> memref<1x128xf32, #tpu.memory_space<vmem>>
      %dma_start3A_759 = arith.constant 14 : i32
      %dma_start3A_760 = tpu.memref_slice %arg2[%dma_start3A_759, %multiple_of3A] : memref<32x102400xf32, #tpu.memory_space<hbm>> -> memref<1x128xf32, #tpu.memory_space<hbm>>
      tpu.enqueue_dma source(%dma_start3A_760 : memref<1x128xf32, #tpu.memory_space<hbm>>) target(%dma_start3A_758 : memref<1x128xf32, #tpu.memory_space<vmem>>) target_semaphore(%arg8 : memref<!tpu.dma_semaphore, #tpu.memory_space<semaphore_mem>>)
    }
    %scan3A_73 = arith.constant 16 : i32
    %scan3A_74 = arith.constant 0 : i32
    %scan3A_75 = arith.constant 16 : i32
    %scan3A_76 = arith.addi %scan3A_74, %scan3A_75 : i32
    %scan3A_77 = arith.constant 1 : i32
    scf.for %scan3A_751 = %scan3A_74 to %scan3A_76 step %scan3A_77  : i32 {
      %add3A_752 = arith.constant 240 : i32
      %add3A_753 = arith.addi %add3A_752, %scan3A_751 : i32
      %get3A_754 = arith.index_cast %add3A_753 : i32 to index
      %get3A_755 = memref.load %arg1[%get3A_754] : memref<512xi32, #tpu.memory_space<smem>>
      %multiple_of3A = tpu.assume_multiple %get3A_755, 128 : i32
      %mul3A = arith.constant 128 : i32
      %mul3A_756 = arith.muli %scan3A_751, %mul3A : i32
      %multiple_of3A_757 = tpu.assume_multiple %mul3A_756, 128 : i32
      %dma_start3A = arith.constant 15 : i32
      %dma_start3A_758 = tpu.memref_slice %arg7[%dma_start3A, %multiple_of3A_757] : memref<32x2048xf32, #tpu.memory_space<vmem>> -> memref<1x128xf32, #tpu.memory_space<vmem>>
      %dma_start3A_759 = arith.constant 15 : i32
      %dma_start3A_760 = tpu.memref_slice %arg2[%dma_start3A_759, %multiple_of3A] : memref<32x102400xf32, #tpu.memory_space<hbm>> -> memref<1x128xf32, #tpu.memory_space<hbm>>
      tpu.enqueue_dma source(%dma_start3A_760 : memref<1x128xf32, #tpu.memory_space<hbm>>) target(%dma_start3A_758 : memref<1x128xf32, #tpu.memory_space<vmem>>) target_semaphore(%arg8 : memref<!tpu.dma_semaphore, #tpu.memory_space<semaphore_mem>>)
    }
    %scan3A_78 = arith.constant 16 : i32
    %scan3A_79 = arith.constant 0 : i32
    %scan3A_80 = arith.constant 16 : i32
    %scan3A_81 = arith.addi %scan3A_79, %scan3A_80 : i32
    %scan3A_82 = arith.constant 1 : i32
    scf.for %scan3A_751 = %scan3A_79 to %scan3A_81 step %scan3A_82  : i32 {
      %add3A_752 = arith.constant 256 : i32
      %add3A_753 = arith.addi %add3A_752, %scan3A_751 : i32
      %get3A_754 = arith.index_cast %add3A_753 : i32 to index
      %get3A_755 = memref.load %arg1[%get3A_754] : memref<512xi32, #tpu.memory_space<smem>>
      %multiple_of3A = tpu.assume_multiple %get3A_755, 128 : i32
      %mul3A = arith.constant 128 : i32
      %mul3A_756 = arith.muli %scan3A_751, %mul3A : i32
      %multiple_of3A_757 = tpu.assume_multiple %mul3A_756, 128 : i32
      %dma_start3A = arith.constant 16 : i32
      %dma_start3A_758 = tpu.memref_slice %arg7[%dma_start3A, %multiple_of3A_757] : memref<32x2048xf32, #tpu.memory_space<vmem>> -> memref<1x128xf32, #tpu.memory_space<vmem>>
      %dma_start3A_759 = arith.constant 16 : i32
      %dma_start3A_760 = tpu.memref_slice %arg2[%dma_start3A_759, %multiple_of3A] : memref<32x102400xf32, #tpu.memory_space<hbm>> -> memref<1x128xf32, #tpu.memory_space<hbm>>
      tpu.enqueue_dma source(%dma_start3A_760 : memref<1x128xf32, #tpu.memory_space<hbm>>) target(%dma_start3A_758 : memref<1x128xf32, #tpu.memory_space<vmem>>) target_semaphore(%arg8 : memref<!tpu.dma_semaphore, #tpu.memory_space<semaphore_mem>>)
    }
    %scan3A_83 = arith.constant 16 : i32
    %scan3A_84 = arith.constant 0 : i32
    %scan3A_85 = arith.constant 16 : i32
    %scan3A_86 = arith.addi %scan3A_84, %scan3A_85 : i32
    %scan3A_87 = arith.constant 1 : i32
    scf.for %scan3A_751 = %scan3A_84 to %scan3A_86 step %scan3A_87  : i32 {
      %add3A_752 = arith.constant 272 : i32
      %add3A_753 = arith.addi %add3A_752, %scan3A_751 : i32
      %get3A_754 = arith.index_cast %add3A_753 : i32 to index
      %get3A_755 = memref.load %arg1[%get3A_754] : memref<512xi32, #tpu.memory_space<smem>>
      %multiple_of3A = tpu.assume_multiple %get3A_755, 128 : i32
      %mul3A = arith.constant 128 : i32
      %mul3A_756 = arith.muli %scan3A_751, %mul3A : i32
      %multiple_of3A_757 = tpu.assume_multiple %mul3A_756, 128 : i32
      %dma_start3A = arith.constant 17 : i32
      %dma_start3A_758 = tpu.memref_slice %arg7[%dma_start3A, %multiple_of3A_757] : memref<32x2048xf32, #tpu.memory_space<vmem>> -> memref<1x128xf32, #tpu.memory_space<vmem>>
      %dma_start3A_759 = arith.constant 17 : i32
      %dma_start3A_760 = tpu.memref_slice %arg2[%dma_start3A_759, %multiple_of3A] : memref<32x102400xf32, #tpu.memory_space<hbm>> -> memref<1x128xf32, #tpu.memory_space<hbm>>
      tpu.enqueue_dma source(%dma_start3A_760 : memref<1x128xf32, #tpu.memory_space<hbm>>) target(%dma_start3A_758 : memref<1x128xf32, #tpu.memory_space<vmem>>) target_semaphore(%arg8 : memref<!tpu.dma_semaphore, #tpu.memory_space<semaphore_mem>>)
    }
    %scan3A_88 = arith.constant 16 : i32
    %scan3A_89 = arith.constant 0 : i32
    %scan3A_90 = arith.constant 16 : i32
    %scan3A_91 = arith.addi %scan3A_89, %scan3A_90 : i32
    %scan3A_92 = arith.constant 1 : i32
    scf.for %scan3A_751 = %scan3A_89 to %scan3A_91 step %scan3A_92  : i32 {
      %add3A_752 = arith.constant 288 : i32
      %add3A_753 = arith.addi %add3A_752, %scan3A_751 : i32
      %get3A_754 = arith.index_cast %add3A_753 : i32 to index
      %get3A_755 = memref.load %arg1[%get3A_754] : memref<512xi32, #tpu.memory_space<smem>>
      %multiple_of3A = tpu.assume_multiple %get3A_755, 128 : i32
      %mul3A = arith.constant 128 : i32
      %mul3A_756 = arith.muli %scan3A_751, %mul3A : i32
      %multiple_of3A_757 = tpu.assume_multiple %mul3A_756, 128 : i32
      %dma_start3A = arith.constant 18 : i32
      %dma_start3A_758 = tpu.memref_slice %arg7[%dma_start3A, %multiple_of3A_757] : memref<32x2048xf32, #tpu.memory_space<vmem>> -> memref<1x128xf32, #tpu.memory_space<vmem>>
      %dma_start3A_759 = arith.constant 18 : i32
      %dma_start3A_760 = tpu.memref_slice %arg2[%dma_start3A_759, %multiple_of3A] : memref<32x102400xf32, #tpu.memory_space<hbm>> -> memref<1x128xf32, #tpu.memory_space<hbm>>
      tpu.enqueue_dma source(%dma_start3A_760 : memref<1x128xf32, #tpu.memory_space<hbm>>) target(%dma_start3A_758 : memref<1x128xf32, #tpu.memory_space<vmem>>) target_semaphore(%arg8 : memref<!tpu.dma_semaphore, #tpu.memory_space<semaphore_mem>>)
    }
    %scan3A_93 = arith.constant 16 : i32
    %scan3A_94 = arith.constant 0 : i32
    %scan3A_95 = arith.constant 16 : i32
    %scan3A_96 = arith.addi %scan3A_94, %scan3A_95 : i32
    %scan3A_97 = arith.constant 1 : i32
    scf.for %scan3A_751 = %scan3A_94 to %scan3A_96 step %scan3A_97  : i32 {
      %add3A_752 = arith.constant 304 : i32
      %add3A_753 = arith.addi %add3A_752, %scan3A_751 : i32
      %get3A_754 = arith.index_cast %add3A_753 : i32 to index
      %get3A_755 = memref.load %arg1[%get3A_754] : memref<512xi32, #tpu.memory_space<smem>>
      %multiple_of3A = tpu.assume_multiple %get3A_755, 128 : i32
      %mul3A = arith.constant 128 : i32
      %mul3A_756 = arith.muli %scan3A_751, %mul3A : i32
      %multiple_of3A_757 = tpu.assume_multiple %mul3A_756, 128 : i32
      %dma_start3A = arith.constant 19 : i32
      %dma_start3A_758 = tpu.memref_slice %arg7[%dma_start3A, %multiple_of3A_757] : memref<32x2048xf32, #tpu.memory_space<vmem>> -> memref<1x128xf32, #tpu.memory_space<vmem>>
      %dma_start3A_759 = arith.constant 19 : i32
      %dma_start3A_760 = tpu.memref_slice %arg2[%dma_start3A_759, %multiple_of3A] : memref<32x102400xf32, #tpu.memory_space<hbm>> -> memref<1x128xf32, #tpu.memory_space<hbm>>
      tpu.enqueue_dma source(%dma_start3A_760 : memref<1x128xf32, #tpu.memory_space<hbm>>) target(%dma_start3A_758 : memref<1x128xf32, #tpu.memory_space<vmem>>) target_semaphore(%arg8 : memref<!tpu.dma_semaphore, #tpu.memory_space<semaphore_mem>>)
    }
    %scan3A_98 = arith.constant 16 : i32
    %scan3A_99 = arith.constant 0 : i32
    %scan3A_100 = arith.constant 16 : i32
    %scan3A_101 = arith.addi %scan3A_99, %scan3A_100 : i32
    %scan3A_102 = arith.constant 1 : i32
    scf.for %scan3A_751 = %scan3A_99 to %scan3A_101 step %scan3A_102  : i32 {
      %add3A_752 = arith.constant 320 : i32
      %add3A_753 = arith.addi %add3A_752, %scan3A_751 : i32
      %get3A_754 = arith.index_cast %add3A_753 : i32 to index
      %get3A_755 = memref.load %arg1[%get3A_754] : memref<512xi32, #tpu.memory_space<smem>>
      %multiple_of3A = tpu.assume_multiple %get3A_755, 128 : i32
      %mul3A = arith.constant 128 : i32
      %mul3A_756 = arith.muli %scan3A_751, %mul3A : i32
      %multiple_of3A_757 = tpu.assume_multiple %mul3A_756, 128 : i32
      %dma_start3A = arith.constant 20 : i32
      %dma_start3A_758 = tpu.memref_slice %arg7[%dma_start3A, %multiple_of3A_757] : memref<32x2048xf32, #tpu.memory_space<vmem>> -> memref<1x128xf32, #tpu.memory_space<vmem>>
      %dma_start3A_759 = arith.constant 20 : i32
      %dma_start3A_760 = tpu.memref_slice %arg2[%dma_start3A_759, %multiple_of3A] : memref<32x102400xf32, #tpu.memory_space<hbm>> -> memref<1x128xf32, #tpu.memory_space<hbm>>
      tpu.enqueue_dma source(%dma_start3A_760 : memref<1x128xf32, #tpu.memory_space<hbm>>) target(%dma_start3A_758 : memref<1x128xf32, #tpu.memory_space<vmem>>) target_semaphore(%arg8 : memref<!tpu.dma_semaphore, #tpu.memory_space<semaphore_mem>>)
    }
    %scan3A_103 = arith.constant 16 : i32
    %scan3A_104 = arith.constant 0 : i32
    %scan3A_105 = arith.constant 16 : i32
    %scan3A_106 = arith.addi %scan3A_104, %scan3A_105 : i32
    %scan3A_107 = arith.constant 1 : i32
    scf.for %scan3A_751 = %scan3A_104 to %scan3A_106 step %scan3A_107  : i32 {
      %add3A_752 = arith.constant 336 : i32
      %add3A_753 = arith.addi %add3A_752, %scan3A_751 : i32
      %get3A_754 = arith.index_cast %add3A_753 : i32 to index
      %get3A_755 = memref.load %arg1[%get3A_754] : memref<512xi32, #tpu.memory_space<smem>>
      %multiple_of3A = tpu.assume_multiple %get3A_755, 128 : i32
      %mul3A = arith.constant 128 : i32
      %mul3A_756 = arith.muli %scan3A_751, %mul3A : i32
      %multiple_of3A_757 = tpu.assume_multiple %mul3A_756, 128 : i32
      %dma_start3A = arith.constant 21 : i32
      %dma_start3A_758 = tpu.memref_slice %arg7[%dma_start3A, %multiple_of3A_757] : memref<32x2048xf32, #tpu.memory_space<vmem>> -> memref<1x128xf32, #tpu.memory_space<vmem>>
      %dma_start3A_759 = arith.constant 21 : i32
      %dma_start3A_760 = tpu.memref_slice %arg2[%dma_start3A_759, %multiple_of3A] : memref<32x102400xf32, #tpu.memory_space<hbm>> -> memref<1x128xf32, #tpu.memory_space<hbm>>
      tpu.enqueue_dma source(%dma_start3A_760 : memref<1x128xf32, #tpu.memory_space<hbm>>) target(%dma_start3A_758 : memref<1x128xf32, #tpu.memory_space<vmem>>) target_semaphore(%arg8 : memref<!tpu.dma_semaphore, #tpu.memory_space<semaphore_mem>>)
    }
    %scan3A_108 = arith.constant 16 : i32
    %scan3A_109 = arith.constant 0 : i32
    %scan3A_110 = arith.constant 16 : i32
    %scan3A_111 = arith.addi %scan3A_109, %scan3A_110 : i32
    %scan3A_112 = arith.constant 1 : i32
    scf.for %scan3A_751 = %scan3A_109 to %scan3A_111 step %scan3A_112  : i32 {
      %add3A_752 = arith.constant 352 : i32
      %add3A_753 = arith.addi %add3A_752, %scan3A_751 : i32
      %get3A_754 = arith.index_cast %add3A_753 : i32 to index
      %get3A_755 = memref.load %arg1[%get3A_754] : memref<512xi32, #tpu.memory_space<smem>>
      %multiple_of3A = tpu.assume_multiple %get3A_755, 128 : i32
      %mul3A = arith.constant 128 : i32
      %mul3A_756 = arith.muli %scan3A_751, %mul3A : i32
      %multiple_of3A_757 = tpu.assume_multiple %mul3A_756, 128 : i32
      %dma_start3A = arith.constant 22 : i32
      %dma_start3A_758 = tpu.memref_slice %arg7[%dma_start3A, %multiple_of3A_757] : memref<32x2048xf32, #tpu.memory_space<vmem>> -> memref<1x128xf32, #tpu.memory_space<vmem>>
      %dma_start3A_759 = arith.constant 22 : i32
      %dma_start3A_760 = tpu.memref_slice %arg2[%dma_start3A_759, %multiple_of3A] : memref<32x102400xf32, #tpu.memory_space<hbm>> -> memref<1x128xf32, #tpu.memory_space<hbm>>
      tpu.enqueue_dma source(%dma_start3A_760 : memref<1x128xf32, #tpu.memory_space<hbm>>) target(%dma_start3A_758 : memref<1x128xf32, #tpu.memory_space<vmem>>) target_semaphore(%arg8 : memref<!tpu.dma_semaphore, #tpu.memory_space<semaphore_mem>>)
    }
    %scan3A_113 = arith.constant 16 : i32
    %scan3A_114 = arith.constant 0 : i32
    %scan3A_115 = arith.constant 16 : i32
    %scan3A_116 = arith.addi %scan3A_114, %scan3A_115 : i32
    %scan3A_117 = arith.constant 1 : i32
    scf.for %scan3A_751 = %scan3A_114 to %scan3A_116 step %scan3A_117  : i32 {
      %add3A_752 = arith.constant 368 : i32
      %add3A_753 = arith.addi %add3A_752, %scan3A_751 : i32
      %get3A_754 = arith.index_cast %add3A_753 : i32 to index
      %get3A_755 = memref.load %arg1[%get3A_754] : memref<512xi32, #tpu.memory_space<smem>>
      %multiple_of3A = tpu.assume_multiple %get3A_755, 128 : i32
      %mul3A = arith.constant 128 : i32
      %mul3A_756 = arith.muli %scan3A_751, %mul3A : i32
      %multiple_of3A_757 = tpu.assume_multiple %mul3A_756, 128 : i32
      %dma_start3A = arith.constant 23 : i32
      %dma_start3A_758 = tpu.memref_slice %arg7[%dma_start3A, %multiple_of3A_757] : memref<32x2048xf32, #tpu.memory_space<vmem>> -> memref<1x128xf32, #tpu.memory_space<vmem>>
      %dma_start3A_759 = arith.constant 23 : i32
      %dma_start3A_760 = tpu.memref_slice %arg2[%dma_start3A_759, %multiple_of3A] : memref<32x102400xf32, #tpu.memory_space<hbm>> -> memref<1x128xf32, #tpu.memory_space<hbm>>
      tpu.enqueue_dma source(%dma_start3A_760 : memref<1x128xf32, #tpu.memory_space<hbm>>) target(%dma_start3A_758 : memref<1x128xf32, #tpu.memory_space<vmem>>) target_semaphore(%arg8 : memref<!tpu.dma_semaphore, #tpu.memory_space<semaphore_mem>>)
    }
    %scan3A_118 = arith.constant 16 : i32
    %scan3A_119 = arith.constant 0 : i32
    %scan3A_120 = arith.constant 16 : i32
    %scan3A_121 = arith.addi %scan3A_119, %scan3A_120 : i32
    %scan3A_122 = arith.constant 1 : i32
    scf.for %scan3A_751 = %scan3A_119 to %scan3A_121 step %scan3A_122  : i32 {
      %add3A_752 = arith.constant 384 : i32
      %add3A_753 = arith.addi %add3A_752, %scan3A_751 : i32
      %get3A_754 = arith.index_cast %add3A_753 : i32 to index
      %get3A_755 = memref.load %arg1[%get3A_754] : memref<512xi32, #tpu.memory_space<smem>>
      %multiple_of3A = tpu.assume_multiple %get3A_755, 128 : i32
      %mul3A = arith.constant 128 : i32
      %mul3A_756 = arith.muli %scan3A_751, %mul3A : i32
      %multiple_of3A_757 = tpu.assume_multiple %mul3A_756, 128 : i32
      %dma_start3A = arith.constant 24 : i32
      %dma_start3A_758 = tpu.memref_slice %arg7[%dma_start3A, %multiple_of3A_757] : memref<32x2048xf32, #tpu.memory_space<vmem>> -> memref<1x128xf32, #tpu.memory_space<vmem>>
      %dma_start3A_759 = arith.constant 24 : i32
      %dma_start3A_760 = tpu.memref_slice %arg2[%dma_start3A_759, %multiple_of3A] : memref<32x102400xf32, #tpu.memory_space<hbm>> -> memref<1x128xf32, #tpu.memory_space<hbm>>
      tpu.enqueue_dma source(%dma_start3A_760 : memref<1x128xf32, #tpu.memory_space<hbm>>) target(%dma_start3A_758 : memref<1x128xf32, #tpu.memory_space<vmem>>) target_semaphore(%arg8 : memref<!tpu.dma_semaphore, #tpu.memory_space<semaphore_mem>>)
    }
    %scan3A_123 = arith.constant 16 : i32
    %scan3A_124 = arith.constant 0 : i32
    %scan3A_125 = arith.constant 16 : i32
    %scan3A_126 = arith.addi %scan3A_124, %scan3A_125 : i32
    %scan3A_127 = arith.constant 1 : i32
    scf.for %scan3A_751 = %scan3A_124 to %scan3A_126 step %scan3A_127  : i32 {
      %add3A_752 = arith.constant 400 : i32
      %add3A_753 = arith.addi %add3A_752, %scan3A_751 : i32
      %get3A_754 = arith.index_cast %add3A_753 : i32 to index
      %get3A_755 = memref.load %arg1[%get3A_754] : memref<512xi32, #tpu.memory_space<smem>>
      %multiple_of3A = tpu.assume_multiple %get3A_755, 128 : i32
      %mul3A = arith.constant 128 : i32
      %mul3A_756 = arith.muli %scan3A_751, %mul3A : i32
      %multiple_of3A_757 = tpu.assume_multiple %mul3A_756, 128 : i32
      %dma_start3A = arith.constant 25 : i32
      %dma_start3A_758 = tpu.memref_slice %arg7[%dma_start3A, %multiple_of3A_757] : memref<32x2048xf32, #tpu.memory_space<vmem>> -> memref<1x128xf32, #tpu.memory_space<vmem>>
      %dma_start3A_759 = arith.constant 25 : i32
      %dma_start3A_760 = tpu.memref_slice %arg2[%dma_start3A_759, %multiple_of3A] : memref<32x102400xf32, #tpu.memory_space<hbm>> -> memref<1x128xf32, #tpu.memory_space<hbm>>
      tpu.enqueue_dma source(%dma_start3A_760 : memref<1x128xf32, #tpu.memory_space<hbm>>) target(%dma_start3A_758 : memref<1x128xf32, #tpu.memory_space<vmem>>) target_semaphore(%arg8 : memref<!tpu.dma_semaphore, #tpu.memory_space<semaphore_mem>>)
    }
    %scan3A_128 = arith.constant 16 : i32
    %scan3A_129 = arith.constant 0 : i32
    %scan3A_130 = arith.constant 16 : i32
    %scan3A_131 = arith.addi %scan3A_129, %scan3A_130 : i32
    %scan3A_132 = arith.constant 1 : i32
    scf.for %scan3A_751 = %scan3A_129 to %scan3A_131 step %scan3A_132  : i32 {
      %add3A_752 = arith.constant 416 : i32
      %add3A_753 = arith.addi %add3A_752, %scan3A_751 : i32
      %get3A_754 = arith.index_cast %add3A_753 : i32 to index
      %get3A_755 = memref.load %arg1[%get3A_754] : memref<512xi32, #tpu.memory_space<smem>>
      %multiple_of3A = tpu.assume_multiple %get3A_755, 128 : i32
      %mul3A = arith.constant 128 : i32
      %mul3A_756 = arith.muli %scan3A_751, %mul3A : i32
      %multiple_of3A_757 = tpu.assume_multiple %mul3A_756, 128 : i32
      %dma_start3A = arith.constant 26 : i32
      %dma_start3A_758 = tpu.memref_slice %arg7[%dma_start3A, %multiple_of3A_757] : memref<32x2048xf32, #tpu.memory_space<vmem>> -> memref<1x128xf32, #tpu.memory_space<vmem>>
      %dma_start3A_759 = arith.constant 26 : i32
      %dma_start3A_760 = tpu.memref_slice %arg2[%dma_start3A_759, %multiple_of3A] : memref<32x102400xf32, #tpu.memory_space<hbm>> -> memref<1x128xf32, #tpu.memory_space<hbm>>
      tpu.enqueue_dma source(%dma_start3A_760 : memref<1x128xf32, #tpu.memory_space<hbm>>) target(%dma_start3A_758 : memref<1x128xf32, #tpu.memory_space<vmem>>) target_semaphore(%arg8 : memref<!tpu.dma_semaphore, #tpu.memory_space<semaphore_mem>>)
    }
    %scan3A_133 = arith.constant 16 : i32
    %scan3A_134 = arith.constant 0 : i32
    %scan3A_135 = arith.constant 16 : i32
    %scan3A_136 = arith.addi %scan3A_134, %scan3A_135 : i32
    %scan3A_137 = arith.constant 1 : i32
    scf.for %scan3A_751 = %scan3A_134 to %scan3A_136 step %scan3A_137  : i32 {
      %add3A_752 = arith.constant 432 : i32
      %add3A_753 = arith.addi %add3A_752, %scan3A_751 : i32
      %get3A_754 = arith.index_cast %add3A_753 : i32 to index
      %get3A_755 = memref.load %arg1[%get3A_754] : memref<512xi32, #tpu.memory_space<smem>>
      %multiple_of3A = tpu.assume_multiple %get3A_755, 128 : i32
      %mul3A = arith.constant 128 : i32
      %mul3A_756 = arith.muli %scan3A_751, %mul3A : i32
      %multiple_of3A_757 = tpu.assume_multiple %mul3A_756, 128 : i32
      %dma_start3A = arith.constant 27 : i32
      %dma_start3A_758 = tpu.memref_slice %arg7[%dma_start3A, %multiple_of3A_757] : memref<32x2048xf32, #tpu.memory_space<vmem>> -> memref<1x128xf32, #tpu.memory_space<vmem>>
      %dma_start3A_759 = arith.constant 27 : i32
      %dma_start3A_760 = tpu.memref_slice %arg2[%dma_start3A_759, %multiple_of3A] : memref<32x102400xf32, #tpu.memory_space<hbm>> -> memref<1x128xf32, #tpu.memory_space<hbm>>
      tpu.enqueue_dma source(%dma_start3A_760 : memref<1x128xf32, #tpu.memory_space<hbm>>) target(%dma_start3A_758 : memref<1x128xf32, #tpu.memory_space<vmem>>) target_semaphore(%arg8 : memref<!tpu.dma_semaphore, #tpu.memory_space<semaphore_mem>>)
    }
    %scan3A_138 = arith.constant 16 : i32
    %scan3A_139 = arith.constant 0 : i32
    %scan3A_140 = arith.constant 16 : i32
    %scan3A_141 = arith.addi %scan3A_139, %scan3A_140 : i32
    %scan3A_142 = arith.constant 1 : i32
    scf.for %scan3A_751 = %scan3A_139 to %scan3A_141 step %scan3A_142  : i32 {
      %add3A_752 = arith.constant 448 : i32
      %add3A_753 = arith.addi %add3A_752, %scan3A_751 : i32
      %get3A_754 = arith.index_cast %add3A_753 : i32 to index
      %get3A_755 = memref.load %arg1[%get3A_754] : memref<512xi32, #tpu.memory_space<smem>>
      %multiple_of3A = tpu.assume_multiple %get3A_755, 128 : i32
      %mul3A = arith.constant 128 : i32
      %mul3A_756 = arith.muli %scan3A_751, %mul3A : i32
      %multiple_of3A_757 = tpu.assume_multiple %mul3A_756, 128 : i32
      %dma_start3A = arith.constant 28 : i32
      %dma_start3A_758 = tpu.memref_slice %arg7[%dma_start3A, %multiple_of3A_757] : memref<32x2048xf32, #tpu.memory_space<vmem>> -> memref<1x128xf32, #tpu.memory_space<vmem>>
      %dma_start3A_759 = arith.constant 28 : i32
      %dma_start3A_760 = tpu.memref_slice %arg2[%dma_start3A_759, %multiple_of3A] : memref<32x102400xf32, #tpu.memory_space<hbm>> -> memref<1x128xf32, #tpu.memory_space<hbm>>
      tpu.enqueue_dma source(%dma_start3A_760 : memref<1x128xf32, #tpu.memory_space<hbm>>) target(%dma_start3A_758 : memref<1x128xf32, #tpu.memory_space<vmem>>) target_semaphore(%arg8 : memref<!tpu.dma_semaphore, #tpu.memory_space<semaphore_mem>>)
    }
    %scan3A_143 = arith.constant 16 : i32
    %scan3A_144 = arith.constant 0 : i32
    %scan3A_145 = arith.constant 16 : i32
    %scan3A_146 = arith.addi %scan3A_144, %scan3A_145 : i32
    %scan3A_147 = arith.constant 1 : i32
    scf.for %scan3A_751 = %scan3A_144 to %scan3A_146 step %scan3A_147  : i32 {
      %add3A_752 = arith.constant 464 : i32
      %add3A_753 = arith.addi %add3A_752, %scan3A_751 : i32
      %get3A_754 = arith.index_cast %add3A_753 : i32 to index
      %get3A_755 = memref.load %arg1[%get3A_754] : memref<512xi32, #tpu.memory_space<smem>>
      %multiple_of3A = tpu.assume_multiple %get3A_755, 128 : i32
      %mul3A = arith.constant 128 : i32
      %mul3A_756 = arith.muli %scan3A_751, %mul3A : i32
      %multiple_of3A_757 = tpu.assume_multiple %mul3A_756, 128 : i32
      %dma_start3A = arith.constant 29 : i32
      %dma_start3A_758 = tpu.memref_slice %arg7[%dma_start3A, %multiple_of3A_757] : memref<32x2048xf32, #tpu.memory_space<vmem>> -> memref<1x128xf32, #tpu.memory_space<vmem>>
      %dma_start3A_759 = arith.constant 29 : i32
      %dma_start3A_760 = tpu.memref_slice %arg2[%dma_start3A_759, %multiple_of3A] : memref<32x102400xf32, #tpu.memory_space<hbm>> -> memref<1x128xf32, #tpu.memory_space<hbm>>
      tpu.enqueue_dma source(%dma_start3A_760 : memref<1x128xf32, #tpu.memory_space<hbm>>) target(%dma_start3A_758 : memref<1x128xf32, #tpu.memory_space<vmem>>) target_semaphore(%arg8 : memref<!tpu.dma_semaphore, #tpu.memory_space<semaphore_mem>>)
    }
    %scan3A_148 = arith.constant 16 : i32
    %scan3A_149 = arith.constant 0 : i32
    %scan3A_150 = arith.constant 16 : i32
    %scan3A_151 = arith.addi %scan3A_149, %scan3A_150 : i32
    %scan3A_152 = arith.constant 1 : i32
    scf.for %scan3A_751 = %scan3A_149 to %scan3A_151 step %scan3A_152  : i32 {
      %add3A_752 = arith.constant 480 : i32
      %add3A_753 = arith.addi %add3A_752, %scan3A_751 : i32
      %get3A_754 = arith.index_cast %add3A_753 : i32 to index
      %get3A_755 = memref.load %arg1[%get3A_754] : memref<512xi32, #tpu.memory_space<smem>>
      %multiple_of3A = tpu.assume_multiple %get3A_755, 128 : i32
      %mul3A = arith.constant 128 : i32
      %mul3A_756 = arith.muli %scan3A_751, %mul3A : i32
      %multiple_of3A_757 = tpu.assume_multiple %mul3A_756, 128 : i32
      %dma_start3A = arith.constant 30 : i32
      %dma_start3A_758 = tpu.memref_slice %arg7[%dma_start3A, %multiple_of3A_757] : memref<32x2048xf32, #tpu.memory_space<vmem>> -> memref<1x128xf32, #tpu.memory_space<vmem>>
      %dma_start3A_759 = arith.constant 30 : i32
      %dma_start3A_760 = tpu.memref_slice %arg2[%dma_start3A_759, %multiple_of3A] : memref<32x102400xf32, #tpu.memory_space<hbm>> -> memref<1x128xf32, #tpu.memory_space<hbm>>
      tpu.enqueue_dma source(%dma_start3A_760 : memref<1x128xf32, #tpu.memory_space<hbm>>) target(%dma_start3A_758 : memref<1x128xf32, #tpu.memory_space<vmem>>) target_semaphore(%arg8 : memref<!tpu.dma_semaphore, #tpu.memory_space<semaphore_mem>>)
    }
    %scan3A_153 = arith.constant 16 : i32
    %scan3A_154 = arith.constant 0 : i32
    %scan3A_155 = arith.constant 16 : i32
    %scan3A_156 = arith.addi %scan3A_154, %scan3A_155 : i32
    %scan3A_157 = arith.constant 1 : i32
    scf.for %scan3A_751 = %scan3A_154 to %scan3A_156 step %scan3A_157  : i32 {
      %add3A_752 = arith.constant 496 : i32
      %add3A_753 = arith.addi %add3A_752, %scan3A_751 : i32
      %get3A_754 = arith.index_cast %add3A_753 : i32 to index
      %get3A_755 = memref.load %arg1[%get3A_754] : memref<512xi32, #tpu.memory_space<smem>>
      %multiple_of3A = tpu.assume_multiple %get3A_755, 128 : i32
      %mul3A = arith.constant 128 : i32
      %mul3A_756 = arith.muli %scan3A_751, %mul3A : i32
      %multiple_of3A_757 = tpu.assume_multiple %mul3A_756, 128 : i32
      %dma_start3A = arith.constant 31 : i32
      %dma_start3A_758 = tpu.memref_slice %arg7[%dma_start3A, %multiple_of3A_757] : memref<32x2048xf32, #tpu.memory_space<vmem>> -> memref<1x128xf32, #tpu.memory_space<vmem>>
      %dma_start3A_759 = arith.constant 31 : i32
      %dma_start3A_760 = tpu.memref_slice %arg2[%dma_start3A_759, %multiple_of3A] : memref<32x102400xf32, #tpu.memory_space<hbm>> -> memref<1x128xf32, #tpu.memory_space<hbm>>
      tpu.enqueue_dma source(%dma_start3A_760 : memref<1x128xf32, #tpu.memory_space<hbm>>) target(%dma_start3A_758 : memref<1x128xf32, #tpu.memory_space<vmem>>) target_semaphore(%arg8 : memref<!tpu.dma_semaphore, #tpu.memory_space<semaphore_mem>>)
    }
    %scan3A_158 = arith.constant 16 : i32
    %scan3A_159 = arith.constant 0 : i32
    %scan3A_160 = arith.constant 16 : i32
    %scan3A_161 = arith.addi %scan3A_159, %scan3A_160 : i32
    %scan3A_162 = arith.constant 1 : i32
    scf.for %scan3A_751 = %scan3A_159 to %scan3A_161 step %scan3A_162  : i32 {
      %add3A_752 = arith.constant 0 : i32
      %add3A_753 = arith.addi %add3A_752, %scan3A_751 : i32
      %get3A_754 = arith.index_cast %add3A_753 : i32 to index
      %get3A_755 = memref.load %arg1[%get3A_754] : memref<512xi32, #tpu.memory_space<smem>>
      %multiple_of3A = tpu.assume_multiple %get3A_755, 128 : i32
      %mul3A = arith.constant 128 : i32
      %mul3A_756 = arith.muli %scan3A_751, %mul3A : i32
      %multiple_of3A_757 = tpu.assume_multiple %mul3A_756, 128 : i32
      %dma_wait3A = arith.constant 0 : i32
      %dma_wait3A_758 = tpu.memref_slice %arg7[%dma_wait3A, %multiple_of3A_757] : memref<32x2048xf32, #tpu.memory_space<vmem>> -> memref<1x128xf32, #tpu.memory_space<vmem>>
      %dma_wait3A_759 = arith.constant 0 : i32
      %dma_wait3A_760 = tpu.memref_slice %arg2[%dma_wait3A_759, %multiple_of3A] : memref<32x102400xf32, #tpu.memory_space<hbm>> -> memref<1x128xf32, #tpu.memory_space<hbm>>
      tpu.wait_dma2 semaphore(%arg8 : memref<!tpu.dma_semaphore, #tpu.memory_space<semaphore_mem>>) src(%dma_wait3A_760 : memref<1x128xf32, #tpu.memory_space<hbm>>) dst(%dma_wait3A_758 : memref<1x128xf32, #tpu.memory_space<vmem>>)
    }
    %scan3A_163 = arith.constant 16 : i32
    %scan3A_164 = arith.constant 0 : i32
    %scan3A_165 = arith.constant 16 : i32
    %scan3A_166 = arith.addi %scan3A_164, %scan3A_165 : i32
    %scan3A_167 = arith.constant 1 : i32
    scf.for %scan3A_751 = %scan3A_164 to %scan3A_166 step %scan3A_167  : i32 {
      %add3A_752 = arith.constant 16 : i32
      %add3A_753 = arith.addi %add3A_752, %scan3A_751 : i32
      %get3A_754 = arith.index_cast %add3A_753 : i32 to index
      %get3A_755 = memref.load %arg1[%get3A_754] : memref<512xi32, #tpu.memory_space<smem>>
      %multiple_of3A = tpu.assume_multiple %get3A_755, 128 : i32
      %mul3A = arith.constant 128 : i32
      %mul3A_756 = arith.muli %scan3A_751, %mul3A : i32
      %multiple_of3A_757 = tpu.assume_multiple %mul3A_756, 128 : i32
      %dma_wait3A = arith.constant 1 : i32
      %dma_wait3A_758 = tpu.memref_slice %arg7[%dma_wait3A, %multiple_of3A_757] : memref<32x2048xf32, #tpu.memory_space<vmem>> -> memref<1x128xf32, #tpu.memory_space<vmem>>
      %dma_wait3A_759 = arith.constant 1 : i32
      %dma_wait3A_760 = tpu.memref_slice %arg2[%dma_wait3A_759, %multiple_of3A] : memref<32x102400xf32, #tpu.memory_space<hbm>> -> memref<1x128xf32, #tpu.memory_space<hbm>>
      tpu.wait_dma2 semaphore(%arg8 : memref<!tpu.dma_semaphore, #tpu.memory_space<semaphore_mem>>) src(%dma_wait3A_760 : memref<1x128xf32, #tpu.memory_space<hbm>>) dst(%dma_wait3A_758 : memref<1x128xf32, #tpu.memory_space<vmem>>)
    }
    %scan3A_168 = arith.constant 16 : i32
    %scan3A_169 = arith.constant 0 : i32
    %scan3A_170 = arith.constant 16 : i32
    %scan3A_171 = arith.addi %scan3A_169, %scan3A_170 : i32
    %scan3A_172 = arith.constant 1 : i32
    scf.for %scan3A_751 = %scan3A_169 to %scan3A_171 step %scan3A_172  : i32 {
      %add3A_752 = arith.constant 32 : i32
      %add3A_753 = arith.addi %add3A_752, %scan3A_751 : i32
      %get3A_754 = arith.index_cast %add3A_753 : i32 to index
      %get3A_755 = memref.load %arg1[%get3A_754] : memref<512xi32, #tpu.memory_space<smem>>
      %multiple_of3A = tpu.assume_multiple %get3A_755, 128 : i32
      %mul3A = arith.constant 128 : i32
      %mul3A_756 = arith.muli %scan3A_751, %mul3A : i32
      %multiple_of3A_757 = tpu.assume_multiple %mul3A_756, 128 : i32
      %dma_wait3A = arith.constant 2 : i32
      %dma_wait3A_758 = tpu.memref_slice %arg7[%dma_wait3A, %multiple_of3A_757] : memref<32x2048xf32, #tpu.memory_space<vmem>> -> memref<1x128xf32, #tpu.memory_space<vmem>>
      %dma_wait3A_759 = arith.constant 2 : i32
      %dma_wait3A_760 = tpu.memref_slice %arg2[%dma_wait3A_759, %multiple_of3A] : memref<32x102400xf32, #tpu.memory_space<hbm>> -> memref<1x128xf32, #tpu.memory_space<hbm>>
      tpu.wait_dma2 semaphore(%arg8 : memref<!tpu.dma_semaphore, #tpu.memory_space<semaphore_mem>>) src(%dma_wait3A_760 : memref<1x128xf32, #tpu.memory_space<hbm>>) dst(%dma_wait3A_758 : memref<1x128xf32, #tpu.memory_space<vmem>>)
    }
    %scan3A_173 = arith.constant 16 : i32
    %scan3A_174 = arith.constant 0 : i32
    %scan3A_175 = arith.constant 16 : i32
    %scan3A_176 = arith.addi %scan3A_174, %scan3A_175 : i32
    %scan3A_177 = arith.constant 1 : i32
    scf.for %scan3A_751 = %scan3A_174 to %scan3A_176 step %scan3A_177  : i32 {
      %add3A_752 = arith.constant 48 : i32
      %add3A_753 = arith.addi %add3A_752, %scan3A_751 : i32
      %get3A_754 = arith.index_cast %add3A_753 : i32 to index
      %get3A_755 = memref.load %arg1[%get3A_754] : memref<512xi32, #tpu.memory_space<smem>>
      %multiple_of3A = tpu.assume_multiple %get3A_755, 128 : i32
      %mul3A = arith.constant 128 : i32
      %mul3A_756 = arith.muli %scan3A_751, %mul3A : i32
      %multiple_of3A_757 = tpu.assume_multiple %mul3A_756, 128 : i32
      %dma_wait3A = arith.constant 3 : i32
      %dma_wait3A_758 = tpu.memref_slice %arg7[%dma_wait3A, %multiple_of3A_757] : memref<32x2048xf32, #tpu.memory_space<vmem>> -> memref<1x128xf32, #tpu.memory_space<vmem>>
      %dma_wait3A_759 = arith.constant 3 : i32
      %dma_wait3A_760 = tpu.memref_slice %arg2[%dma_wait3A_759, %multiple_of3A] : memref<32x102400xf32, #tpu.memory_space<hbm>> -> memref<1x128xf32, #tpu.memory_space<hbm>>
      tpu.wait_dma2 semaphore(%arg8 : memref<!tpu.dma_semaphore, #tpu.memory_space<semaphore_mem>>) src(%dma_wait3A_760 : memref<1x128xf32, #tpu.memory_space<hbm>>) dst(%dma_wait3A_758 : memref<1x128xf32, #tpu.memory_space<vmem>>)
    }
    %scan3A_178 = arith.constant 16 : i32
    %scan3A_179 = arith.constant 0 : i32
    %scan3A_180 = arith.constant 16 : i32
    %scan3A_181 = arith.addi %scan3A_179, %scan3A_180 : i32
    %scan3A_182 = arith.constant 1 : i32
    scf.for %scan3A_751 = %scan3A_179 to %scan3A_181 step %scan3A_182  : i32 {
      %add3A_752 = arith.constant 64 : i32
      %add3A_753 = arith.addi %add3A_752, %scan3A_751 : i32
      %get3A_754 = arith.index_cast %add3A_753 : i32 to index
      %get3A_755 = memref.load %arg1[%get3A_754] : memref<512xi32, #tpu.memory_space<smem>>
      %multiple_of3A = tpu.assume_multiple %get3A_755, 128 : i32
      %mul3A = arith.constant 128 : i32
      %mul3A_756 = arith.muli %scan3A_751, %mul3A : i32
      %multiple_of3A_757 = tpu.assume_multiple %mul3A_756, 128 : i32
      %dma_wait3A = arith.constant 4 : i32
      %dma_wait3A_758 = tpu.memref_slice %arg7[%dma_wait3A, %multiple_of3A_757] : memref<32x2048xf32, #tpu.memory_space<vmem>> -> memref<1x128xf32, #tpu.memory_space<vmem>>
      %dma_wait3A_759 = arith.constant 4 : i32
      %dma_wait3A_760 = tpu.memref_slice %arg2[%dma_wait3A_759, %multiple_of3A] : memref<32x102400xf32, #tpu.memory_space<hbm>> -> memref<1x128xf32, #tpu.memory_space<hbm>>
      tpu.wait_dma2 semaphore(%arg8 : memref<!tpu.dma_semaphore, #tpu.memory_space<semaphore_mem>>) src(%dma_wait3A_760 : memref<1x128xf32, #tpu.memory_space<hbm>>) dst(%dma_wait3A_758 : memref<1x128xf32, #tpu.memory_space<vmem>>)
    }
    %scan3A_183 = arith.constant 16 : i32
    %scan3A_184 = arith.constant 0 : i32
    %scan3A_185 = arith.constant 16 : i32
    %scan3A_186 = arith.addi %scan3A_184, %scan3A_185 : i32
    %scan3A_187 = arith.constant 1 : i32
    scf.for %scan3A_751 = %scan3A_184 to %scan3A_186 step %scan3A_187  : i32 {
      %add3A_752 = arith.constant 80 : i32
      %add3A_753 = arith.addi %add3A_752, %scan3A_751 : i32
      %get3A_754 = arith.index_cast %add3A_753 : i32 to index
      %get3A_755 = memref.load %arg1[%get3A_754] : memref<512xi32, #tpu.memory_space<smem>>
      %multiple_of3A = tpu.assume_multiple %get3A_755, 128 : i32
      %mul3A = arith.constant 128 : i32
      %mul3A_756 = arith.muli %scan3A_751, %mul3A : i32
      %multiple_of3A_757 = tpu.assume_multiple %mul3A_756, 128 : i32
      %dma_wait3A = arith.constant 5 : i32
      %dma_wait3A_758 = tpu.memref_slice %arg7[%dma_wait3A, %multiple_of3A_757] : memref<32x2048xf32, #tpu.memory_space<vmem>> -> memref<1x128xf32, #tpu.memory_space<vmem>>
      %dma_wait3A_759 = arith.constant 5 : i32
      %dma_wait3A_760 = tpu.memref_slice %arg2[%dma_wait3A_759, %multiple_of3A] : memref<32x102400xf32, #tpu.memory_space<hbm>> -> memref<1x128xf32, #tpu.memory_space<hbm>>
      tpu.wait_dma2 semaphore(%arg8 : memref<!tpu.dma_semaphore, #tpu.memory_space<semaphore_mem>>) src(%dma_wait3A_760 : memref<1x128xf32, #tpu.memory_space<hbm>>) dst(%dma_wait3A_758 : memref<1x128xf32, #tpu.memory_space<vmem>>)
    }
    %scan3A_188 = arith.constant 16 : i32
    %scan3A_189 = arith.constant 0 : i32
    %scan3A_190 = arith.constant 16 : i32
    %scan3A_191 = arith.addi %scan3A_189, %scan3A_190 : i32
    %scan3A_192 = arith.constant 1 : i32
    scf.for %scan3A_751 = %scan3A_189 to %scan3A_191 step %scan3A_192  : i32 {
      %add3A_752 = arith.constant 96 : i32
      %add3A_753 = arith.addi %add3A_752, %scan3A_751 : i32
      %get3A_754 = arith.index_cast %add3A_753 : i32 to index
      %get3A_755 = memref.load %arg1[%get3A_754] : memref<512xi32, #tpu.memory_space<smem>>
      %multiple_of3A = tpu.assume_multiple %get3A_755, 128 : i32
      %mul3A = arith.constant 128 : i32
      %mul3A_756 = arith.muli %scan3A_751, %mul3A : i32
      %multiple_of3A_757 = tpu.assume_multiple %mul3A_756, 128 : i32
      %dma_wait3A = arith.constant 6 : i32
      %dma_wait3A_758 = tpu.memref_slice %arg7[%dma_wait3A, %multiple_of3A_757] : memref<32x2048xf32, #tpu.memory_space<vmem>> -> memref<1x128xf32, #tpu.memory_space<vmem>>
      %dma_wait3A_759 = arith.constant 6 : i32
      %dma_wait3A_760 = tpu.memref_slice %arg2[%dma_wait3A_759, %multiple_of3A] : memref<32x102400xf32, #tpu.memory_space<hbm>> -> memref<1x128xf32, #tpu.memory_space<hbm>>
      tpu.wait_dma2 semaphore(%arg8 : memref<!tpu.dma_semaphore, #tpu.memory_space<semaphore_mem>>) src(%dma_wait3A_760 : memref<1x128xf32, #tpu.memory_space<hbm>>) dst(%dma_wait3A_758 : memref<1x128xf32, #tpu.memory_space<vmem>>)
    }
    %scan3A_193 = arith.constant 16 : i32
    %scan3A_194 = arith.constant 0 : i32
    %scan3A_195 = arith.constant 16 : i32
    %scan3A_196 = arith.addi %scan3A_194, %scan3A_195 : i32
    %scan3A_197 = arith.constant 1 : i32
    scf.for %scan3A_751 = %scan3A_194 to %scan3A_196 step %scan3A_197  : i32 {
      %add3A_752 = arith.constant 112 : i32
      %add3A_753 = arith.addi %add3A_752, %scan3A_751 : i32
      %get3A_754 = arith.index_cast %add3A_753 : i32 to index
      %get3A_755 = memref.load %arg1[%get3A_754] : memref<512xi32, #tpu.memory_space<smem>>
      %multiple_of3A = tpu.assume_multiple %get3A_755, 128 : i32
      %mul3A = arith.constant 128 : i32
      %mul3A_756 = arith.muli %scan3A_751, %mul3A : i32
      %multiple_of3A_757 = tpu.assume_multiple %mul3A_756, 128 : i32
      %dma_wait3A = arith.constant 7 : i32
      %dma_wait3A_758 = tpu.memref_slice %arg7[%dma_wait3A, %multiple_of3A_757] : memref<32x2048xf32, #tpu.memory_space<vmem>> -> memref<1x128xf32, #tpu.memory_space<vmem>>
      %dma_wait3A_759 = arith.constant 7 : i32
      %dma_wait3A_760 = tpu.memref_slice %arg2[%dma_wait3A_759, %multiple_of3A] : memref<32x102400xf32, #tpu.memory_space<hbm>> -> memref<1x128xf32, #tpu.memory_space<hbm>>
      tpu.wait_dma2 semaphore(%arg8 : memref<!tpu.dma_semaphore, #tpu.memory_space<semaphore_mem>>) src(%dma_wait3A_760 : memref<1x128xf32, #tpu.memory_space<hbm>>) dst(%dma_wait3A_758 : memref<1x128xf32, #tpu.memory_space<vmem>>)
    }
    %scan3A_198 = arith.constant 16 : i32
    %scan3A_199 = arith.constant 0 : i32
    %scan3A_200 = arith.constant 16 : i32
    %scan3A_201 = arith.addi %scan3A_199, %scan3A_200 : i32
    %scan3A_202 = arith.constant 1 : i32
    scf.for %scan3A_751 = %scan3A_199 to %scan3A_201 step %scan3A_202  : i32 {
      %add3A_752 = arith.constant 128 : i32
      %add3A_753 = arith.addi %add3A_752, %scan3A_751 : i32
      %get3A_754 = arith.index_cast %add3A_753 : i32 to index
      %get3A_755 = memref.load %arg1[%get3A_754] : memref<512xi32, #tpu.memory_space<smem>>
      %multiple_of3A = tpu.assume_multiple %get3A_755, 128 : i32
      %mul3A = arith.constant 128 : i32
      %mul3A_756 = arith.muli %scan3A_751, %mul3A : i32
      %multiple_of3A_757 = tpu.assume_multiple %mul3A_756, 128 : i32
      %dma_wait3A = arith.constant 8 : i32
      %dma_wait3A_758 = tpu.memref_slice %arg7[%dma_wait3A, %multiple_of3A_757] : memref<32x2048xf32, #tpu.memory_space<vmem>> -> memref<1x128xf32, #tpu.memory_space<vmem>>
      %dma_wait3A_759 = arith.constant 8 : i32
      %dma_wait3A_760 = tpu.memref_slice %arg2[%dma_wait3A_759, %multiple_of3A] : memref<32x102400xf32, #tpu.memory_space<hbm>> -> memref<1x128xf32, #tpu.memory_space<hbm>>
      tpu.wait_dma2 semaphore(%arg8 : memref<!tpu.dma_semaphore, #tpu.memory_space<semaphore_mem>>) src(%dma_wait3A_760 : memref<1x128xf32, #tpu.memory_space<hbm>>) dst(%dma_wait3A_758 : memref<1x128xf32, #tpu.memory_space<vmem>>)
    }
    %scan3A_203 = arith.constant 16 : i32
    %scan3A_204 = arith.constant 0 : i32
    %scan3A_205 = arith.constant 16 : i32
    %scan3A_206 = arith.addi %scan3A_204, %scan3A_205 : i32
    %scan3A_207 = arith.constant 1 : i32
    scf.for %scan3A_751 = %scan3A_204 to %scan3A_206 step %scan3A_207  : i32 {
      %add3A_752 = arith.constant 144 : i32
      %add3A_753 = arith.addi %add3A_752, %scan3A_751 : i32
      %get3A_754 = arith.index_cast %add3A_753 : i32 to index
      %get3A_755 = memref.load %arg1[%get3A_754] : memref<512xi32, #tpu.memory_space<smem>>
      %multiple_of3A = tpu.assume_multiple %get3A_755, 128 : i32
      %mul3A = arith.constant 128 : i32
      %mul3A_756 = arith.muli %scan3A_751, %mul3A : i32
      %multiple_of3A_757 = tpu.assume_multiple %mul3A_756, 128 : i32
      %dma_wait3A = arith.constant 9 : i32
      %dma_wait3A_758 = tpu.memref_slice %arg7[%dma_wait3A, %multiple_of3A_757] : memref<32x2048xf32, #tpu.memory_space<vmem>> -> memref<1x128xf32, #tpu.memory_space<vmem>>
      %dma_wait3A_759 = arith.constant 9 : i32
      %dma_wait3A_760 = tpu.memref_slice %arg2[%dma_wait3A_759, %multiple_of3A] : memref<32x102400xf32, #tpu.memory_space<hbm>> -> memref<1x128xf32, #tpu.memory_space<hbm>>
      tpu.wait_dma2 semaphore(%arg8 : memref<!tpu.dma_semaphore, #tpu.memory_space<semaphore_mem>>) src(%dma_wait3A_760 : memref<1x128xf32, #tpu.memory_space<hbm>>) dst(%dma_wait3A_758 : memref<1x128xf32, #tpu.memory_space<vmem>>)
    }
    %scan3A_208 = arith.constant 16 : i32
    %scan3A_209 = arith.constant 0 : i32
    %scan3A_210 = arith.constant 16 : i32
    %scan3A_211 = arith.addi %scan3A_209, %scan3A_210 : i32
    %scan3A_212 = arith.constant 1 : i32
    scf.for %scan3A_751 = %scan3A_209 to %scan3A_211 step %scan3A_212  : i32 {
      %add3A_752 = arith.constant 160 : i32
      %add3A_753 = arith.addi %add3A_752, %scan3A_751 : i32
      %get3A_754 = arith.index_cast %add3A_753 : i32 to index
      %get3A_755 = memref.load %arg1[%get3A_754] : memref<512xi32, #tpu.memory_space<smem>>
      %multiple_of3A = tpu.assume_multiple %get3A_755, 128 : i32
      %mul3A = arith.constant 128 : i32
      %mul3A_756 = arith.muli %scan3A_751, %mul3A : i32
      %multiple_of3A_757 = tpu.assume_multiple %mul3A_756, 128 : i32
      %dma_wait3A = arith.constant 10 : i32
      %dma_wait3A_758 = tpu.memref_slice %arg7[%dma_wait3A, %multiple_of3A_757] : memref<32x2048xf32, #tpu.memory_space<vmem>> -> memref<1x128xf32, #tpu.memory_space<vmem>>
      %dma_wait3A_759 = arith.constant 10 : i32
      %dma_wait3A_760 = tpu.memref_slice %arg2[%dma_wait3A_759, %multiple_of3A] : memref<32x102400xf32, #tpu.memory_space<hbm>> -> memref<1x128xf32, #tpu.memory_space<hbm>>
      tpu.wait_dma2 semaphore(%arg8 : memref<!tpu.dma_semaphore, #tpu.memory_space<semaphore_mem>>) src(%dma_wait3A_760 : memref<1x128xf32, #tpu.memory_space<hbm>>) dst(%dma_wait3A_758 : memref<1x128xf32, #tpu.memory_space<vmem>>)
    }
    %scan3A_213 = arith.constant 16 : i32
    %scan3A_214 = arith.constant 0 : i32
    %scan3A_215 = arith.constant 16 : i32
    %scan3A_216 = arith.addi %scan3A_214, %scan3A_215 : i32
    %scan3A_217 = arith.constant 1 : i32
    scf.for %scan3A_751 = %scan3A_214 to %scan3A_216 step %scan3A_217  : i32 {
      %add3A_752 = arith.constant 176 : i32
      %add3A_753 = arith.addi %add3A_752, %scan3A_751 : i32
      %get3A_754 = arith.index_cast %add3A_753 : i32 to index
      %get3A_755 = memref.load %arg1[%get3A_754] : memref<512xi32, #tpu.memory_space<smem>>
      %multiple_of3A = tpu.assume_multiple %get3A_755, 128 : i32
      %mul3A = arith.constant 128 : i32
      %mul3A_756 = arith.muli %scan3A_751, %mul3A : i32
      %multiple_of3A_757 = tpu.assume_multiple %mul3A_756, 128 : i32
      %dma_wait3A = arith.constant 11 : i32
      %dma_wait3A_758 = tpu.memref_slice %arg7[%dma_wait3A, %multiple_of3A_757] : memref<32x2048xf32, #tpu.memory_space<vmem>> -> memref<1x128xf32, #tpu.memory_space<vmem>>
      %dma_wait3A_759 = arith.constant 11 : i32
      %dma_wait3A_760 = tpu.memref_slice %arg2[%dma_wait3A_759, %multiple_of3A] : memref<32x102400xf32, #tpu.memory_space<hbm>> -> memref<1x128xf32, #tpu.memory_space<hbm>>
      tpu.wait_dma2 semaphore(%arg8 : memref<!tpu.dma_semaphore, #tpu.memory_space<semaphore_mem>>) src(%dma_wait3A_760 : memref<1x128xf32, #tpu.memory_space<hbm>>) dst(%dma_wait3A_758 : memref<1x128xf32, #tpu.memory_space<vmem>>)
    }
    %scan3A_218 = arith.constant 16 : i32
    %scan3A_219 = arith.constant 0 : i32
    %scan3A_220 = arith.constant 16 : i32
    %scan3A_221 = arith.addi %scan3A_219, %scan3A_220 : i32
    %scan3A_222 = arith.constant 1 : i32
    scf.for %scan3A_751 = %scan3A_219 to %scan3A_221 step %scan3A_222  : i32 {
      %add3A_752 = arith.constant 192 : i32
      %add3A_753 = arith.addi %add3A_752, %scan3A_751 : i32
      %get3A_754 = arith.index_cast %add3A_753 : i32 to index
      %get3A_755 = memref.load %arg1[%get3A_754] : memref<512xi32, #tpu.memory_space<smem>>
      %multiple_of3A = tpu.assume_multiple %get3A_755, 128 : i32
      %mul3A = arith.constant 128 : i32
      %mul3A_756 = arith.muli %scan3A_751, %mul3A : i32
      %multiple_of3A_757 = tpu.assume_multiple %mul3A_756, 128 : i32
      %dma_wait3A = arith.constant 12 : i32
      %dma_wait3A_758 = tpu.memref_slice %arg7[%dma_wait3A, %multiple_of3A_757] : memref<32x2048xf32, #tpu.memory_space<vmem>> -> memref<1x128xf32, #tpu.memory_space<vmem>>
      %dma_wait3A_759 = arith.constant 12 : i32
      %dma_wait3A_760 = tpu.memref_slice %arg2[%dma_wait3A_759, %multiple_of3A] : memref<32x102400xf32, #tpu.memory_space<hbm>> -> memref<1x128xf32, #tpu.memory_space<hbm>>
      tpu.wait_dma2 semaphore(%arg8 : memref<!tpu.dma_semaphore, #tpu.memory_space<semaphore_mem>>) src(%dma_wait3A_760 : memref<1x128xf32, #tpu.memory_space<hbm>>) dst(%dma_wait3A_758 : memref<1x128xf32, #tpu.memory_space<vmem>>)
    }
    %scan3A_223 = arith.constant 16 : i32
    %scan3A_224 = arith.constant 0 : i32
    %scan3A_225 = arith.constant 16 : i32
    %scan3A_226 = arith.addi %scan3A_224, %scan3A_225 : i32
    %scan3A_227 = arith.constant 1 : i32
    scf.for %scan3A_751 = %scan3A_224 to %scan3A_226 step %scan3A_227  : i32 {
      %add3A_752 = arith.constant 208 : i32
      %add3A_753 = arith.addi %add3A_752, %scan3A_751 : i32
      %get3A_754 = arith.index_cast %add3A_753 : i32 to index
      %get3A_755 = memref.load %arg1[%get3A_754] : memref<512xi32, #tpu.memory_space<smem>>
      %multiple_of3A = tpu.assume_multiple %get3A_755, 128 : i32
      %mul3A = arith.constant 128 : i32
      %mul3A_756 = arith.muli %scan3A_751, %mul3A : i32
      %multiple_of3A_757 = tpu.assume_multiple %mul3A_756, 128 : i32
      %dma_wait3A = arith.constant 13 : i32
      %dma_wait3A_758 = tpu.memref_slice %arg7[%dma_wait3A, %multiple_of3A_757] : memref<32x2048xf32, #tpu.memory_space<vmem>> -> memref<1x128xf32, #tpu.memory_space<vmem>>
      %dma_wait3A_759 = arith.constant 13 : i32
      %dma_wait3A_760 = tpu.memref_slice %arg2[%dma_wait3A_759, %multiple_of3A] : memref<32x102400xf32, #tpu.memory_space<hbm>> -> memref<1x128xf32, #tpu.memory_space<hbm>>
      tpu.wait_dma2 semaphore(%arg8 : memref<!tpu.dma_semaphore, #tpu.memory_space<semaphore_mem>>) src(%dma_wait3A_760 : memref<1x128xf32, #tpu.memory_space<hbm>>) dst(%dma_wait3A_758 : memref<1x128xf32, #tpu.memory_space<vmem>>)
    }
    %scan3A_228 = arith.constant 16 : i32
    %scan3A_229 = arith.constant 0 : i32
    %scan3A_230 = arith.constant 16 : i32
    %scan3A_231 = arith.addi %scan3A_229, %scan3A_230 : i32
    %scan3A_232 = arith.constant 1 : i32
    scf.for %scan3A_751 = %scan3A_229 to %scan3A_231 step %scan3A_232  : i32 {
      %add3A_752 = arith.constant 224 : i32
      %add3A_753 = arith.addi %add3A_752, %scan3A_751 : i32
      %get3A_754 = arith.index_cast %add3A_753 : i32 to index
      %get3A_755 = memref.load %arg1[%get3A_754] : memref<512xi32, #tpu.memory_space<smem>>
      %multiple_of3A = tpu.assume_multiple %get3A_755, 128 : i32
      %mul3A = arith.constant 128 : i32
      %mul3A_756 = arith.muli %scan3A_751, %mul3A : i32
      %multiple_of3A_757 = tpu.assume_multiple %mul3A_756, 128 : i32
      %dma_wait3A = arith.constant 14 : i32
      %dma_wait3A_758 = tpu.memref_slice %arg7[%dma_wait3A, %multiple_of3A_757] : memref<32x2048xf32, #tpu.memory_space<vmem>> -> memref<1x128xf32, #tpu.memory_space<vmem>>
      %dma_wait3A_759 = arith.constant 14 : i32
      %dma_wait3A_760 = tpu.memref_slice %arg2[%dma_wait3A_759, %multiple_of3A] : memref<32x102400xf32, #tpu.memory_space<hbm>> -> memref<1x128xf32, #tpu.memory_space<hbm>>
      tpu.wait_dma2 semaphore(%arg8 : memref<!tpu.dma_semaphore, #tpu.memory_space<semaphore_mem>>) src(%dma_wait3A_760 : memref<1x128xf32, #tpu.memory_space<hbm>>) dst(%dma_wait3A_758 : memref<1x128xf32, #tpu.memory_space<vmem>>)
    }
    %scan3A_233 = arith.constant 16 : i32
    %scan3A_234 = arith.constant 0 : i32
    %scan3A_235 = arith.constant 16 : i32
    %scan3A_236 = arith.addi %scan3A_234, %scan3A_235 : i32
    %scan3A_237 = arith.constant 1 : i32
    scf.for %scan3A_751 = %scan3A_234 to %scan3A_236 step %scan3A_237  : i32 {
      %add3A_752 = arith.constant 240 : i32
      %add3A_753 = arith.addi %add3A_752, %scan3A_751 : i32
      %get3A_754 = arith.index_cast %add3A_753 : i32 to index
      %get3A_755 = memref.load %arg1[%get3A_754] : memref<512xi32, #tpu.memory_space<smem>>
      %multiple_of3A = tpu.assume_multiple %get3A_755, 128 : i32
      %mul3A = arith.constant 128 : i32
      %mul3A_756 = arith.muli %scan3A_751, %mul3A : i32
      %multiple_of3A_757 = tpu.assume_multiple %mul3A_756, 128 : i32
      %dma_wait3A = arith.constant 15 : i32
      %dma_wait3A_758 = tpu.memref_slice %arg7[%dma_wait3A, %multiple_of3A_757] : memref<32x2048xf32, #tpu.memory_space<vmem>> -> memref<1x128xf32, #tpu.memory_space<vmem>>
      %dma_wait3A_759 = arith.constant 15 : i32
      %dma_wait3A_760 = tpu.memref_slice %arg2[%dma_wait3A_759, %multiple_of3A] : memref<32x102400xf32, #tpu.memory_space<hbm>> -> memref<1x128xf32, #tpu.memory_space<hbm>>
      tpu.wait_dma2 semaphore(%arg8 : memref<!tpu.dma_semaphore, #tpu.memory_space<semaphore_mem>>) src(%dma_wait3A_760 : memref<1x128xf32, #tpu.memory_space<hbm>>) dst(%dma_wait3A_758 : memref<1x128xf32, #tpu.memory_space<vmem>>)
    }
    %scan3A_238 = arith.constant 16 : i32
    %scan3A_239 = arith.constant 0 : i32
    %scan3A_240 = arith.constant 16 : i32
    %scan3A_241 = arith.addi %scan3A_239, %scan3A_240 : i32
    %scan3A_242 = arith.constant 1 : i32
    scf.for %scan3A_751 = %scan3A_239 to %scan3A_241 step %scan3A_242  : i32 {
      %add3A_752 = arith.constant 256 : i32
      %add3A_753 = arith.addi %add3A_752, %scan3A_751 : i32
      %get3A_754 = arith.index_cast %add3A_753 : i32 to index
      %get3A_755 = memref.load %arg1[%get3A_754] : memref<512xi32, #tpu.memory_space<smem>>
      %multiple_of3A = tpu.assume_multiple %get3A_755, 128 : i32
      %mul3A = arith.constant 128 : i32
      %mul3A_756 = arith.muli %scan3A_751, %mul3A : i32
      %multiple_of3A_757 = tpu.assume_multiple %mul3A_756, 128 : i32
      %dma_wait3A = arith.constant 16 : i32
      %dma_wait3A_758 = tpu.memref_slice %arg7[%dma_wait3A, %multiple_of3A_757] : memref<32x2048xf32, #tpu.memory_space<vmem>> -> memref<1x128xf32, #tpu.memory_space<vmem>>
      %dma_wait3A_759 = arith.constant 16 : i32
      %dma_wait3A_760 = tpu.memref_slice %arg2[%dma_wait3A_759, %multiple_of3A] : memref<32x102400xf32, #tpu.memory_space<hbm>> -> memref<1x128xf32, #tpu.memory_space<hbm>>
      tpu.wait_dma2 semaphore(%arg8 : memref<!tpu.dma_semaphore, #tpu.memory_space<semaphore_mem>>) src(%dma_wait3A_760 : memref<1x128xf32, #tpu.memory_space<hbm>>) dst(%dma_wait3A_758 : memref<1x128xf32, #tpu.memory_space<vmem>>)
    }
    %scan3A_243 = arith.constant 16 : i32
    %scan3A_244 = arith.constant 0 : i32
    %scan3A_245 = arith.constant 16 : i32
    %scan3A_246 = arith.addi %scan3A_244, %scan3A_245 : i32
    %scan3A_247 = arith.constant 1 : i32
    scf.for %scan3A_751 = %scan3A_244 to %scan3A_246 step %scan3A_247  : i32 {
      %add3A_752 = arith.constant 272 : i32
      %add3A_753 = arith.addi %add3A_752, %scan3A_751 : i32
      %get3A_754 = arith.index_cast %add3A_753 : i32 to index
      %get3A_755 = memref.load %arg1[%get3A_754] : memref<512xi32, #tpu.memory_space<smem>>
      %multiple_of3A = tpu.assume_multiple %get3A_755, 128 : i32
      %mul3A = arith.constant 128 : i32
      %mul3A_756 = arith.muli %scan3A_751, %mul3A : i32
      %multiple_of3A_757 = tpu.assume_multiple %mul3A_756, 128 : i32
      %dma_wait3A = arith.constant 17 : i32
      %dma_wait3A_758 = tpu.memref_slice %arg7[%dma_wait3A, %multiple_of3A_757] : memref<32x2048xf32, #tpu.memory_space<vmem>> -> memref<1x128xf32, #tpu.memory_space<vmem>>
      %dma_wait3A_759 = arith.constant 17 : i32
      %dma_wait3A_760 = tpu.memref_slice %arg2[%dma_wait3A_759, %multiple_of3A] : memref<32x102400xf32, #tpu.memory_space<hbm>> -> memref<1x128xf32, #tpu.memory_space<hbm>>
      tpu.wait_dma2 semaphore(%arg8 : memref<!tpu.dma_semaphore, #tpu.memory_space<semaphore_mem>>) src(%dma_wait3A_760 : memref<1x128xf32, #tpu.memory_space<hbm>>) dst(%dma_wait3A_758 : memref<1x128xf32, #tpu.memory_space<vmem>>)
    }
    %scan3A_248 = arith.constant 16 : i32
    %scan3A_249 = arith.constant 0 : i32
    %scan3A_250 = arith.constant 16 : i32
    %scan3A_251 = arith.addi %scan3A_249, %scan3A_250 : i32
    %scan3A_252 = arith.constant 1 : i32
    scf.for %scan3A_751 = %scan3A_249 to %scan3A_251 step %scan3A_252  : i32 {
      %add3A_752 = arith.constant 288 : i32
      %add3A_753 = arith.addi %add3A_752, %scan3A_751 : i32
      %get3A_754 = arith.index_cast %add3A_753 : i32 to index
      %get3A_755 = memref.load %arg1[%get3A_754] : memref<512xi32, #tpu.memory_space<smem>>
      %multiple_of3A = tpu.assume_multiple %get3A_755, 128 : i32
      %mul3A = arith.constant 128 : i32
      %mul3A_756 = arith.muli %scan3A_751, %mul3A : i32
      %multiple_of3A_757 = tpu.assume_multiple %mul3A_756, 128 : i32
      %dma_wait3A = arith.constant 18 : i32
      %dma_wait3A_758 = tpu.memref_slice %arg7[%dma_wait3A, %multiple_of3A_757] : memref<32x2048xf32, #tpu.memory_space<vmem>> -> memref<1x128xf32, #tpu.memory_space<vmem>>
      %dma_wait3A_759 = arith.constant 18 : i32
      %dma_wait3A_760 = tpu.memref_slice %arg2[%dma_wait3A_759, %multiple_of3A] : memref<32x102400xf32, #tpu.memory_space<hbm>> -> memref<1x128xf32, #tpu.memory_space<hbm>>
      tpu.wait_dma2 semaphore(%arg8 : memref<!tpu.dma_semaphore, #tpu.memory_space<semaphore_mem>>) src(%dma_wait3A_760 : memref<1x128xf32, #tpu.memory_space<hbm>>) dst(%dma_wait3A_758 : memref<1x128xf32, #tpu.memory_space<vmem>>)
    }
    %scan3A_253 = arith.constant 16 : i32
    %scan3A_254 = arith.constant 0 : i32
    %scan3A_255 = arith.constant 16 : i32
    %scan3A_256 = arith.addi %scan3A_254, %scan3A_255 : i32
    %scan3A_257 = arith.constant 1 : i32
    scf.for %scan3A_751 = %scan3A_254 to %scan3A_256 step %scan3A_257  : i32 {
      %add3A_752 = arith.constant 304 : i32
      %add3A_753 = arith.addi %add3A_752, %scan3A_751 : i32
      %get3A_754 = arith.index_cast %add3A_753 : i32 to index
      %get3A_755 = memref.load %arg1[%get3A_754] : memref<512xi32, #tpu.memory_space<smem>>
      %multiple_of3A = tpu.assume_multiple %get3A_755, 128 : i32
      %mul3A = arith.constant 128 : i32
      %mul3A_756 = arith.muli %scan3A_751, %mul3A : i32
      %multiple_of3A_757 = tpu.assume_multiple %mul3A_756, 128 : i32
      %dma_wait3A = arith.constant 19 : i32
      %dma_wait3A_758 = tpu.memref_slice %arg7[%dma_wait3A, %multiple_of3A_757] : memref<32x2048xf32, #tpu.memory_space<vmem>> -> memref<1x128xf32, #tpu.memory_space<vmem>>
      %dma_wait3A_759 = arith.constant 19 : i32
      %dma_wait3A_760 = tpu.memref_slice %arg2[%dma_wait3A_759, %multiple_of3A] : memref<32x102400xf32, #tpu.memory_space<hbm>> -> memref<1x128xf32, #tpu.memory_space<hbm>>
      tpu.wait_dma2 semaphore(%arg8 : memref<!tpu.dma_semaphore, #tpu.memory_space<semaphore_mem>>) src(%dma_wait3A_760 : memref<1x128xf32, #tpu.memory_space<hbm>>) dst(%dma_wait3A_758 : memref<1x128xf32, #tpu.memory_space<vmem>>)
    }
    %scan3A_258 = arith.constant 16 : i32
    %scan3A_259 = arith.constant 0 : i32
    %scan3A_260 = arith.constant 16 : i32
    %scan3A_261 = arith.addi %scan3A_259, %scan3A_260 : i32
    %scan3A_262 = arith.constant 1 : i32
    scf.for %scan3A_751 = %scan3A_259 to %scan3A_261 step %scan3A_262  : i32 {
      %add3A_752 = arith.constant 320 : i32
      %add3A_753 = arith.addi %add3A_752, %scan3A_751 : i32
      %get3A_754 = arith.index_cast %add3A_753 : i32 to index
      %get3A_755 = memref.load %arg1[%get3A_754] : memref<512xi32, #tpu.memory_space<smem>>
      %multiple_of3A = tpu.assume_multiple %get3A_755, 128 : i32
      %mul3A = arith.constant 128 : i32
      %mul3A_756 = arith.muli %scan3A_751, %mul3A : i32
      %multiple_of3A_757 = tpu.assume_multiple %mul3A_756, 128 : i32
      %dma_wait3A = arith.constant 20 : i32
      %dma_wait3A_758 = tpu.memref_slice %arg7[%dma_wait3A, %multiple_of3A_757] : memref<32x2048xf32, #tpu.memory_space<vmem>> -> memref<1x128xf32, #tpu.memory_space<vmem>>
      %dma_wait3A_759 = arith.constant 20 : i32
      %dma_wait3A_760 = tpu.memref_slice %arg2[%dma_wait3A_759, %multiple_of3A] : memref<32x102400xf32, #tpu.memory_space<hbm>> -> memref<1x128xf32, #tpu.memory_space<hbm>>
      tpu.wait_dma2 semaphore(%arg8 : memref<!tpu.dma_semaphore, #tpu.memory_space<semaphore_mem>>) src(%dma_wait3A_760 : memref<1x128xf32, #tpu.memory_space<hbm>>) dst(%dma_wait3A_758 : memref<1x128xf32, #tpu.memory_space<vmem>>)
    }
    %scan3A_263 = arith.constant 16 : i32
    %scan3A_264 = arith.constant 0 : i32
    %scan3A_265 = arith.constant 16 : i32
    %scan3A_266 = arith.addi %scan3A_264, %scan3A_265 : i32
    %scan3A_267 = arith.constant 1 : i32
    scf.for %scan3A_751 = %scan3A_264 to %scan3A_266 step %scan3A_267  : i32 {
      %add3A_752 = arith.constant 336 : i32
      %add3A_753 = arith.addi %add3A_752, %scan3A_751 : i32
      %get3A_754 = arith.index_cast %add3A_753 : i32 to index
      %get3A_755 = memref.load %arg1[%get3A_754] : memref<512xi32, #tpu.memory_space<smem>>
      %multiple_of3A = tpu.assume_multiple %get3A_755, 128 : i32
      %mul3A = arith.constant 128 : i32
      %mul3A_756 = arith.muli %scan3A_751, %mul3A : i32
      %multiple_of3A_757 = tpu.assume_multiple %mul3A_756, 128 : i32
      %dma_wait3A = arith.constant 21 : i32
      %dma_wait3A_758 = tpu.memref_slice %arg7[%dma_wait3A, %multiple_of3A_757] : memref<32x2048xf32, #tpu.memory_space<vmem>> -> memref<1x128xf32, #tpu.memory_space<vmem>>
      %dma_wait3A_759 = arith.constant 21 : i32
      %dma_wait3A_760 = tpu.memref_slice %arg2[%dma_wait3A_759, %multiple_of3A] : memref<32x102400xf32, #tpu.memory_space<hbm>> -> memref<1x128xf32, #tpu.memory_space<hbm>>
      tpu.wait_dma2 semaphore(%arg8 : memref<!tpu.dma_semaphore, #tpu.memory_space<semaphore_mem>>) src(%dma_wait3A_760 : memref<1x128xf32, #tpu.memory_space<hbm>>) dst(%dma_wait3A_758 : memref<1x128xf32, #tpu.memory_space<vmem>>)
    }
    %scan3A_268 = arith.constant 16 : i32
    %scan3A_269 = arith.constant 0 : i32
    %scan3A_270 = arith.constant 16 : i32
    %scan3A_271 = arith.addi %scan3A_269, %scan3A_270 : i32
    %scan3A_272 = arith.constant 1 : i32
    scf.for %scan3A_751 = %scan3A_269 to %scan3A_271 step %scan3A_272  : i32 {
      %add3A_752 = arith.constant 352 : i32
      %add3A_753 = arith.addi %add3A_752, %scan3A_751 : i32
      %get3A_754 = arith.index_cast %add3A_753 : i32 to index
      %get3A_755 = memref.load %arg1[%get3A_754] : memref<512xi32, #tpu.memory_space<smem>>
      %multiple_of3A = tpu.assume_multiple %get3A_755, 128 : i32
      %mul3A = arith.constant 128 : i32
      %mul3A_756 = arith.muli %scan3A_751, %mul3A : i32
      %multiple_of3A_757 = tpu.assume_multiple %mul3A_756, 128 : i32
      %dma_wait3A = arith.constant 22 : i32
      %dma_wait3A_758 = tpu.memref_slice %arg7[%dma_wait3A, %multiple_of3A_757] : memref<32x2048xf32, #tpu.memory_space<vmem>> -> memref<1x128xf32, #tpu.memory_space<vmem>>
      %dma_wait3A_759 = arith.constant 22 : i32
      %dma_wait3A_760 = tpu.memref_slice %arg2[%dma_wait3A_759, %multiple_of3A] : memref<32x102400xf32, #tpu.memory_space<hbm>> -> memref<1x128xf32, #tpu.memory_space<hbm>>
      tpu.wait_dma2 semaphore(%arg8 : memref<!tpu.dma_semaphore, #tpu.memory_space<semaphore_mem>>) src(%dma_wait3A_760 : memref<1x128xf32, #tpu.memory_space<hbm>>) dst(%dma_wait3A_758 : memref<1x128xf32, #tpu.memory_space<vmem>>)
    }
    %scan3A_273 = arith.constant 16 : i32
    %scan3A_274 = arith.constant 0 : i32
    %scan3A_275 = arith.constant 16 : i32
    %scan3A_276 = arith.addi %scan3A_274, %scan3A_275 : i32
    %scan3A_277 = arith.constant 1 : i32
    scf.for %scan3A_751 = %scan3A_274 to %scan3A_276 step %scan3A_277  : i32 {
      %add3A_752 = arith.constant 368 : i32
      %add3A_753 = arith.addi %add3A_752, %scan3A_751 : i32
      %get3A_754 = arith.index_cast %add3A_753 : i32 to index
      %get3A_755 = memref.load %arg1[%get3A_754] : memref<512xi32, #tpu.memory_space<smem>>
      %multiple_of3A = tpu.assume_multiple %get3A_755, 128 : i32
      %mul3A = arith.constant 128 : i32
      %mul3A_756 = arith.muli %scan3A_751, %mul3A : i32
      %multiple_of3A_757 = tpu.assume_multiple %mul3A_756, 128 : i32
      %dma_wait3A = arith.constant 23 : i32
      %dma_wait3A_758 = tpu.memref_slice %arg7[%dma_wait3A, %multiple_of3A_757] : memref<32x2048xf32, #tpu.memory_space<vmem>> -> memref<1x128xf32, #tpu.memory_space<vmem>>
      %dma_wait3A_759 = arith.constant 23 : i32
      %dma_wait3A_760 = tpu.memref_slice %arg2[%dma_wait3A_759, %multiple_of3A] : memref<32x102400xf32, #tpu.memory_space<hbm>> -> memref<1x128xf32, #tpu.memory_space<hbm>>
      tpu.wait_dma2 semaphore(%arg8 : memref<!tpu.dma_semaphore, #tpu.memory_space<semaphore_mem>>) src(%dma_wait3A_760 : memref<1x128xf32, #tpu.memory_space<hbm>>) dst(%dma_wait3A_758 : memref<1x128xf32, #tpu.memory_space<vmem>>)
    }
    %scan3A_278 = arith.constant 16 : i32
    %scan3A_279 = arith.constant 0 : i32
    %scan3A_280 = arith.constant 16 : i32
    %scan3A_281 = arith.addi %scan3A_279, %scan3A_280 : i32
    %scan3A_282 = arith.constant 1 : i32
    scf.for %scan3A_751 = %scan3A_279 to %scan3A_281 step %scan3A_282  : i32 {
      %add3A_752 = arith.constant 384 : i32
      %add3A_753 = arith.addi %add3A_752, %scan3A_751 : i32
      %get3A_754 = arith.index_cast %add3A_753 : i32 to index
      %get3A_755 = memref.load %arg1[%get3A_754] : memref<512xi32, #tpu.memory_space<smem>>
      %multiple_of3A = tpu.assume_multiple %get3A_755, 128 : i32
      %mul3A = arith.constant 128 : i32
      %mul3A_756 = arith.muli %scan3A_751, %mul3A : i32
      %multiple_of3A_757 = tpu.assume_multiple %mul3A_756, 128 : i32
      %dma_wait3A = arith.constant 24 : i32
      %dma_wait3A_758 = tpu.memref_slice %arg7[%dma_wait3A, %multiple_of3A_757] : memref<32x2048xf32, #tpu.memory_space<vmem>> -> memref<1x128xf32, #tpu.memory_space<vmem>>
      %dma_wait3A_759 = arith.constant 24 : i32
      %dma_wait3A_760 = tpu.memref_slice %arg2[%dma_wait3A_759, %multiple_of3A] : memref<32x102400xf32, #tpu.memory_space<hbm>> -> memref<1x128xf32, #tpu.memory_space<hbm>>
      tpu.wait_dma2 semaphore(%arg8 : memref<!tpu.dma_semaphore, #tpu.memory_space<semaphore_mem>>) src(%dma_wait3A_760 : memref<1x128xf32, #tpu.memory_space<hbm>>) dst(%dma_wait3A_758 : memref<1x128xf32, #tpu.memory_space<vmem>>)
    }
    %scan3A_283 = arith.constant 16 : i32
    %scan3A_284 = arith.constant 0 : i32
    %scan3A_285 = arith.constant 16 : i32
    %scan3A_286 = arith.addi %scan3A_284, %scan3A_285 : i32
    %scan3A_287 = arith.constant 1 : i32
    scf.for %scan3A_751 = %scan3A_284 to %scan3A_286 step %scan3A_287  : i32 {
      %add3A_752 = arith.constant 400 : i32
      %add3A_753 = arith.addi %add3A_752, %scan3A_751 : i32
      %get3A_754 = arith.index_cast %add3A_753 : i32 to index
      %get3A_755 = memref.load %arg1[%get3A_754] : memref<512xi32, #tpu.memory_space<smem>>
      %multiple_of3A = tpu.assume_multiple %get3A_755, 128 : i32
      %mul3A = arith.constant 128 : i32
      %mul3A_756 = arith.muli %scan3A_751, %mul3A : i32
      %multiple_of3A_757 = tpu.assume_multiple %mul3A_756, 128 : i32
      %dma_wait3A = arith.constant 25 : i32
      %dma_wait3A_758 = tpu.memref_slice %arg7[%dma_wait3A, %multiple_of3A_757] : memref<32x2048xf32, #tpu.memory_space<vmem>> -> memref<1x128xf32, #tpu.memory_space<vmem>>
      %dma_wait3A_759 = arith.constant 25 : i32
      %dma_wait3A_760 = tpu.memref_slice %arg2[%dma_wait3A_759, %multiple_of3A] : memref<32x102400xf32, #tpu.memory_space<hbm>> -> memref<1x128xf32, #tpu.memory_space<hbm>>
      tpu.wait_dma2 semaphore(%arg8 : memref<!tpu.dma_semaphore, #tpu.memory_space<semaphore_mem>>) src(%dma_wait3A_760 : memref<1x128xf32, #tpu.memory_space<hbm>>) dst(%dma_wait3A_758 : memref<1x128xf32, #tpu.memory_space<vmem>>)
    }
    %scan3A_288 = arith.constant 16 : i32
    %scan3A_289 = arith.constant 0 : i32
    %scan3A_290 = arith.constant 16 : i32
    %scan3A_291 = arith.addi %scan3A_289, %scan3A_290 : i32
    %scan3A_292 = arith.constant 1 : i32
    scf.for %scan3A_751 = %scan3A_289 to %scan3A_291 step %scan3A_292  : i32 {
      %add3A_752 = arith.constant 416 : i32
      %add3A_753 = arith.addi %add3A_752, %scan3A_751 : i32
      %get3A_754 = arith.index_cast %add3A_753 : i32 to index
      %get3A_755 = memref.load %arg1[%get3A_754] : memref<512xi32, #tpu.memory_space<smem>>
      %multiple_of3A = tpu.assume_multiple %get3A_755, 128 : i32
      %mul3A = arith.constant 128 : i32
      %mul3A_756 = arith.muli %scan3A_751, %mul3A : i32
      %multiple_of3A_757 = tpu.assume_multiple %mul3A_756, 128 : i32
      %dma_wait3A = arith.constant 26 : i32
      %dma_wait3A_758 = tpu.memref_slice %arg7[%dma_wait3A, %multiple_of3A_757] : memref<32x2048xf32, #tpu.memory_space<vmem>> -> memref<1x128xf32, #tpu.memory_space<vmem>>
      %dma_wait3A_759 = arith.constant 26 : i32
      %dma_wait3A_760 = tpu.memref_slice %arg2[%dma_wait3A_759, %multiple_of3A] : memref<32x102400xf32, #tpu.memory_space<hbm>> -> memref<1x128xf32, #tpu.memory_space<hbm>>
      tpu.wait_dma2 semaphore(%arg8 : memref<!tpu.dma_semaphore, #tpu.memory_space<semaphore_mem>>) src(%dma_wait3A_760 : memref<1x128xf32, #tpu.memory_space<hbm>>) dst(%dma_wait3A_758 : memref<1x128xf32, #tpu.memory_space<vmem>>)
    }
    %scan3A_293 = arith.constant 16 : i32
    %scan3A_294 = arith.constant 0 : i32
    %scan3A_295 = arith.constant 16 : i32
    %scan3A_296 = arith.addi %scan3A_294, %scan3A_295 : i32
    %scan3A_297 = arith.constant 1 : i32
    scf.for %scan3A_751 = %scan3A_294 to %scan3A_296 step %scan3A_297  : i32 {
      %add3A_752 = arith.constant 432 : i32
      %add3A_753 = arith.addi %add3A_752, %scan3A_751 : i32
      %get3A_754 = arith.index_cast %add3A_753 : i32 to index
      %get3A_755 = memref.load %arg1[%get3A_754] : memref<512xi32, #tpu.memory_space<smem>>
      %multiple_of3A = tpu.assume_multiple %get3A_755, 128 : i32
      %mul3A = arith.constant 128 : i32
      %mul3A_756 = arith.muli %scan3A_751, %mul3A : i32
      %multiple_of3A_757 = tpu.assume_multiple %mul3A_756, 128 : i32
      %dma_wait3A = arith.constant 27 : i32
      %dma_wait3A_758 = tpu.memref_slice %arg7[%dma_wait3A, %multiple_of3A_757] : memref<32x2048xf32, #tpu.memory_space<vmem>> -> memref<1x128xf32, #tpu.memory_space<vmem>>
      %dma_wait3A_759 = arith.constant 27 : i32
      %dma_wait3A_760 = tpu.memref_slice %arg2[%dma_wait3A_759, %multiple_of3A] : memref<32x102400xf32, #tpu.memory_space<hbm>> -> memref<1x128xf32, #tpu.memory_space<hbm>>
      tpu.wait_dma2 semaphore(%arg8 : memref<!tpu.dma_semaphore, #tpu.memory_space<semaphore_mem>>) src(%dma_wait3A_760 : memref<1x128xf32, #tpu.memory_space<hbm>>) dst(%dma_wait3A_758 : memref<1x128xf32, #tpu.memory_space<vmem>>)
    }
    %scan3A_298 = arith.constant 16 : i32
    %scan3A_299 = arith.constant 0 : i32
    %scan3A_300 = arith.constant 16 : i32
    %scan3A_301 = arith.addi %scan3A_299, %scan3A_300 : i32
    %scan3A_302 = arith.constant 1 : i32
    scf.for %scan3A_751 = %scan3A_299 to %scan3A_301 step %scan3A_302  : i32 {
      %add3A_752 = arith.constant 448 : i32
      %add3A_753 = arith.addi %add3A_752, %scan3A_751 : i32
      %get3A_754 = arith.index_cast %add3A_753 : i32 to index
      %get3A_755 = memref.load %arg1[%get3A_754] : memref<512xi32, #tpu.memory_space<smem>>
      %multiple_of3A = tpu.assume_multiple %get3A_755, 128 : i32
      %mul3A = arith.constant 128 : i32
      %mul3A_756 = arith.muli %scan3A_751, %mul3A : i32
      %multiple_of3A_757 = tpu.assume_multiple %mul3A_756, 128 : i32
      %dma_wait3A = arith.constant 28 : i32
      %dma_wait3A_758 = tpu.memref_slice %arg7[%dma_wait3A, %multiple_of3A_757] : memref<32x2048xf32, #tpu.memory_space<vmem>> -> memref<1x128xf32, #tpu.memory_space<vmem>>
      %dma_wait3A_759 = arith.constant 28 : i32
      %dma_wait3A_760 = tpu.memref_slice %arg2[%dma_wait3A_759, %multiple_of3A] : memref<32x102400xf32, #tpu.memory_space<hbm>> -> memref<1x128xf32, #tpu.memory_space<hbm>>
      tpu.wait_dma2 semaphore(%arg8 : memref<!tpu.dma_semaphore, #tpu.memory_space<semaphore_mem>>) src(%dma_wait3A_760 : memref<1x128xf32, #tpu.memory_space<hbm>>) dst(%dma_wait3A_758 : memref<1x128xf32, #tpu.memory_space<vmem>>)
    }
    %scan3A_303 = arith.constant 16 : i32
    %scan3A_304 = arith.constant 0 : i32
    %scan3A_305 = arith.constant 16 : i32
    %scan3A_306 = arith.addi %scan3A_304, %scan3A_305 : i32
    %scan3A_307 = arith.constant 1 : i32
    scf.for %scan3A_751 = %scan3A_304 to %scan3A_306 step %scan3A_307  : i32 {
      %add3A_752 = arith.constant 464 : i32
      %add3A_753 = arith.addi %add3A_752, %scan3A_751 : i32
      %get3A_754 = arith.index_cast %add3A_753 : i32 to index
      %get3A_755 = memref.load %arg1[%get3A_754] : memref<512xi32, #tpu.memory_space<smem>>
      %multiple_of3A = tpu.assume_multiple %get3A_755, 128 : i32
      %mul3A = arith.constant 128 : i32
      %mul3A_756 = arith.muli %scan3A_751, %mul3A : i32
      %multiple_of3A_757 = tpu.assume_multiple %mul3A_756, 128 : i32
      %dma_wait3A = arith.constant 29 : i32
      %dma_wait3A_758 = tpu.memref_slice %arg7[%dma_wait3A, %multiple_of3A_757] : memref<32x2048xf32, #tpu.memory_space<vmem>> -> memref<1x128xf32, #tpu.memory_space<vmem>>
      %dma_wait3A_759 = arith.constant 29 : i32
      %dma_wait3A_760 = tpu.memref_slice %arg2[%dma_wait3A_759, %multiple_of3A] : memref<32x102400xf32, #tpu.memory_space<hbm>> -> memref<1x128xf32, #tpu.memory_space<hbm>>
      tpu.wait_dma2 semaphore(%arg8 : memref<!tpu.dma_semaphore, #tpu.memory_space<semaphore_mem>>) src(%dma_wait3A_760 : memref<1x128xf32, #tpu.memory_space<hbm>>) dst(%dma_wait3A_758 : memref<1x128xf32, #tpu.memory_space<vmem>>)
    }
    %scan3A_308 = arith.constant 16 : i32
    %scan3A_309 = arith.constant 0 : i32
    %scan3A_310 = arith.constant 16 : i32
    %scan3A_311 = arith.addi %scan3A_309, %scan3A_310 : i32
    %scan3A_312 = arith.constant 1 : i32
    scf.for %scan3A_751 = %scan3A_309 to %scan3A_311 step %scan3A_312  : i32 {
      %add3A_752 = arith.constant 480 : i32
      %add3A_753 = arith.addi %add3A_752, %scan3A_751 : i32
      %get3A_754 = arith.index_cast %add3A_753 : i32 to index
      %get3A_755 = memref.load %arg1[%get3A_754] : memref<512xi32, #tpu.memory_space<smem>>
      %multiple_of3A = tpu.assume_multiple %get3A_755, 128 : i32
      %mul3A = arith.constant 128 : i32
      %mul3A_756 = arith.muli %scan3A_751, %mul3A : i32
      %multiple_of3A_757 = tpu.assume_multiple %mul3A_756, 128 : i32
      %dma_wait3A = arith.constant 30 : i32
      %dma_wait3A_758 = tpu.memref_slice %arg7[%dma_wait3A, %multiple_of3A_757] : memref<32x2048xf32, #tpu.memory_space<vmem>> -> memref<1x128xf32, #tpu.memory_space<vmem>>
      %dma_wait3A_759 = arith.constant 30 : i32
      %dma_wait3A_760 = tpu.memref_slice %arg2[%dma_wait3A_759, %multiple_of3A] : memref<32x102400xf32, #tpu.memory_space<hbm>> -> memref<1x128xf32, #tpu.memory_space<hbm>>
      tpu.wait_dma2 semaphore(%arg8 : memref<!tpu.dma_semaphore, #tpu.memory_space<semaphore_mem>>) src(%dma_wait3A_760 : memref<1x128xf32, #tpu.memory_space<hbm>>) dst(%dma_wait3A_758 : memref<1x128xf32, #tpu.memory_space<vmem>>)
    }
    %scan3A_313 = arith.constant 16 : i32
    %scan3A_314 = arith.constant 0 : i32
    %scan3A_315 = arith.constant 16 : i32
    %scan3A_316 = arith.addi %scan3A_314, %scan3A_315 : i32
    %scan3A_317 = arith.constant 1 : i32
    scf.for %scan3A_751 = %scan3A_314 to %scan3A_316 step %scan3A_317  : i32 {
      %add3A_752 = arith.constant 496 : i32
      %add3A_753 = arith.addi %add3A_752, %scan3A_751 : i32
      %get3A_754 = arith.index_cast %add3A_753 : i32 to index
      %get3A_755 = memref.load %arg1[%get3A_754] : memref<512xi32, #tpu.memory_space<smem>>
      %multiple_of3A = tpu.assume_multiple %get3A_755, 128 : i32
      %mul3A = arith.constant 128 : i32
      %mul3A_756 = arith.muli %scan3A_751, %mul3A : i32
      %multiple_of3A_757 = tpu.assume_multiple %mul3A_756, 128 : i32
      %dma_wait3A = arith.constant 31 : i32
      %dma_wait3A_758 = tpu.memref_slice %arg7[%dma_wait3A, %multiple_of3A_757] : memref<32x2048xf32, #tpu.memory_space<vmem>> -> memref<1x128xf32, #tpu.memory_space<vmem>>
      %dma_wait3A_759 = arith.constant 31 : i32
      %dma_wait3A_760 = tpu.memref_slice %arg2[%dma_wait3A_759, %multiple_of3A] : memref<32x102400xf32, #tpu.memory_space<hbm>> -> memref<1x128xf32, #tpu.memory_space<hbm>>
      tpu.wait_dma2 semaphore(%arg8 : memref<!tpu.dma_semaphore, #tpu.memory_space<semaphore_mem>>) src(%dma_wait3A_760 : memref<1x128xf32, #tpu.memory_space<hbm>>) dst(%dma_wait3A_758 : memref<1x128xf32, #tpu.memory_space<vmem>>)
    }
    %scan3A_318 = arith.constant 16 : i32
    %get3A = arith.constant 0 : index
    %get3A_319 = arith.constant 0 : index
    %get3A_320 = vector.load %arg7[%get3A, %get3A_319] : memref<32x2048xf32, #tpu.memory_space<vmem>>, vector<32x2048xf32>
    %iota3A = tpu.iota {dimensions = array<i32: 1>} : vector<32x2048xi32>
    %shift_right_arithmetic3A = arith.constant 7 : i32
    %shift_right_arithmetic3A_321 = vector.broadcast %shift_right_arithmetic3A : i32 to vector<32x2048xi32>
    %shift_right_arithmetic3A_322 = arith.shrsi %iota3A, %shift_right_arithmetic3A_321 : vector<32x2048xi32>
    %get3A_323 = arith.constant 0 : index
    %get3A_324 = arith.constant 0 : index
    %get3A_325 = vector.load %arg3[%get3A_323, %get3A_324] : memref<32x128xi32, #tpu.memory_space<vmem>>, vector<32x128xi32>
    %broadcast_in_dim3A = arith.constant 0 : i32
    %broadcast_in_dim3A_326 = vector.broadcast %broadcast_in_dim3A : i32 to vector<32x2048xi32>
    %eq3A = arith.constant 0 : i32
    %eq3A_327 = vector.broadcast %eq3A : i32 to vector<32x2048xi32>
    %eq3A_328 = arith.cmpi eq, %shift_right_arithmetic3A_322, %eq3A_327 : vector<32x2048xi32>
    %slice3A = vector.extract_strided_slice %get3A_325 {offsets = [0, 0], sizes = [32, 1], strides = [1, 1]} : vector<32x128xi32> to vector<32x1xi32>
    %jit3A = arith.constant 0 : i32
    %broadcast_in_dim3A_329 = vector.shape_cast %slice3A : vector<32x1xi32> to vector<32x1xi32>
    %broadcast_in_dim3A_330 = vector.broadcast %broadcast_in_dim3A_329 : vector<32x1xi32> to vector<32x2048xi32>
    %broadcast_in_dim3A_331 = vector.broadcast %jit3A : i32 to vector<32x2048xi32>
    %select_n3A = arith.select %eq3A_328, %broadcast_in_dim3A_330, %broadcast_in_dim3A_331 : vector<32x2048xi1>, vector<32x2048xi32>
    %add3A = arith.addi %broadcast_in_dim3A_326, %select_n3A : vector<32x2048xi32>
    %eq3A_332 = arith.constant 1 : i32
    %eq3A_333 = vector.broadcast %eq3A_332 : i32 to vector<32x2048xi32>
    %eq3A_334 = arith.cmpi eq, %shift_right_arithmetic3A_322, %eq3A_333 : vector<32x2048xi32>
    %slice3A_335 = vector.extract_strided_slice %get3A_325 {offsets = [0, 1], sizes = [32, 1], strides = [1, 1]} : vector<32x128xi32> to vector<32x1xi32>
    %jit3A_336 = arith.constant 0 : i32
    %broadcast_in_dim3A_337 = vector.shape_cast %slice3A_335 : vector<32x1xi32> to vector<32x1xi32>
    %broadcast_in_dim3A_338 = vector.broadcast %broadcast_in_dim3A_337 : vector<32x1xi32> to vector<32x2048xi32>
    %broadcast_in_dim3A_339 = vector.broadcast %jit3A_336 : i32 to vector<32x2048xi32>
    %select_n3A_340 = arith.select %eq3A_334, %broadcast_in_dim3A_338, %broadcast_in_dim3A_339 : vector<32x2048xi1>, vector<32x2048xi32>
    %add3A_341 = arith.addi %add3A, %select_n3A_340 : vector<32x2048xi32>
    %eq3A_342 = arith.constant 2 : i32
    %eq3A_343 = vector.broadcast %eq3A_342 : i32 to vector<32x2048xi32>
    %eq3A_344 = arith.cmpi eq, %shift_right_arithmetic3A_322, %eq3A_343 : vector<32x2048xi32>
    %slice3A_345 = vector.extract_strided_slice %get3A_325 {offsets = [0, 2], sizes = [32, 1], strides = [1, 1]} : vector<32x128xi32> to vector<32x1xi32>
    %jit3A_346 = arith.constant 0 : i32
    %broadcast_in_dim3A_347 = vector.shape_cast %slice3A_345 : vector<32x1xi32> to vector<32x1xi32>
    %broadcast_in_dim3A_348 = vector.broadcast %broadcast_in_dim3A_347 : vector<32x1xi32> to vector<32x2048xi32>
    %broadcast_in_dim3A_349 = vector.broadcast %jit3A_346 : i32 to vector<32x2048xi32>
    %select_n3A_350 = arith.select %eq3A_344, %broadcast_in_dim3A_348, %broadcast_in_dim3A_349 : vector<32x2048xi1>, vector<32x2048xi32>
    %add3A_351 = arith.addi %add3A_341, %select_n3A_350 : vector<32x2048xi32>
    %eq3A_352 = arith.constant 3 : i32
    %eq3A_353 = vector.broadcast %eq3A_352 : i32 to vector<32x2048xi32>
    %eq3A_354 = arith.cmpi eq, %shift_right_arithmetic3A_322, %eq3A_353 : vector<32x2048xi32>
    %slice3A_355 = vector.extract_strided_slice %get3A_325 {offsets = [0, 3], sizes = [32, 1], strides = [1, 1]} : vector<32x128xi32> to vector<32x1xi32>
    %jit3A_356 = arith.constant 0 : i32
    %broadcast_in_dim3A_357 = vector.shape_cast %slice3A_355 : vector<32x1xi32> to vector<32x1xi32>
    %broadcast_in_dim3A_358 = vector.broadcast %broadcast_in_dim3A_357 : vector<32x1xi32> to vector<32x2048xi32>
    %broadcast_in_dim3A_359 = vector.broadcast %jit3A_356 : i32 to vector<32x2048xi32>
    %select_n3A_360 = arith.select %eq3A_354, %broadcast_in_dim3A_358, %broadcast_in_dim3A_359 : vector<32x2048xi1>, vector<32x2048xi32>
    %add3A_361 = arith.addi %add3A_351, %select_n3A_360 : vector<32x2048xi32>
    %eq3A_362 = arith.constant 4 : i32
    %eq3A_363 = vector.broadcast %eq3A_362 : i32 to vector<32x2048xi32>
    %eq3A_364 = arith.cmpi eq, %shift_right_arithmetic3A_322, %eq3A_363 : vector<32x2048xi32>
    %slice3A_365 = vector.extract_strided_slice %get3A_325 {offsets = [0, 4], sizes = [32, 1], strides = [1, 1]} : vector<32x128xi32> to vector<32x1xi32>
    %jit3A_366 = arith.constant 0 : i32
    %broadcast_in_dim3A_367 = vector.shape_cast %slice3A_365 : vector<32x1xi32> to vector<32x1xi32>
    %broadcast_in_dim3A_368 = vector.broadcast %broadcast_in_dim3A_367 : vector<32x1xi32> to vector<32x2048xi32>
    %broadcast_in_dim3A_369 = vector.broadcast %jit3A_366 : i32 to vector<32x2048xi32>
    %select_n3A_370 = arith.select %eq3A_364, %broadcast_in_dim3A_368, %broadcast_in_dim3A_369 : vector<32x2048xi1>, vector<32x2048xi32>
    %add3A_371 = arith.addi %add3A_361, %select_n3A_370 : vector<32x2048xi32>
    %eq3A_372 = arith.constant 5 : i32
    %eq3A_373 = vector.broadcast %eq3A_372 : i32 to vector<32x2048xi32>
    %eq3A_374 = arith.cmpi eq, %shift_right_arithmetic3A_322, %eq3A_373 : vector<32x2048xi32>
    %slice3A_375 = vector.extract_strided_slice %get3A_325 {offsets = [0, 5], sizes = [32, 1], strides = [1, 1]} : vector<32x128xi32> to vector<32x1xi32>
    %jit3A_376 = arith.constant 0 : i32
    %broadcast_in_dim3A_377 = vector.shape_cast %slice3A_375 : vector<32x1xi32> to vector<32x1xi32>
    %broadcast_in_dim3A_378 = vector.broadcast %broadcast_in_dim3A_377 : vector<32x1xi32> to vector<32x2048xi32>
    %broadcast_in_dim3A_379 = vector.broadcast %jit3A_376 : i32 to vector<32x2048xi32>
    %select_n3A_380 = arith.select %eq3A_374, %broadcast_in_dim3A_378, %broadcast_in_dim3A_379 : vector<32x2048xi1>, vector<32x2048xi32>
    %add3A_381 = arith.addi %add3A_371, %select_n3A_380 : vector<32x2048xi32>
    %eq3A_382 = arith.constant 6 : i32
    %eq3A_383 = vector.broadcast %eq3A_382 : i32 to vector<32x2048xi32>
    %eq3A_384 = arith.cmpi eq, %shift_right_arithmetic3A_322, %eq3A_383 : vector<32x2048xi32>
    %slice3A_385 = vector.extract_strided_slice %get3A_325 {offsets = [0, 6], sizes = [32, 1], strides = [1, 1]} : vector<32x128xi32> to vector<32x1xi32>
    %jit3A_386 = arith.constant 0 : i32
    %broadcast_in_dim3A_387 = vector.shape_cast %slice3A_385 : vector<32x1xi32> to vector<32x1xi32>
    %broadcast_in_dim3A_388 = vector.broadcast %broadcast_in_dim3A_387 : vector<32x1xi32> to vector<32x2048xi32>
    %broadcast_in_dim3A_389 = vector.broadcast %jit3A_386 : i32 to vector<32x2048xi32>
    %select_n3A_390 = arith.select %eq3A_384, %broadcast_in_dim3A_388, %broadcast_in_dim3A_389 : vector<32x2048xi1>, vector<32x2048xi32>
    %add3A_391 = arith.addi %add3A_381, %select_n3A_390 : vector<32x2048xi32>
    %eq3A_392 = arith.constant 7 : i32
    %eq3A_393 = vector.broadcast %eq3A_392 : i32 to vector<32x2048xi32>
    %eq3A_394 = arith.cmpi eq, %shift_right_arithmetic3A_322, %eq3A_393 : vector<32x2048xi32>
    %slice3A_395 = vector.extract_strided_slice %get3A_325 {offsets = [0, 7], sizes = [32, 1], strides = [1, 1]} : vector<32x128xi32> to vector<32x1xi32>
    %jit3A_396 = arith.constant 0 : i32
    %broadcast_in_dim3A_397 = vector.shape_cast %slice3A_395 : vector<32x1xi32> to vector<32x1xi32>
    %broadcast_in_dim3A_398 = vector.broadcast %broadcast_in_dim3A_397 : vector<32x1xi32> to vector<32x2048xi32>
    %broadcast_in_dim3A_399 = vector.broadcast %jit3A_396 : i32 to vector<32x2048xi32>
    %select_n3A_400 = arith.select %eq3A_394, %broadcast_in_dim3A_398, %broadcast_in_dim3A_399 : vector<32x2048xi1>, vector<32x2048xi32>
    %add3A_401 = arith.addi %add3A_391, %select_n3A_400 : vector<32x2048xi32>
    %eq3A_402 = arith.constant 8 : i32
    %eq3A_403 = vector.broadcast %eq3A_402 : i32 to vector<32x2048xi32>
    %eq3A_404 = arith.cmpi eq, %shift_right_arithmetic3A_322, %eq3A_403 : vector<32x2048xi32>
    %slice3A_405 = vector.extract_strided_slice %get3A_325 {offsets = [0, 8], sizes = [32, 1], strides = [1, 1]} : vector<32x128xi32> to vector<32x1xi32>
    %jit3A_406 = arith.constant 0 : i32
    %broadcast_in_dim3A_407 = vector.shape_cast %slice3A_405 : vector<32x1xi32> to vector<32x1xi32>
    %broadcast_in_dim3A_408 = vector.broadcast %broadcast_in_dim3A_407 : vector<32x1xi32> to vector<32x2048xi32>
    %broadcast_in_dim3A_409 = vector.broadcast %jit3A_406 : i32 to vector<32x2048xi32>
    %select_n3A_410 = arith.select %eq3A_404, %broadcast_in_dim3A_408, %broadcast_in_dim3A_409 : vector<32x2048xi1>, vector<32x2048xi32>
    %add3A_411 = arith.addi %add3A_401, %select_n3A_410 : vector<32x2048xi32>
    %eq3A_412 = arith.constant 9 : i32
    %eq3A_413 = vector.broadcast %eq3A_412 : i32 to vector<32x2048xi32>
    %eq3A_414 = arith.cmpi eq, %shift_right_arithmetic3A_322, %eq3A_413 : vector<32x2048xi32>
    %slice3A_415 = vector.extract_strided_slice %get3A_325 {offsets = [0, 9], sizes = [32, 1], strides = [1, 1]} : vector<32x128xi32> to vector<32x1xi32>
    %jit3A_416 = arith.constant 0 : i32
    %broadcast_in_dim3A_417 = vector.shape_cast %slice3A_415 : vector<32x1xi32> to vector<32x1xi32>
    %broadcast_in_dim3A_418 = vector.broadcast %broadcast_in_dim3A_417 : vector<32x1xi32> to vector<32x2048xi32>
    %broadcast_in_dim3A_419 = vector.broadcast %jit3A_416 : i32 to vector<32x2048xi32>
    %select_n3A_420 = arith.select %eq3A_414, %broadcast_in_dim3A_418, %broadcast_in_dim3A_419 : vector<32x2048xi1>, vector<32x2048xi32>
    %add3A_421 = arith.addi %add3A_411, %select_n3A_420 : vector<32x2048xi32>
    %eq3A_422 = arith.constant 10 : i32
    %eq3A_423 = vector.broadcast %eq3A_422 : i32 to vector<32x2048xi32>
    %eq3A_424 = arith.cmpi eq, %shift_right_arithmetic3A_322, %eq3A_423 : vector<32x2048xi32>
    %slice3A_425 = vector.extract_strided_slice %get3A_325 {offsets = [0, 10], sizes = [32, 1], strides = [1, 1]} : vector<32x128xi32> to vector<32x1xi32>
    %jit3A_426 = arith.constant 0 : i32
    %broadcast_in_dim3A_427 = vector.shape_cast %slice3A_425 : vector<32x1xi32> to vector<32x1xi32>
    %broadcast_in_dim3A_428 = vector.broadcast %broadcast_in_dim3A_427 : vector<32x1xi32> to vector<32x2048xi32>
    %broadcast_in_dim3A_429 = vector.broadcast %jit3A_426 : i32 to vector<32x2048xi32>
    %select_n3A_430 = arith.select %eq3A_424, %broadcast_in_dim3A_428, %broadcast_in_dim3A_429 : vector<32x2048xi1>, vector<32x2048xi32>
    %add3A_431 = arith.addi %add3A_421, %select_n3A_430 : vector<32x2048xi32>
    %eq3A_432 = arith.constant 11 : i32
    %eq3A_433 = vector.broadcast %eq3A_432 : i32 to vector<32x2048xi32>
    %eq3A_434 = arith.cmpi eq, %shift_right_arithmetic3A_322, %eq3A_433 : vector<32x2048xi32>
    %slice3A_435 = vector.extract_strided_slice %get3A_325 {offsets = [0, 11], sizes = [32, 1], strides = [1, 1]} : vector<32x128xi32> to vector<32x1xi32>
    %jit3A_436 = arith.constant 0 : i32
    %broadcast_in_dim3A_437 = vector.shape_cast %slice3A_435 : vector<32x1xi32> to vector<32x1xi32>
    %broadcast_in_dim3A_438 = vector.broadcast %broadcast_in_dim3A_437 : vector<32x1xi32> to vector<32x2048xi32>
    %broadcast_in_dim3A_439 = vector.broadcast %jit3A_436 : i32 to vector<32x2048xi32>
    %select_n3A_440 = arith.select %eq3A_434, %broadcast_in_dim3A_438, %broadcast_in_dim3A_439 : vector<32x2048xi1>, vector<32x2048xi32>
    %add3A_441 = arith.addi %add3A_431, %select_n3A_440 : vector<32x2048xi32>
    %eq3A_442 = arith.constant 12 : i32
    %eq3A_443 = vector.broadcast %eq3A_442 : i32 to vector<32x2048xi32>
    %eq3A_444 = arith.cmpi eq, %shift_right_arithmetic3A_322, %eq3A_443 : vector<32x2048xi32>
    %slice3A_445 = vector.extract_strided_slice %get3A_325 {offsets = [0, 12], sizes = [32, 1], strides = [1, 1]} : vector<32x128xi32> to vector<32x1xi32>
    %jit3A_446 = arith.constant 0 : i32
    %broadcast_in_dim3A_447 = vector.shape_cast %slice3A_445 : vector<32x1xi32> to vector<32x1xi32>
    %broadcast_in_dim3A_448 = vector.broadcast %broadcast_in_dim3A_447 : vector<32x1xi32> to vector<32x2048xi32>
    %broadcast_in_dim3A_449 = vector.broadcast %jit3A_446 : i32 to vector<32x2048xi32>
    %select_n3A_450 = arith.select %eq3A_444, %broadcast_in_dim3A_448, %broadcast_in_dim3A_449 : vector<32x2048xi1>, vector<32x2048xi32>
    %add3A_451 = arith.addi %add3A_441, %select_n3A_450 : vector<32x2048xi32>
    %eq3A_452 = arith.constant 13 : i32
    %eq3A_453 = vector.broadcast %eq3A_452 : i32 to vector<32x2048xi32>
    %eq3A_454 = arith.cmpi eq, %shift_right_arithmetic3A_322, %eq3A_453 : vector<32x2048xi32>
    %slice3A_455 = vector.extract_strided_slice %get3A_325 {offsets = [0, 13], sizes = [32, 1], strides = [1, 1]} : vector<32x128xi32> to vector<32x1xi32>
    %jit3A_456 = arith.constant 0 : i32
    %broadcast_in_dim3A_457 = vector.shape_cast %slice3A_455 : vector<32x1xi32> to vector<32x1xi32>
    %broadcast_in_dim3A_458 = vector.broadcast %broadcast_in_dim3A_457 : vector<32x1xi32> to vector<32x2048xi32>
    %broadcast_in_dim3A_459 = vector.broadcast %jit3A_456 : i32 to vector<32x2048xi32>
    %select_n3A_460 = arith.select %eq3A_454, %broadcast_in_dim3A_458, %broadcast_in_dim3A_459 : vector<32x2048xi1>, vector<32x2048xi32>
    %add3A_461 = arith.addi %add3A_451, %select_n3A_460 : vector<32x2048xi32>
    %eq3A_462 = arith.constant 14 : i32
    %eq3A_463 = vector.broadcast %eq3A_462 : i32 to vector<32x2048xi32>
    %eq3A_464 = arith.cmpi eq, %shift_right_arithmetic3A_322, %eq3A_463 : vector<32x2048xi32>
    %slice3A_465 = vector.extract_strided_slice %get3A_325 {offsets = [0, 14], sizes = [32, 1], strides = [1, 1]} : vector<32x128xi32> to vector<32x1xi32>
    %jit3A_466 = arith.constant 0 : i32
    %broadcast_in_dim3A_467 = vector.shape_cast %slice3A_465 : vector<32x1xi32> to vector<32x1xi32>
    %broadcast_in_dim3A_468 = vector.broadcast %broadcast_in_dim3A_467 : vector<32x1xi32> to vector<32x2048xi32>
    %broadcast_in_dim3A_469 = vector.broadcast %jit3A_466 : i32 to vector<32x2048xi32>
    %select_n3A_470 = arith.select %eq3A_464, %broadcast_in_dim3A_468, %broadcast_in_dim3A_469 : vector<32x2048xi1>, vector<32x2048xi32>
    %add3A_471 = arith.addi %add3A_461, %select_n3A_470 : vector<32x2048xi32>
    %eq3A_472 = arith.constant 15 : i32
    %eq3A_473 = vector.broadcast %eq3A_472 : i32 to vector<32x2048xi32>
    %eq3A_474 = arith.cmpi eq, %shift_right_arithmetic3A_322, %eq3A_473 : vector<32x2048xi32>
    %slice3A_475 = vector.extract_strided_slice %get3A_325 {offsets = [0, 15], sizes = [32, 1], strides = [1, 1]} : vector<32x128xi32> to vector<32x1xi32>
    %jit3A_476 = arith.constant 0 : i32
    %broadcast_in_dim3A_477 = vector.shape_cast %slice3A_475 : vector<32x1xi32> to vector<32x1xi32>
    %broadcast_in_dim3A_478 = vector.broadcast %broadcast_in_dim3A_477 : vector<32x1xi32> to vector<32x2048xi32>
    %broadcast_in_dim3A_479 = vector.broadcast %jit3A_476 : i32 to vector<32x2048xi32>
    %select_n3A_480 = arith.select %eq3A_474, %broadcast_in_dim3A_478, %broadcast_in_dim3A_479 : vector<32x2048xi1>, vector<32x2048xi32>
    %add3A_481 = arith.addi %add3A_471, %select_n3A_480 : vector<32x2048xi32>
    %and3A = arith.constant 127 : i32
    %and3A_482 = vector.broadcast %and3A : i32 to vector<32x2048xi32>
    %and3A_483 = arith.andi %iota3A, %and3A_482 : vector<32x2048xi32>
    %add3A_484 = arith.addi %add3A_481, %and3A_483 : vector<32x2048xi32>
    %reduce_max3A = arith.constant dense<0xFF800000> : vector<32xf32>
    %reduce_max3A_485 = vector.multi_reduction <maximumf>, %get3A_320, %reduce_max3A [1] : vector<32x2048xf32> to vector<32xf32>
    %broadcast_in_dim3A_486 = vector.shape_cast %reduce_max3A_485 : vector<32xf32> to vector<32x1xf32>
    %eq3A_487 = vector.broadcast %broadcast_in_dim3A_486 : vector<32x1xf32> to vector<32x2048xf32>
    %eq3A_488 = arith.cmpf oeq, %get3A_320, %eq3A_487 : vector<32x2048xf32>
    %jit3A_489 = arith.constant 1073741824 : i32
    %broadcast_in_dim3A_490 = vector.broadcast %jit3A_489 : i32 to vector<32x2048xi32>
    %select_n3A_491 = arith.select %eq3A_488, %add3A_484, %broadcast_in_dim3A_490 : vector<32x2048xi1>, vector<32x2048xi32>
    %reduce_min3A = arith.constant dense<2147483647> : vector<32xi32>
    %reduce_min3A_492 = vector.multi_reduction <minsi>, %select_n3A_491, %reduce_min3A [1] : vector<32x2048xi32> to vector<32xi32>
    %broadcast_in_dim3A_493 = vector.shape_cast %reduce_min3A_492 : vector<32xi32> to vector<32x1xi32>
    %eq3A_494 = vector.broadcast %broadcast_in_dim3A_493 : vector<32x1xi32> to vector<32x2048xi32>
    %eq3A_495 = arith.cmpi eq, %add3A_484, %eq3A_494 : vector<32x2048xi32>
    %jit3A_496 = arith.constant 0xFF800000 : f32
    %broadcast_in_dim3A_497 = vector.broadcast %jit3A_496 : f32 to vector<32x2048xf32>
    %select_n3A_498 = arith.select %eq3A_495, %broadcast_in_dim3A_497, %get3A_320 : vector<32x2048xi1>, vector<32x2048xf32>
    %reduce_max3A_499 = arith.constant dense<0xFF800000> : vector<32xf32>
    %reduce_max3A_500 = vector.multi_reduction <maximumf>, %select_n3A_498, %reduce_max3A_499 [1] : vector<32x2048xf32> to vector<32xf32>
    %broadcast_in_dim3A_501 = vector.shape_cast %reduce_max3A_500 : vector<32xf32> to vector<32x1xf32>
    %eq3A_502 = vector.broadcast %broadcast_in_dim3A_501 : vector<32x1xf32> to vector<32x2048xf32>
    %eq3A_503 = arith.cmpf oeq, %select_n3A_498, %eq3A_502 : vector<32x2048xf32>
    %jit3A_504 = arith.constant 1073741824 : i32
    %broadcast_in_dim3A_505 = vector.broadcast %jit3A_504 : i32 to vector<32x2048xi32>
    %select_n3A_506 = arith.select %eq3A_503, %add3A_484, %broadcast_in_dim3A_505 : vector<32x2048xi1>, vector<32x2048xi32>
    %reduce_min3A_507 = arith.constant dense<2147483647> : vector<32xi32>
    %reduce_min3A_508 = vector.multi_reduction <minsi>, %select_n3A_506, %reduce_min3A_507 [1] : vector<32x2048xi32> to vector<32xi32>
    %broadcast_in_dim3A_509 = vector.shape_cast %reduce_min3A_508 : vector<32xi32> to vector<32x1xi32>
    %eq3A_510 = vector.broadcast %broadcast_in_dim3A_509 : vector<32x1xi32> to vector<32x2048xi32>
    %eq3A_511 = arith.cmpi eq, %add3A_484, %eq3A_510 : vector<32x2048xi32>
    %jit3A_512 = arith.constant 0xFF800000 : f32
    %broadcast_in_dim3A_513 = vector.broadcast %jit3A_512 : f32 to vector<32x2048xf32>
    %select_n3A_514 = arith.select %eq3A_511, %broadcast_in_dim3A_513, %select_n3A_498 : vector<32x2048xi1>, vector<32x2048xf32>
    %reduce_max3A_515 = arith.constant dense<0xFF800000> : vector<32xf32>
    %reduce_max3A_516 = vector.multi_reduction <maximumf>, %select_n3A_514, %reduce_max3A_515 [1] : vector<32x2048xf32> to vector<32xf32>
    %broadcast_in_dim3A_517 = vector.shape_cast %reduce_max3A_516 : vector<32xf32> to vector<32x1xf32>
    %eq3A_518 = vector.broadcast %broadcast_in_dim3A_517 : vector<32x1xf32> to vector<32x2048xf32>
    %eq3A_519 = arith.cmpf oeq, %select_n3A_514, %eq3A_518 : vector<32x2048xf32>
    %jit3A_520 = arith.constant 1073741824 : i32
    %broadcast_in_dim3A_521 = vector.broadcast %jit3A_520 : i32 to vector<32x2048xi32>
    %select_n3A_522 = arith.select %eq3A_519, %add3A_484, %broadcast_in_dim3A_521 : vector<32x2048xi1>, vector<32x2048xi32>
    %reduce_min3A_523 = arith.constant dense<2147483647> : vector<32xi32>
    %reduce_min3A_524 = vector.multi_reduction <minsi>, %select_n3A_522, %reduce_min3A_523 [1] : vector<32x2048xi32> to vector<32xi32>
    %broadcast_in_dim3A_525 = vector.shape_cast %reduce_min3A_524 : vector<32xi32> to vector<32x1xi32>
    %eq3A_526 = vector.broadcast %broadcast_in_dim3A_525 : vector<32x1xi32> to vector<32x2048xi32>
    %eq3A_527 = arith.cmpi eq, %add3A_484, %eq3A_526 : vector<32x2048xi32>
    %jit3A_528 = arith.constant 0xFF800000 : f32
    %broadcast_in_dim3A_529 = vector.broadcast %jit3A_528 : f32 to vector<32x2048xf32>
    %select_n3A_530 = arith.select %eq3A_527, %broadcast_in_dim3A_529, %select_n3A_514 : vector<32x2048xi1>, vector<32x2048xf32>
    %reduce_max3A_531 = arith.constant dense<0xFF800000> : vector<32xf32>
    %reduce_max3A_532 = vector.multi_reduction <maximumf>, %select_n3A_530, %reduce_max3A_531 [1] : vector<32x2048xf32> to vector<32xf32>
    %broadcast_in_dim3A_533 = vector.shape_cast %reduce_max3A_532 : vector<32xf32> to vector<32x1xf32>
    %eq3A_534 = vector.broadcast %broadcast_in_dim3A_533 : vector<32x1xf32> to vector<32x2048xf32>
    %eq3A_535 = arith.cmpf oeq, %select_n3A_530, %eq3A_534 : vector<32x2048xf32>
    %jit3A_536 = arith.constant 1073741824 : i32
    %broadcast_in_dim3A_537 = vector.broadcast %jit3A_536 : i32 to vector<32x2048xi32>
    %select_n3A_538 = arith.select %eq3A_535, %add3A_484, %broadcast_in_dim3A_537 : vector<32x2048xi1>, vector<32x2048xi32>
    %reduce_min3A_539 = arith.constant dense<2147483647> : vector<32xi32>
    %reduce_min3A_540 = vector.multi_reduction <minsi>, %select_n3A_538, %reduce_min3A_539 [1] : vector<32x2048xi32> to vector<32xi32>
    %broadcast_in_dim3A_541 = vector.shape_cast %reduce_min3A_540 : vector<32xi32> to vector<32x1xi32>
    %eq3A_542 = vector.broadcast %broadcast_in_dim3A_541 : vector<32x1xi32> to vector<32x2048xi32>
    %eq3A_543 = arith.cmpi eq, %add3A_484, %eq3A_542 : vector<32x2048xi32>
    %jit3A_544 = arith.constant 0xFF800000 : f32
    %broadcast_in_dim3A_545 = vector.broadcast %jit3A_544 : f32 to vector<32x2048xf32>
    %select_n3A_546 = arith.select %eq3A_543, %broadcast_in_dim3A_545, %select_n3A_530 : vector<32x2048xi1>, vector<32x2048xf32>
    %reduce_max3A_547 = arith.constant dense<0xFF800000> : vector<32xf32>
    %reduce_max3A_548 = vector.multi_reduction <maximumf>, %select_n3A_546, %reduce_max3A_547 [1] : vector<32x2048xf32> to vector<32xf32>
    %broadcast_in_dim3A_549 = vector.shape_cast %reduce_max3A_548 : vector<32xf32> to vector<32x1xf32>
    %eq3A_550 = vector.broadcast %broadcast_in_dim3A_549 : vector<32x1xf32> to vector<32x2048xf32>
    %eq3A_551 = arith.cmpf oeq, %select_n3A_546, %eq3A_550 : vector<32x2048xf32>
    %jit3A_552 = arith.constant 1073741824 : i32
    %broadcast_in_dim3A_553 = vector.broadcast %jit3A_552 : i32 to vector<32x2048xi32>
    %select_n3A_554 = arith.select %eq3A_551, %add3A_484, %broadcast_in_dim3A_553 : vector<32x2048xi1>, vector<32x2048xi32>
    %reduce_min3A_555 = arith.constant dense<2147483647> : vector<32xi32>
    %reduce_min3A_556 = vector.multi_reduction <minsi>, %select_n3A_554, %reduce_min3A_555 [1] : vector<32x2048xi32> to vector<32xi32>
    %broadcast_in_dim3A_557 = vector.shape_cast %reduce_min3A_556 : vector<32xi32> to vector<32x1xi32>
    %eq3A_558 = vector.broadcast %broadcast_in_dim3A_557 : vector<32x1xi32> to vector<32x2048xi32>
    %eq3A_559 = arith.cmpi eq, %add3A_484, %eq3A_558 : vector<32x2048xi32>
    %jit3A_560 = arith.constant 0xFF800000 : f32
    %broadcast_in_dim3A_561 = vector.broadcast %jit3A_560 : f32 to vector<32x2048xf32>
    %select_n3A_562 = arith.select %eq3A_559, %broadcast_in_dim3A_561, %select_n3A_546 : vector<32x2048xi1>, vector<32x2048xf32>
    %reduce_max3A_563 = arith.constant dense<0xFF800000> : vector<32xf32>
    %reduce_max3A_564 = vector.multi_reduction <maximumf>, %select_n3A_562, %reduce_max3A_563 [1] : vector<32x2048xf32> to vector<32xf32>
    %broadcast_in_dim3A_565 = vector.shape_cast %reduce_max3A_564 : vector<32xf32> to vector<32x1xf32>
    %eq3A_566 = vector.broadcast %broadcast_in_dim3A_565 : vector<32x1xf32> to vector<32x2048xf32>
    %eq3A_567 = arith.cmpf oeq, %select_n3A_562, %eq3A_566 : vector<32x2048xf32>
    %jit3A_568 = arith.constant 1073741824 : i32
    %broadcast_in_dim3A_569 = vector.broadcast %jit3A_568 : i32 to vector<32x2048xi32>
    %select_n3A_570 = arith.select %eq3A_567, %add3A_484, %broadcast_in_dim3A_569 : vector<32x2048xi1>, vector<32x2048xi32>
    %reduce_min3A_571 = arith.constant dense<2147483647> : vector<32xi32>
    %reduce_min3A_572 = vector.multi_reduction <minsi>, %select_n3A_570, %reduce_min3A_571 [1] : vector<32x2048xi32> to vector<32xi32>
    %broadcast_in_dim3A_573 = vector.shape_cast %reduce_min3A_572 : vector<32xi32> to vector<32x1xi32>
    %eq3A_574 = vector.broadcast %broadcast_in_dim3A_573 : vector<32x1xi32> to vector<32x2048xi32>
    %eq3A_575 = arith.cmpi eq, %add3A_484, %eq3A_574 : vector<32x2048xi32>
    %jit3A_576 = arith.constant 0xFF800000 : f32
    %broadcast_in_dim3A_577 = vector.broadcast %jit3A_576 : f32 to vector<32x2048xf32>
    %select_n3A_578 = arith.select %eq3A_575, %broadcast_in_dim3A_577, %select_n3A_562 : vector<32x2048xi1>, vector<32x2048xf32>
    %reduce_max3A_579 = arith.constant dense<0xFF800000> : vector<32xf32>
    %reduce_max3A_580 = vector.multi_reduction <maximumf>, %select_n3A_578, %reduce_max3A_579 [1] : vector<32x2048xf32> to vector<32xf32>
    %broadcast_in_dim3A_581 = vector.shape_cast %reduce_max3A_580 : vector<32xf32> to vector<32x1xf32>
    %eq3A_582 = vector.broadcast %broadcast_in_dim3A_581 : vector<32x1xf32> to vector<32x2048xf32>
    %eq3A_583 = arith.cmpf oeq, %select_n3A_578, %eq3A_582 : vector<32x2048xf32>
    %jit3A_584 = arith.constant 1073741824 : i32
    %broadcast_in_dim3A_585 = vector.broadcast %jit3A_584 : i32 to vector<32x2048xi32>
    %select_n3A_586 = arith.select %eq3A_583, %add3A_484, %broadcast_in_dim3A_585 : vector<32x2048xi1>, vector<32x2048xi32>
    %reduce_min3A_587 = arith.constant dense<2147483647> : vector<32xi32>
    %reduce_min3A_588 = vector.multi_reduction <minsi>, %select_n3A_586, %reduce_min3A_587 [1] : vector<32x2048xi32> to vector<32xi32>
    %broadcast_in_dim3A_589 = vector.shape_cast %reduce_min3A_588 : vector<32xi32> to vector<32x1xi32>
    %eq3A_590 = vector.broadcast %broadcast_in_dim3A_589 : vector<32x1xi32> to vector<32x2048xi32>
    %eq3A_591 = arith.cmpi eq, %add3A_484, %eq3A_590 : vector<32x2048xi32>
    %jit3A_592 = arith.constant 0xFF800000 : f32
    %broadcast_in_dim3A_593 = vector.broadcast %jit3A_592 : f32 to vector<32x2048xf32>
    %select_n3A_594 = arith.select %eq3A_591, %broadcast_in_dim3A_593, %select_n3A_578 : vector<32x2048xi1>, vector<32x2048xf32>
    %reduce_max3A_595 = arith.constant dense<0xFF800000> : vector<32xf32>
    %reduce_max3A_596 = vector.multi_reduction <maximumf>, %select_n3A_594, %reduce_max3A_595 [1] : vector<32x2048xf32> to vector<32xf32>
    %broadcast_in_dim3A_597 = vector.shape_cast %reduce_max3A_596 : vector<32xf32> to vector<32x1xf32>
    %eq3A_598 = vector.broadcast %broadcast_in_dim3A_597 : vector<32x1xf32> to vector<32x2048xf32>
    %eq3A_599 = arith.cmpf oeq, %select_n3A_594, %eq3A_598 : vector<32x2048xf32>
    %jit3A_600 = arith.constant 1073741824 : i32
    %broadcast_in_dim3A_601 = vector.broadcast %jit3A_600 : i32 to vector<32x2048xi32>
    %select_n3A_602 = arith.select %eq3A_599, %add3A_484, %broadcast_in_dim3A_601 : vector<32x2048xi1>, vector<32x2048xi32>
    %reduce_min3A_603 = arith.constant dense<2147483647> : vector<32xi32>
    %reduce_min3A_604 = vector.multi_reduction <minsi>, %select_n3A_602, %reduce_min3A_603 [1] : vector<32x2048xi32> to vector<32xi32>
    %broadcast_in_dim3A_605 = vector.shape_cast %reduce_min3A_604 : vector<32xi32> to vector<32x1xi32>
    %eq3A_606 = vector.broadcast %broadcast_in_dim3A_605 : vector<32x1xi32> to vector<32x2048xi32>
    %eq3A_607 = arith.cmpi eq, %add3A_484, %eq3A_606 : vector<32x2048xi32>
    %jit3A_608 = arith.constant 0xFF800000 : f32
    %broadcast_in_dim3A_609 = vector.broadcast %jit3A_608 : f32 to vector<32x2048xf32>
    %select_n3A_610 = arith.select %eq3A_607, %broadcast_in_dim3A_609, %select_n3A_594 : vector<32x2048xi1>, vector<32x2048xf32>
    %reduce_max3A_611 = arith.constant dense<0xFF800000> : vector<32xf32>
    %reduce_max3A_612 = vector.multi_reduction <maximumf>, %select_n3A_610, %reduce_max3A_611 [1] : vector<32x2048xf32> to vector<32xf32>
    %broadcast_in_dim3A_613 = vector.shape_cast %reduce_max3A_612 : vector<32xf32> to vector<32x1xf32>
    %eq3A_614 = vector.broadcast %broadcast_in_dim3A_613 : vector<32x1xf32> to vector<32x2048xf32>
    %eq3A_615 = arith.cmpf oeq, %select_n3A_610, %eq3A_614 : vector<32x2048xf32>
    %jit3A_616 = arith.constant 1073741824 : i32
    %broadcast_in_dim3A_617 = vector.broadcast %jit3A_616 : i32 to vector<32x2048xi32>
    %select_n3A_618 = arith.select %eq3A_615, %add3A_484, %broadcast_in_dim3A_617 : vector<32x2048xi1>, vector<32x2048xi32>
    %reduce_min3A_619 = arith.constant dense<2147483647> : vector<32xi32>
    %reduce_min3A_620 = vector.multi_reduction <minsi>, %select_n3A_618, %reduce_min3A_619 [1] : vector<32x2048xi32> to vector<32xi32>
    %broadcast_in_dim3A_621 = vector.shape_cast %reduce_min3A_620 : vector<32xi32> to vector<32x1xi32>
    %eq3A_622 = vector.broadcast %broadcast_in_dim3A_621 : vector<32x1xi32> to vector<32x2048xi32>
    %eq3A_623 = arith.cmpi eq, %add3A_484, %eq3A_622 : vector<32x2048xi32>
    %jit3A_624 = arith.constant 0xFF800000 : f32
    %broadcast_in_dim3A_625 = vector.broadcast %jit3A_624 : f32 to vector<32x2048xf32>
    %select_n3A_626 = arith.select %eq3A_623, %broadcast_in_dim3A_625, %select_n3A_610 : vector<32x2048xi1>, vector<32x2048xf32>
    %reduce_max3A_627 = arith.constant dense<0xFF800000> : vector<32xf32>
    %reduce_max3A_628 = vector.multi_reduction <maximumf>, %select_n3A_626, %reduce_max3A_627 [1] : vector<32x2048xf32> to vector<32xf32>
    %broadcast_in_dim3A_629 = vector.shape_cast %reduce_max3A_628 : vector<32xf32> to vector<32x1xf32>
    %eq3A_630 = vector.broadcast %broadcast_in_dim3A_629 : vector<32x1xf32> to vector<32x2048xf32>
    %eq3A_631 = arith.cmpf oeq, %select_n3A_626, %eq3A_630 : vector<32x2048xf32>
    %jit3A_632 = arith.constant 1073741824 : i32
    %broadcast_in_dim3A_633 = vector.broadcast %jit3A_632 : i32 to vector<32x2048xi32>
    %select_n3A_634 = arith.select %eq3A_631, %add3A_484, %broadcast_in_dim3A_633 : vector<32x2048xi1>, vector<32x2048xi32>
    %reduce_min3A_635 = arith.constant dense<2147483647> : vector<32xi32>
    %reduce_min3A_636 = vector.multi_reduction <minsi>, %select_n3A_634, %reduce_min3A_635 [1] : vector<32x2048xi32> to vector<32xi32>
    %broadcast_in_dim3A_637 = vector.shape_cast %reduce_min3A_636 : vector<32xi32> to vector<32x1xi32>
    %eq3A_638 = vector.broadcast %broadcast_in_dim3A_637 : vector<32x1xi32> to vector<32x2048xi32>
    %eq3A_639 = arith.cmpi eq, %add3A_484, %eq3A_638 : vector<32x2048xi32>
    %jit3A_640 = arith.constant 0xFF800000 : f32
    %broadcast_in_dim3A_641 = vector.broadcast %jit3A_640 : f32 to vector<32x2048xf32>
    %select_n3A_642 = arith.select %eq3A_639, %broadcast_in_dim3A_641, %select_n3A_626 : vector<32x2048xi1>, vector<32x2048xf32>
    %reduce_max3A_643 = arith.constant dense<0xFF800000> : vector<32xf32>
    %reduce_max3A_644 = vector.multi_reduction <maximumf>, %select_n3A_642, %reduce_max3A_643 [1] : vector<32x2048xf32> to vector<32xf32>
    %broadcast_in_dim3A_645 = vector.shape_cast %reduce_max3A_644 : vector<32xf32> to vector<32x1xf32>
    %eq3A_646 = vector.broadcast %broadcast_in_dim3A_645 : vector<32x1xf32> to vector<32x2048xf32>
    %eq3A_647 = arith.cmpf oeq, %select_n3A_642, %eq3A_646 : vector<32x2048xf32>
    %jit3A_648 = arith.constant 1073741824 : i32
    %broadcast_in_dim3A_649 = vector.broadcast %jit3A_648 : i32 to vector<32x2048xi32>
    %select_n3A_650 = arith.select %eq3A_647, %add3A_484, %broadcast_in_dim3A_649 : vector<32x2048xi1>, vector<32x2048xi32>
    %reduce_min3A_651 = arith.constant dense<2147483647> : vector<32xi32>
    %reduce_min3A_652 = vector.multi_reduction <minsi>, %select_n3A_650, %reduce_min3A_651 [1] : vector<32x2048xi32> to vector<32xi32>
    %broadcast_in_dim3A_653 = vector.shape_cast %reduce_min3A_652 : vector<32xi32> to vector<32x1xi32>
    %eq3A_654 = vector.broadcast %broadcast_in_dim3A_653 : vector<32x1xi32> to vector<32x2048xi32>
    %eq3A_655 = arith.cmpi eq, %add3A_484, %eq3A_654 : vector<32x2048xi32>
    %jit3A_656 = arith.constant 0xFF800000 : f32
    %broadcast_in_dim3A_657 = vector.broadcast %jit3A_656 : f32 to vector<32x2048xf32>
    %select_n3A_658 = arith.select %eq3A_655, %broadcast_in_dim3A_657, %select_n3A_642 : vector<32x2048xi1>, vector<32x2048xf32>
    %reduce_max3A_659 = arith.constant dense<0xFF800000> : vector<32xf32>
    %reduce_max3A_660 = vector.multi_reduction <maximumf>, %select_n3A_658, %reduce_max3A_659 [1] : vector<32x2048xf32> to vector<32xf32>
    %broadcast_in_dim3A_661 = vector.shape_cast %reduce_max3A_660 : vector<32xf32> to vector<32x1xf32>
    %eq3A_662 = vector.broadcast %broadcast_in_dim3A_661 : vector<32x1xf32> to vector<32x2048xf32>
    %eq3A_663 = arith.cmpf oeq, %select_n3A_658, %eq3A_662 : vector<32x2048xf32>
    %jit3A_664 = arith.constant 1073741824 : i32
    %broadcast_in_dim3A_665 = vector.broadcast %jit3A_664 : i32 to vector<32x2048xi32>
    %select_n3A_666 = arith.select %eq3A_663, %add3A_484, %broadcast_in_dim3A_665 : vector<32x2048xi1>, vector<32x2048xi32>
    %reduce_min3A_667 = arith.constant dense<2147483647> : vector<32xi32>
    %reduce_min3A_668 = vector.multi_reduction <minsi>, %select_n3A_666, %reduce_min3A_667 [1] : vector<32x2048xi32> to vector<32xi32>
    %broadcast_in_dim3A_669 = vector.shape_cast %reduce_min3A_668 : vector<32xi32> to vector<32x1xi32>
    %eq3A_670 = vector.broadcast %broadcast_in_dim3A_669 : vector<32x1xi32> to vector<32x2048xi32>
    %eq3A_671 = arith.cmpi eq, %add3A_484, %eq3A_670 : vector<32x2048xi32>
    %jit3A_672 = arith.constant 0xFF800000 : f32
    %broadcast_in_dim3A_673 = vector.broadcast %jit3A_672 : f32 to vector<32x2048xf32>
    %select_n3A_674 = arith.select %eq3A_671, %broadcast_in_dim3A_673, %select_n3A_658 : vector<32x2048xi1>, vector<32x2048xf32>
    %reduce_max3A_675 = arith.constant dense<0xFF800000> : vector<32xf32>
    %reduce_max3A_676 = vector.multi_reduction <maximumf>, %select_n3A_674, %reduce_max3A_675 [1] : vector<32x2048xf32> to vector<32xf32>
    %broadcast_in_dim3A_677 = vector.shape_cast %reduce_max3A_676 : vector<32xf32> to vector<32x1xf32>
    %eq3A_678 = vector.broadcast %broadcast_in_dim3A_677 : vector<32x1xf32> to vector<32x2048xf32>
    %eq3A_679 = arith.cmpf oeq, %select_n3A_674, %eq3A_678 : vector<32x2048xf32>
    %jit3A_680 = arith.constant 1073741824 : i32
    %broadcast_in_dim3A_681 = vector.broadcast %jit3A_680 : i32 to vector<32x2048xi32>
    %select_n3A_682 = arith.select %eq3A_679, %add3A_484, %broadcast_in_dim3A_681 : vector<32x2048xi1>, vector<32x2048xi32>
    %reduce_min3A_683 = arith.constant dense<2147483647> : vector<32xi32>
    %reduce_min3A_684 = vector.multi_reduction <minsi>, %select_n3A_682, %reduce_min3A_683 [1] : vector<32x2048xi32> to vector<32xi32>
    %broadcast_in_dim3A_685 = vector.shape_cast %reduce_min3A_684 : vector<32xi32> to vector<32x1xi32>
    %eq3A_686 = vector.broadcast %broadcast_in_dim3A_685 : vector<32x1xi32> to vector<32x2048xi32>
    %eq3A_687 = arith.cmpi eq, %add3A_484, %eq3A_686 : vector<32x2048xi32>
    %jit3A_688 = arith.constant 0xFF800000 : f32
    %broadcast_in_dim3A_689 = vector.broadcast %jit3A_688 : f32 to vector<32x2048xf32>
    %select_n3A_690 = arith.select %eq3A_687, %broadcast_in_dim3A_689, %select_n3A_674 : vector<32x2048xi1>, vector<32x2048xf32>
    %reduce_max3A_691 = arith.constant dense<0xFF800000> : vector<32xf32>
    %reduce_max3A_692 = vector.multi_reduction <maximumf>, %select_n3A_690, %reduce_max3A_691 [1] : vector<32x2048xf32> to vector<32xf32>
    %broadcast_in_dim3A_693 = vector.shape_cast %reduce_max3A_692 : vector<32xf32> to vector<32x1xf32>
    %eq3A_694 = vector.broadcast %broadcast_in_dim3A_693 : vector<32x1xf32> to vector<32x2048xf32>
    %eq3A_695 = arith.cmpf oeq, %select_n3A_690, %eq3A_694 : vector<32x2048xf32>
    %jit3A_696 = arith.constant 1073741824 : i32
    %broadcast_in_dim3A_697 = vector.broadcast %jit3A_696 : i32 to vector<32x2048xi32>
    %select_n3A_698 = arith.select %eq3A_695, %add3A_484, %broadcast_in_dim3A_697 : vector<32x2048xi1>, vector<32x2048xi32>
    %reduce_min3A_699 = arith.constant dense<2147483647> : vector<32xi32>
    %reduce_min3A_700 = vector.multi_reduction <minsi>, %select_n3A_698, %reduce_min3A_699 [1] : vector<32x2048xi32> to vector<32xi32>
    %broadcast_in_dim3A_701 = vector.shape_cast %reduce_min3A_700 : vector<32xi32> to vector<32x1xi32>
    %eq3A_702 = vector.broadcast %broadcast_in_dim3A_701 : vector<32x1xi32> to vector<32x2048xi32>
    %eq3A_703 = arith.cmpi eq, %add3A_484, %eq3A_702 : vector<32x2048xi32>
    %jit3A_704 = arith.constant 0xFF800000 : f32
    %broadcast_in_dim3A_705 = vector.broadcast %jit3A_704 : f32 to vector<32x2048xf32>
    %select_n3A_706 = arith.select %eq3A_703, %broadcast_in_dim3A_705, %select_n3A_690 : vector<32x2048xi1>, vector<32x2048xf32>
    %reduce_max3A_707 = arith.constant dense<0xFF800000> : vector<32xf32>
    %reduce_max3A_708 = vector.multi_reduction <maximumf>, %select_n3A_706, %reduce_max3A_707 [1] : vector<32x2048xf32> to vector<32xf32>
    %broadcast_in_dim3A_709 = vector.shape_cast %reduce_max3A_708 : vector<32xf32> to vector<32x1xf32>
    %eq3A_710 = vector.broadcast %broadcast_in_dim3A_709 : vector<32x1xf32> to vector<32x2048xf32>
    %eq3A_711 = arith.cmpf oeq, %select_n3A_706, %eq3A_710 : vector<32x2048xf32>
    %jit3A_712 = arith.constant 1073741824 : i32
    %broadcast_in_dim3A_713 = vector.broadcast %jit3A_712 : i32 to vector<32x2048xi32>
    %select_n3A_714 = arith.select %eq3A_711, %add3A_484, %broadcast_in_dim3A_713 : vector<32x2048xi1>, vector<32x2048xi32>
    %reduce_min3A_715 = arith.constant dense<2147483647> : vector<32xi32>
    %reduce_min3A_716 = vector.multi_reduction <minsi>, %select_n3A_714, %reduce_min3A_715 [1] : vector<32x2048xi32> to vector<32xi32>
    %broadcast_in_dim3A_717 = vector.shape_cast %reduce_min3A_716 : vector<32xi32> to vector<32x1xi32>
    %eq3A_718 = vector.broadcast %broadcast_in_dim3A_717 : vector<32x1xi32> to vector<32x2048xi32>
    %eq3A_719 = arith.cmpi eq, %add3A_484, %eq3A_718 : vector<32x2048xi32>
    %jit3A_720 = arith.constant 0xFF800000 : f32
    %broadcast_in_dim3A_721 = vector.broadcast %jit3A_720 : f32 to vector<32x2048xf32>
    %select_n3A_722 = arith.select %eq3A_719, %broadcast_in_dim3A_721, %select_n3A_706 : vector<32x2048xi1>, vector<32x2048xf32>
    %reduce_max3A_723 = arith.constant dense<0xFF800000> : vector<32xf32>
    %reduce_max3A_724 = vector.multi_reduction <maximumf>, %select_n3A_722, %reduce_max3A_723 [1] : vector<32x2048xf32> to vector<32xf32>
    %broadcast_in_dim3A_725 = vector.shape_cast %reduce_max3A_724 : vector<32xf32> to vector<32x1xf32>
    %eq3A_726 = vector.broadcast %broadcast_in_dim3A_725 : vector<32x1xf32> to vector<32x2048xf32>
    %eq3A_727 = arith.cmpf oeq, %select_n3A_722, %eq3A_726 : vector<32x2048xf32>
    %jit3A_728 = arith.constant 1073741824 : i32
    %broadcast_in_dim3A_729 = vector.broadcast %jit3A_728 : i32 to vector<32x2048xi32>
    %select_n3A_730 = arith.select %eq3A_727, %add3A_484, %broadcast_in_dim3A_729 : vector<32x2048xi1>, vector<32x2048xi32>
    %reduce_min3A_731 = arith.constant dense<2147483647> : vector<32xi32>
    %reduce_min3A_732 = vector.multi_reduction <minsi>, %select_n3A_730, %reduce_min3A_731 [1] : vector<32x2048xi32> to vector<32xi32>
    %broadcast_in_dim3A_733 = vector.shape_cast %reduce_min3A_732 : vector<32xi32> to vector<32x1xi32>
    %concatenate3A = tpu.concatenate %broadcast_in_dim3A_486, %broadcast_in_dim3A_501, %broadcast_in_dim3A_517, %broadcast_in_dim3A_533, %broadcast_in_dim3A_549, %broadcast_in_dim3A_565, %broadcast_in_dim3A_581, %broadcast_in_dim3A_597, %broadcast_in_dim3A_613, %broadcast_in_dim3A_629, %broadcast_in_dim3A_645, %broadcast_in_dim3A_661, %broadcast_in_dim3A_677, %broadcast_in_dim3A_693, %broadcast_in_dim3A_709, %broadcast_in_dim3A_725 in 1 : vector<32x1xf32>, vector<32x1xf32>, vector<32x1xf32>, vector<32x1xf32>, vector<32x1xf32>, vector<32x1xf32>, vector<32x1xf32>, vector<32x1xf32>, vector<32x1xf32>, vector<32x1xf32>, vector<32x1xf32>, vector<32x1xf32>, vector<32x1xf32>, vector<32x1xf32>, vector<32x1xf32>, vector<32x1xf32> -> vector<32x16xf32>
    %concatenate3A_734 = tpu.concatenate %broadcast_in_dim3A_493, %broadcast_in_dim3A_509, %broadcast_in_dim3A_525, %broadcast_in_dim3A_541, %broadcast_in_dim3A_557, %broadcast_in_dim3A_573, %broadcast_in_dim3A_589, %broadcast_in_dim3A_605, %broadcast_in_dim3A_621, %broadcast_in_dim3A_637, %broadcast_in_dim3A_653, %broadcast_in_dim3A_669, %broadcast_in_dim3A_685, %broadcast_in_dim3A_701, %broadcast_in_dim3A_717, %broadcast_in_dim3A_733 in 1 : vector<32x1xi32>, vector<32x1xi32>, vector<32x1xi32>, vector<32x1xi32>, vector<32x1xi32>, vector<32x1xi32>, vector<32x1xi32>, vector<32x1xi32>, vector<32x1xi32>, vector<32x1xi32>, vector<32x1xi32>, vector<32x1xi32>, vector<32x1xi32>, vector<32x1xi32>, vector<32x1xi32>, vector<32x1xi32> -> vector<32x16xi32>
    %get3A_735 = arith.constant 0 : index
    %get3A_736 = memref.load %arg4[%get3A_735] : memref<1xi32, #tpu.memory_space<smem>>
    %sub3A = arith.constant 16 : i32
    %sub3A_737 = arith.subi %get3A_736, %sub3A : i32
    %add3A_738 = vector.broadcast %sub3A_737 : i32 to vector<32x16xi32>
    %add3A_739 = arith.addi %concatenate3A_734, %add3A_738 : vector<32x16xi32>
    %broadcast_in_dim3A_740 = arith.constant 0.000000e+00 : f32
    %broadcast_in_dim3A_741 = vector.broadcast %broadcast_in_dim3A_740 : f32 to vector<32x112xf32>
    %concatenate3A_742 = tpu.concatenate %concatenate3A, %broadcast_in_dim3A_741 in 1 : vector<32x16xf32>, vector<32x112xf32> -> vector<32x128xf32>
    %swap3A = arith.constant 0 : index
    %swap3A_743 = arith.constant 0 : index
    %swap3A_744 = vector.load %arg5[%swap3A, %swap3A_743] : memref<32x128xf32, #tpu.memory_space<vmem>>, vector<32x128xf32>
    tpu.vector_store %arg5[%swap3A, %swap3A_743], %concatenate3A_742 {strides = array<i32>} : memref<32x128xf32, #tpu.memory_space<vmem>>, vector<32x128xf32>,
    %broadcast_in_dim3A_745 = arith.constant 0 : i32
    %broadcast_in_dim3A_746 = vector.broadcast %broadcast_in_dim3A_745 : i32 to vector<32x112xi32>
    %concatenate3A_747 = tpu.concatenate %add3A_739, %broadcast_in_dim3A_746 in 1 : vector<32x16xi32>, vector<32x112xi32> -> vector<32x128xi32>
    %swap3A_748 = arith.constant 0 : index
    %swap3A_749 = arith.constant 0 : index
    %swap3A_750 = vector.load %arg6[%swap3A_748, %swap3A_749] : memref<32x128xi32, #tpu.memory_space<vmem>>, vector<32x128xi32>
    tpu.vector_store %arg6[%swap3A_748, %swap3A_749], %concatenate3A_747 {strides = array<i32>} : memref<32x128xi32, #tpu.memory_space<vmem>>, vector<32x128xi32>,
    return
  }
  func.func @transform_1(%arg0: i32, %arg1: memref<512xi32, #tpu.memory_space<smem>>) -> (i32, i32) {
    %c0_i32 = arith.constant 0 : i32
    %c0_i32_0 = arith.constant 0 : i32
    %c0_i32_1 = arith.constant 0 : i32
    return %c0_i32, %c0_i32_0 : i32, i32
  }
  func.func @transform_2(%arg0: i32, %arg1: memref<512xi32, #tpu.memory_space<smem>>) -> i32 {
    %c0_i32 = arith.constant 0 : i32
    %c0_i32_0 = arith.constant 0 : i32
    return %c0_i32 : i32
  }
  func.func @transform_3(%arg0: i32, %arg1: memref<512xi32, #tpu.memory_space<smem>>) -> (i32, i32) {
    %c0_i32 = arith.constant 0 : i32
    %c0_i32_0 = arith.constant 0 : i32
    %c0_i32_1 = arith.constant 0 : i32
    return %c0_i32, %c0_i32_0 : i32, i32
  }
  func.func @transform_4(%arg0: i32, %arg1: memref<512xi32, #tpu.memory_space<smem>>) -> (i32, i32) {
    %c0_i32 = arith.constant 0 : i32
    %c0_i32_0 = arith.constant 0 : i32
    %c0_i32_1 = arith.constant 0 : i32
    return %c0_i32, %c0_i32_0 : i32, i32
  }
}

</mosaic_0001>

<sc_bundles>
// kernel: kernel.5.cloned.1.call-start
scs
__scs_entry_jumppad:
0x0: {  	(pc) =	sbr.rel $0x88, $3  }
0x1: {  	(tag) =	ssettag $0x0;
	lr =	simm.s32 $0x1  }
0x2: {  	[smem:$0x3F9A] =	sst lr;
	_ =	strace $0xD0000000  }
0x3: {  	_ = 	snop  }
0x4: {  	_ = 	snop  }
0x5: {  	_ = 	snop  }
0x6: {  	_ = 	snop  }
0x7: {  	_ = 	snop  }
__scs_overlays_trampoline_lowered:
0x8: {  	[smem:$0x3FA9] =	sst s0  }
0x9: {  	[smem:$0x3FAA] =	sst s1  }
0xa: {  	[smem:$0x3FAB] =	sst s2  }
0xb: {  	[smem:$0x3FAC] =	sst s3  }
0xc: {  	[smem:$0x3FAD] =	sst s4  }
0xd: {  	[smem:$0x3FAE] =	sst s5  }
0xe: {  	[smem:$0x3FAF] =	sst s6  }
0xf: {  	[smem:$0x3FB0] =	sst s7  }
0x10: {  	[smem:$0x3FB1] =	sst s8  }
0x11: {  	[smem:$0x3FB2] =	sst s9;
	s0 =	simm.s32 @!p0 $0x0  }
0x12: {  	s1 =	sld [smem:$0x3F98];
	s0 =	simm.s32 @p0 $0x1  }
0x13: {  	[smem:$0x3FB3] =	sst s0;
	s0 =	simm.s32 @!p1 $0x0  }
0x14: {  	s2 =	sld [smem:$0x3F97];
	s0 =	simm.s32 @p1 $0x1  }
0x15: {  	[smem:$0x3FB4] =	sst s0;
	s0 =	simm.s32 @!p2 $0x0  }
0x16: {  	s3 =	sld [smem:$0x3FDB];
	s0 =	simm.s32 @p2 $0x1  }
0x17: {  	s4 =	simm.s32 $0x1BF5;
	[smem:$0x3FB6] =	sst s0  }
0x18: {  	s0 =	sld [smem:$0x3F99];
	_ =	swait.ge [sflag:s4], $0x0  }
0x19: {  	s7 =	sld [smem:$0x3F9A]  }
0x1a: {  	s8 =	sadd.s32 $0xFFFFE003, lr  }
0x1b: {  	s9 =	sadd.s32 $0xFFFFFEF7, lr;
	s5 =	simm.s32 $0xFFFFFFFF;
	p2 =	slt.u32 s8, $0xFFFFF086  }
0x1c: {  	p1 =	slt.u32 s9, $0xF7A;
	s5 =	simm.s32 @!p2 $0x0  }
0x1d: {  	s5 =	simm.s32 @p1 $0x1;
	p0 =	seq.s32 s7, s2  }
0x1e: {  	s7 =	smul.u32 @!p0 $0xF7A, s2;
	p2 =	seq.s32 @!p0 s5, $0x0  }
0x1f: {  	s9 =	smul.u32 $0xF7A, s1;
	s8 =	simm.s32 @!p0 $0x1BF5;
	p2 =	por !p2, p0  }
0x20: {  	[sflag:s8] =	ssyncset.s32 @!p0 $0xFFFFF086;
	s6 =	sadd.s32 @!p0 s3, s7;
	s7 =	simm.s32 @!p0 $0x108  }
0x21: {  	s3 =	sadd.s32 s3, s9;
	s6 =	sadd.s32 @!p0 $0x88, s6;
	s7 =	simm.s32 @p2 $0x1082  }
0x22: {  	[simem:s7], [sflag:s8] =	dma.local @!p0 [hbm:s6], $0xF7A  }
0x23: {  	s9 =	sor.u32 $0xD0000000, s2;
	s6 =	simm.s32 $0x108;
	_ =	swait.ge @!p0 [sflag:s8], $0x0  }
0x24: {  	s3 =	sadd.s32 $0x88, s3;
	s6 =	simm.s32 @!p1 $0x1082;
	[sflag:s4] =	ssyncset.s32 $0xFFFFF086  }
0x25: {  	[simem:s6], [sflag:s4] =	dma.local [hbm:s3], $0xF7A  }
0x26: {  	[smem:$0x3F9A] =	sst s1;
	(tag) =	ssettag s2;
	_ =	strace s9  }
0x27: {  	s1 =	sld [smem:$0x3FAA]  }
0x28: {  	s2 =	sld [smem:$0x3FAB]  }
0x29: {  	s4 =	sld [smem:$0x3FAD]  }
0x2a: {  	p0 =	seq.s32 s5, $0x0;
	s5 =	sld [smem:$0x3FAE]  }
0x2b: {  	s6 =	sld [smem:$0x3FAF]  }
0x2c: {  	s7 =	sld [smem:$0x3FB0]  }
0x2d: {  	s3 =	simm.s32 $0x108;
	s8 =	sld [smem:$0x3FB1]  }
0x2e: {  	s3 =	simm.s32 @!p0 $0x1082;
	s9 =	sld [smem:$0x3FB2]  }
0x2f: {  	lr =	sadd.s32 s0, s3;
	s0 =	sld [smem:$0x3FA9]  }
0x30: {  	s3 =	sld [smem:$0x3FAC]  }
0x31: {  	[smem:$0x3FB5] =	sst s10  }
0x32: {  	s10 =	sld [smem:$0x3FB3];
	_ =	sdelay $0x3  }
0x33: {  	p0 =	seq.s32 s10, $0x1;
	s10 =	sld [smem:$0x3FB5];
	_ =	sdelay $0x3  }
0x34: {  	[smem:$0x3FB5] =	sst s10  }
0x35: {  	s10 =	sld [smem:$0x3FB4];
	_ =	sdelay $0x3  }
0x36: {  	p1 =	seq.s32 s10, $0x1;
	s10 =	sld [smem:$0x3FB5];
	_ =	sdelay $0x3  }
0x37: {  	[smem:$0x3FB5] =	sst s10  }
0x38: {  	s10 =	sld [smem:$0x3FB6]  }
0x39: {  	_ = 	snop;
	(pc) =	sbr.ind lr, $3  }
0x3a: {  	_ = 	snop  }
0x3b: {  	_ = 	snop  }
0x3c: {  	p2 =	seq.s32 s10, $0x1;
	s10 =	sld [smem:$0x3FB5]  }
0x3d: {  	_ =	shalt  }
0x3e: {  	_ =	shalt  }
0x3f: {  	_ =	shalt  }
0x40: {  	_ =	shalt  }
0x41: {  	_ =	shalt  }
0x42: {  	_ =	shalt  }
0x43: {  	_ =	shalt  }
0x44: {  	_ =	shalt  }
0x45: {  	_ =	shalt  }
0x46: {  	_ =	shalt  }
0x47: {  	_ =	shalt  }
0x48: {  	_ =	shalt  }
0x49: {  	_ =	shalt  }
0x4a: {  	_ =	shalt  }
0x4b: {  	_ =	shalt  }
0x4c: {  	_ =	shalt  }
0x4d: {  	_ =	shalt  }
0x4e: {  	_ =	shalt  }
0x4f: {  	_ =	shalt  }
0x50: {  	_ =	shalt  }
0x51: {  	_ =	shalt  }
0x52: {  	_ =	shalt  }
0x53: {  	_ =	shalt  }
0x54: {  	_ =	shalt  }
0x55: {  	_ =	shalt  }
0x56: {  	_ =	shalt  }
0x57: {  	_ =	shalt  }
0x58: {  	_ =	shalt  }
0x59: {  	_ =	shalt  }
0x5a: {  	_ =	shalt  }
0x5b: {  	_ =	shalt  }
0x5c: {  	_ =	shalt  }
0x5d: {  	_ =	shalt  }
0x5e: {  	_ =	shalt  }
0x5f: {  	_ =	shalt  }
0x60: {  	_ =	shalt  }
0x61: {  	_ =	shalt  }
0x62: {  	_ =	shalt  }
0x63: {  	_ =	shalt  }
0x64: {  	_ =	shalt  }
0x65: {  	_ =	shalt  }
0x66: {  	_ =	shalt  }
0x67: {  	_ =	shalt  }
0x68: {  	_ =	shalt  }
0x69: {  	_ =	shalt  }
0x6a: {  	_ =	shalt  }
0x6b: {  	_ =	shalt  }
0x6c: {  	_ =	shalt  }
0x6d: {  	_ =	shalt  }
0x6e: {  	_ =	shalt  }
0x6f: {  	_ =	shalt  }
0x70: {  	_ =	shalt  }
0x71: {  	_ =	shalt  }
0x72: {  	_ =	shalt  }
0x73: {  	_ =	shalt  }
0x74: {  	_ =	shalt  }
0x75: {  	_ =	shalt  }
0x76: {  	_ =	shalt  }
0x77: {  	_ =	shalt  }
0x78: {  	_ =	shalt  }
0x79: {  	_ =	shalt  }
0x7a: {  	_ =	shalt  }
0x7b: {  	_ =	shalt  }
0x7c: {  	_ =	shalt  }
0x7d: {  	_ =	shalt  }
0x7e: {  	_ =	shalt  }
0x7f: {  	_ =	shalt  }
0x80: {  	_ =	shalt  }
0x81: {  	_ =	shalt  }
0x82: {  	_ =	shalt  }
0x83: {  	_ =	shalt  }
0x84: {  	_ =	shalt  }
0x85: {  	_ =	shalt  }
0x86: {  	_ =	shalt  }
0x87: {  	_ =	shalt  }
.Lfunc_end0:
.L_simem_size_0:
called_computation_lowered:
.L_overlay_start_0:
0x88: {  	s2 =	sld [smem:$0x3FD9]  }
0x89: {  	s3 =	sld [smem:$0x3FFE];
	_ =	sdelay $0x1  }
0x8a: {  	s1 =	srdreg.scid  }
0x8b: {  	s0 =	sand.u32 $0x1, s1  }
0x8c: {  	s14 =	sshll.u32 s0, $0xA;
	s2 =	sadd.s32 s3, s2  }
0x8d: {  	s2 =	sadd.s32 s2, s14  }
0x8e: {  	[smem:$0x3FC1] =	sst s2  }
0x8f: {  	_ = 	snop  }
0x90: {  	s2 =	sld [smem:$0x3FD0];
	_ =	sdelay $0x2  }
0x91: {  	s4 =	simm.s32 $0xA;
	s5 =	simm.s32 $0x10;
	s15 =	sld [smem:$0x3FC8]  }
0x92: {  	[smem:s5], [sflag:s4] =	dma.local [hbm:s2], $0x1  }
0x93: {  	_ =	swait.eq [sflag:s4], $0x1  }
0x94: {  	[sflag:s4] =	ssyncset.done $0x0  }
0x95: {  	[sflag:s4] =	ssyncadd.s32 $0xFFFFFFFF  }
0x96: {  	s16 =	sld [smem:$0x12];
	(tm) =	ssettm $0x1  }
0x97: {  	s17 =	sld [smem:$0x3FFB];
	_ =	sdelay $0x3  }
0x98: {  	_ =	strace s17  }
0x99: {  	s4 =	sld [smem:$0x3FFC];
	_ =	sdelay $0x3  }
0x9a: {  	_ =	strace s4  }
0x9b: {  	s4 =	sld [smem:$0x3FFD];
	_ =	sdelay $0x3  }
0x9c: {  	_ =	strace s4  }
0x9d: {  	_ =	strace $0x8FFFFFFF  }
0x9e: {  	s18 =	sld [smem:$0x3FDB];
	_ =	sdelay $0x1  }
0x9f: {  	s19 =	simm.s32 $_scs_section_size  }
0xa0: {  	s6 =	simm.s32 $_size__tile_overlayer_lowered;
	s7 =	simm.s32 $_tile_overlayer_lowered  }
0xa1: {  	s22 =	simm.s32 $0x1BFF;
	s21 =	sshll.u32 s7, $0x1;
	s4 =	sadd.s32 s19, s18  }
0xa2: {  	s8 =	simm.s32 $0x0;
	s20 =	sshll.u32 s6, $0x1;
	s6 =	sadd.s32 s21, s4  }
0xa3: {  	[timem:s8], [sflag:s22] =	dma.local [hbm:s6], s20  }
0xa4: {  	_ =	swait.ge [sflag:s22], s20  }
0xa5: {  	s5 =	ssub.s32 $0x0, s20;
	[sflag:s22] =	ssyncset.done $0x0  }
0xa6: {  	[sflag:s22] =	ssyncadd.s32 s5;
	_ =	sdelay $0x1  }
0xa7: {  	s23 =	simm.s32 $0x1B8B  }
0xa8: {  	_ =	swait.ge [sflag:s23], $0x1  }
0xa9: {  	[sflag:s23] =	ssyncset.done $0x0  }
0xaa: {  	s25 =	simm.s32 $0x1B8E;
	s24 =	sld [smem:$0x3FFE];
	[sflag:s23] =	ssyncadd.s32 $0xFFFFFFFF  }
0xab: {  	s26 =	simm.s32 $execute0_lowered;
	[smem:$0x3FD2] =	sst s25  }
0xac: {  	s6 =	sshll.u32 s26, $0x1;
	_ =	strace $0x80000046;
	[dreg:$0x1] =	wrdreg $0xFFFFFFFF  }
0xad: {  	s28 =	simm.s32 $_size_execute0_lowered;
	s4 =	sadd.s32 s4, s6;
	[dreg:$0x0] =	wrdreg $0x0  }
0xae: {  	s6 =	sshll.u32 s28, $0x1;
	[dreg:$0x2] =	wrdreg s4  }
0xaf: {  	[dreg:$0x3] =	wrdreg s6  }
0xb0: {  	[dreg:$0x4] =	wrdreg $0xC0  }
0xb1: {  	_ =	task [dreg:s8], $0x5FFFF  }
0xb2: {  	[dreg:$0x1] =	wrdreg $0xFFFFFFFF  }
0xb3: {  	[dreg:$0x0] =	wrdreg $0x60  }
0xb4: {  	[dreg:$0x2] =	wrdreg s15  }
0xb5: {  	[dreg:$0x3] =	wrdreg s24  }
0xb6: {  	[dreg:$0x4] =	wrdreg s16  }
0xb7: {  	[dreg:$0x5] =	wrdreg $0x9  }
0xb8: {  	_ =	task.clear_ibuf [dreg:s8], $0x6FFFF;
	_ =	strace $0x90000046  }
0xb9: {  	s29 =	simm.s32 $0x9;
	_ =	strace $0x80000048  }
0xba: {  	_ =	swait.ge [sflag:s29], $0x1  }
0xbb: {  	[sflag:s29] =	ssyncadd.s32 $0xFFFFFFFF  }
0xbc: {  	_ =	strace $0x90000048  }
0xbd: {  	_ =	sfence  }
0xbe: {  	s30 =	sld [smem:$0x0];
	_ =	sdelay $0x2  }
0xbf: {  	s31 =	sshll.u32 s1, $0xD;
	s1 =	sshrl.u32 s1, $0x2  }
0xc0: {  	s3 =	sand.u32 $0x4000, s31;
	s1 =	sadd.s32 s1, s30  }
0xc1: {  	s0 =	sor.u32 s3, s0;
	s1 =	sshll.u32 s1, $0x11  }
0xc2: {  	s0 =	sor.u32 s1, s0  }
0xc3: {  	s0 =	sadd.s32 $0x8F2B, s0  }
0xc4: {  	[sflag:s0] =	ssyncadd.remote.s32 $0x1  }
0xc5: {  	_ =	sfence.sel $0xFFFF  }
0xc6: {  	[dreg:$0x0] =	wrdreg $0xFFFFFFFF;
	(pc) =	sbr.abs _section_cstart, $3  }
0xc7: {  	[dreg:$0x1] =	wrdreg $0xFFFFFFFF  }
0xc8: {  	_ =	task.clear_ibuf [dreg:s8], $0x2FFFF;
	_ =	strace $0x9FFFFFFF  }
0xc9: {  	(tm) =	ssettm $0x7FFFFFFF  }
tec
execute0_lowered:
.L_overlay_start_1:
0x0: {  	(tag) =	ssettag $0x1  }
0x1: {  	s2 =	srdreg.scid  }
0x2: {  	s1 =	rddreg [dreg:$0x0];
	s0 =	stileid.u32;
	s6 =	sand.u32 $0x1, s2  }
0x3: {  	s4 =	rddreg [dreg:$0x1];
	s30 =	sshll.u32 s0, $0x5;
	s3 =	sshll.u32 s6, $0x4  }
0x4: {  	s9 =	rddreg [dreg:$0x2];
	s10 =	sor.u32 s3, s30  }
0x5: {  	s2 =	rddreg [dreg:$0x3];
	s3 =	simm.s32 $0x0;
	s5 =	sshrl.u32 s10, $0x3  }
0x6: {  	s11 =	ssub.s32 $0x2, s6;
	[smem:$0x7FF] =	sst s3;
	s4 =	sadd.s32 s5, s4  }
0x7: {  	_ =	strace $0x80000047;
	s5 =	sadd.s32 $0x1000, s4;
	s4 =	simm.s32 $0x2  }
0x8: {  	[tilespmem:s3], [sflag:$0x2] =	stream.linear.gather [hbm4b:s5+s3], $0x10, $0x38;
	[tilespmem:$0x880] =	vst v63  }
0x9: {  	s7 =	simm.s32 $0x80;
	s12 =	sshrl.u32 s11, $0x1;
	_ =	swait.ge [sflag:s4], $0x10  }
0xa: {  	s8 =	simm.s32 $0x1;
	s11 =	ssub.s32 s11, s12;
	[sflag:s4] =	ssyncset.done $0x0  }
0xb: {  	s6 =	simm.s32 $0x10;
	s31 =	smax.u32 s11, $0x1;
	[sflag:s4] =	ssyncadd.s32 $0xFFFFFFF0  }
0xc: {  	[tilespmem:s7], [sflag:$0x1] =	stream.indirect.gather [hbm4b:s1+s6], $0x80, s3, s6, $0xb8;
	[tilespmem:$0x880] =	vst v63  }
0xd: {  	p0 =	sne.s32 s31, $0x1;
	_ =	swait.ge [sflag:s8], $0x800  }
.Ltmp0:
0xe: {  	s10 =	sshll.u32 s10, $0x4;
	[sflag:s8] =	ssyncset.done $0x0;
	(pc) =	sbr.rel @!p0 .LBB2_2-.Ltmp0, $4  }
0xf: {  	s9 =	sadd.s32 s9, s10;
	[sflag:s8] =	ssyncadd.s32 $0xFFFFF800  }
0x10: {  	[hbm4b:s9+s3] =	stream.linear.scatter [tilespmem:s7], [sflag:$0x2], $0x800, $0x38;
	[tilespmem:$0x880] =	vst v63  }
0x11: {  	_ =	swait.ge [sflag:s4], $0x800  }
0x12: {  	s10 =	sadd.s32 $0xFFFFFFFF, s31;
	[sflag:s4] =	ssyncset.done $0x0  }
.LBB2_1:
0x13: {  	p0 =	sne.s32 s10, $0x1;
	s10 =	sadd.s32 $0xFFFFFFFF, s10;
	[sflag:s4] =	ssyncadd.s32 $0xFFFFF800  }
0x14: {  	[tilespmem:s3], [sflag:$0x2] =	stream.linear.gather [hbm4b:s5+s3], $0x10, $0x38;
	[tilespmem:$0x880] =	vst v63  }
0x15: {  	_ =	swait.ge [sflag:s4], $0x10  }
0x16: {  	[sflag:s4] =	ssyncset.done $0x0  }
0x17: {  	[sflag:s4] =	ssyncadd.s32 $0xFFFFFFF0  }
0x18: {  	[tilespmem:s7], [sflag:$0x1] =	stream.indirect.gather [hbm4b:s1+s6], $0x80, s3, s6, $0xb8;
	[tilespmem:$0x880] =	vst v63  }
0x19: {  	_ =	swait.ge [sflag:s8], $0x800  }
.Ltmp1:
0x1a: {  	[sflag:s8] =	ssyncset.done $0x0;
	(pc) =	sbr.rel @p0 .LBB2_1-.Ltmp1, $4  }
0x1b: {  	[sflag:s8] =	ssyncadd.s32 $0xFFFFF800  }
0x1c: {  	[hbm4b:s9+s3] =	stream.linear.scatter [tilespmem:s7], [sflag:$0x2], $0x800, $0x38;
	[tilespmem:$0x880] =	vst v63  }
0x1d: {  	_ =	swait.ge [sflag:s4], $0x800  }
0x1e: {  	[sflag:s4] =	ssyncset.done $0x0  }
.LBB2_2:
0x1f: {  	[sflag:s4] =	ssyncadd.s32 $0xFFFFF800  }
0x20: {  	_ =	sfence.sel $0x180000  }
0x21: {  	[bflag:$0x0] =	sbarrier.arrive $0xFFFF  }
0x22: {  	p0 =	sne.s32 s0, $0x0;
	_ =	strace $0x90000047  }
0x23: {  	s0 =	sadd.s32 @!p0 $0x100000, s2;
	[bflag:$0x2] =	sbarrier.arrive $0xFFFF  }
0x24: {  	[sflag:s0] =	ssyncadd.tile.s32 @!p0 $0x1;
	_ =	shalt  }
.Lfunc_end2:
_tile_overlayer_lowered:
.L_overlay_start_2:
0x25: {  	(tag) =	ssettag $0x2  }
0x26: {  	s0 =	rddreg [dreg:$0x0];
	s2 =	stileid.u32  }
0x27: {  	s1 =	rddreg [dreg:$0x1];
	p0 =	sne.s32 s2, $0x0  }
0x28: {  	s3 =	rddreg [dreg:$0x2];
	[bflag:$0x3] =	sbarrier.arrive $0xFFFF;
	s2 =	simm.s32 @!p0 $0x1C02  }
0x29: {  	[timem:s3], [sflag:s2] =	dma.local @!p0 [hbm:s0], s1  }
0x2a: {  	s0 =	simm.s32 @!p0 $0x2  }
0x2b: {  	_ =	swait.ge @!p0 [sflag:s0], s1  }
0x2c: {  	s1 =	ssub.s32 @!p0 $0x0, s1;
	[sflag:s0] =	ssyncset.done @!p0 $0x0  }
0x2d: {  	[sflag:s0] =	ssyncadd.s32 @!p0 s1  }
0x2e: {  	[bflag:$0x3] =	sbarrier.arrive $0xFFFF  }
0x2f: {  	_ =	shalt  }

</sc_bundles>
